<compile_context>
chip_gen: v7x
topology: tpu7x:2x2x1
jax: 0.10.2.dev20260603
libtpu: 0.0.44.dev20260713+nightly
codegen_flags: <defaults>
</compile_context>

<pallas_src>
import functools

import jax
import jax.numpy as jnp
from jax import lax
from jax.experimental import pallas as pl
from jax.experimental.pallas import tpu as pltpu
from jax.experimental.pallas import tpu_sc as plsc

N = 10000
E = 320000
D = 128

NC = 2
NS = 16
NW = NC * NS

EPW = E // NW
EC = 80
CH = EPW // EC
SEC = 5
SCH = CH // SEC

NP = 10240
RPT = NP // NS
RC = EC
NRC = RPT // RC

def _zero_vmem(ref, nrows, ncols):
    def zrow(i, carry):
        for t in range(ncols // 16):
            ref[i, pl.ds(t * 16, 16)] = jnp.zeros((16,), jnp.float32)
        return carry
    lax.fori_loop(0, nrows, zrow, None)



def _deg_body(dst_hbm, out_hbm, dst_v, ones_v, stage_v, deg_s, sem):
    c = lax.axis_index("c")
    s = lax.axis_index("s")
    wid = s * NC + c

    pltpu.sync_copy(dst_hbm.at[wid], dst_v)
    for t in range(EC // 16):
        ones_v[pl.ds(t * 16, 16)] = jnp.full((16,), 1.0, jnp.float32)

    def zrow(i, carry):
        stage_v[pl.ds(i * 16, 16)] = jnp.zeros((16,), jnp.float32)
        return carry
    lax.fori_loop(0, RPT // 16, zrow, None)
    pltpu.sync_copy(stage_v, deg_s.at[pl.ds(s * RPT, RPT)])
    plsc.subcore_barrier()

    def body(j, carry):
        pltpu.async_copy(ones_v, deg_s.at[dst_v.at[j]], sem, add=True)
        return carry
    lax.fori_loop(0, CH, body, None)

    def drain(j, carry):
        pltpu.make_async_copy(ones_v, deg_s.at[dst_v.at[0]], sem).wait()
        return carry
    lax.fori_loop(0, CH, drain, None)
    plsc.subcore_barrier()

    pltpu.sync_copy(deg_s.at[pl.ds(s * RPT, RPT)],
                    out_hbm.at[c, pl.ds(s * RPT, RPT)])


@functools.cache
def _deg_kernel():
    return functools.partial(
        pl.kernel,
        out_type=jax.ShapeDtypeStruct((NC, NP), jnp.float32),
        mesh=plsc.VectorSubcoreMesh(
            core_axis_name="c", subcore_axis_name="s",
            num_cores=NC, num_subcores=NS),
        scratch_types=[
            pltpu.VMEM((CH, EC), jnp.int32),
            pltpu.VMEM((EC,), jnp.float32),
            pltpu.VMEM((RPT,), jnp.float32),
            pltpu.VMEM_SHARED((NP,), jnp.float32),
            pltpu.SemaphoreType.DMA,
        ],
    )(_deg_body)



def _edge_body(h_hbm, src_hbm, dst_hbm, out_hbm,
               src_v, dst_v, rows_a, rows_b, rows_c, acc_s,
               sem_a, sem_b, sem_c):
    c = lax.axis_index("c")
    s = lax.axis_index("s")
    wid = s * NC + c

    row0 = s * RPT

    _zero_vmem(rows_a, RC, D)

    def zcopy(k, carry):
        pltpu.sync_copy(rows_a, acc_s.at[pl.ds(row0 + k * RC, RC)])
        return carry
    lax.fori_loop(0, NRC, zcopy, None)
    plsc.subcore_barrier()

    def gather(j, buf, sem):
        pltpu.async_copy(h_hbm.at[src_v.at[j]], buf, sem)

    def gwait(buf, sem):
        pltpu.make_async_copy(h_hbm.at[src_v.at[0]], buf, sem).wait()

    def scatter(j, buf):
        pltpu.sync_copy(buf, acc_s.at[dst_v.at[j]], add=True)

    def section(sec, carry):
        pltpu.sync_copy(src_hbm.at[wid, sec], src_v)
        pltpu.sync_copy(dst_hbm.at[wid, sec], dst_v)
        gather(0, rows_a, sem_a)
        gather(1, rows_b, sem_b)

        def triple(t, carry):
            gwait(rows_a, sem_a)
            gather(3 * t + 2, rows_c, sem_c)
            scatter(3 * t, rows_a)
            gwait(rows_b, sem_b)
            gather(3 * t + 3, rows_a, sem_a)
            scatter(3 * t + 1, rows_b)
            gwait(rows_c, sem_c)
            gather(3 * t + 4, rows_b, sem_b)
            scatter(3 * t + 2, rows_c)
            return carry
        lax.fori_loop(0, (SCH - 4) // 3, triple, None)
        gwait(rows_a, sem_a)
        gather(SCH - 2, rows_c, sem_c)
        scatter(SCH - 4, rows_a)
        gwait(rows_b, sem_b)
        gather(SCH - 1, rows_a, sem_a)
        scatter(SCH - 3, rows_b)
        gwait(rows_c, sem_c)
        scatter(SCH - 2, rows_c)
        gwait(rows_a, sem_a)
        scatter(SCH - 1, rows_a)
        return carry

    lax.fori_loop(0, SEC, section, None)
    plsc.subcore_barrier()

    pltpu.sync_copy(acc_s.at[pl.ds(row0, RPT)], out_hbm.at[c, pl.ds(row0, RPT)])


@functools.cache
def _edge_kernel():
    return functools.partial(
        pl.kernel,
        out_type=jax.ShapeDtypeStruct((NC, NP, D), jnp.float32),
        mesh=plsc.VectorSubcoreMesh(
            core_axis_name="c", subcore_axis_name="s",
            num_cores=NC, num_subcores=NS),
        scratch_types=[
            pltpu.VMEM((SCH, EC), jnp.int32),
            pltpu.VMEM((SCH, EC), jnp.int32),
            pltpu.VMEM((EC, D), jnp.float32),
            pltpu.VMEM((EC, D), jnp.float32),
            pltpu.VMEM((EC, D), jnp.float32),
            pltpu.VMEM_SHARED((NP, D), jnp.float32),
            pltpu.SemaphoreType.DMA,
            pltpu.SemaphoreType.DMA,
            pltpu.SemaphoreType.DMA,
        ],
    )(_edge_body)



BLK = 5000


def _tc_a_body(x_ref, w_ref, degp_ref, out_ref):
    deg = degp_ref[:, 0:1] + degp_ref[:, 1:2] + 1.0
    dinv = lax.rsqrt(deg)
    h = jnp.dot(x_ref[...], w_ref[...], preferred_element_type=jnp.float32)
    out_ref[...] = h * dinv


def _tc_b_body(acc_ref, hp_ref, degp_ref, b_ref, w_ref, out_ref):
    deg = degp_ref[:, 0:1] + degp_ref[:, 1:2] + 1.0
    dinv = lax.rsqrt(deg)
    z = dinv * (acc_ref[0] + acc_ref[1] + hp_ref[...]) + b_ref[...]
    z = jnp.maximum(z, 0.0)
    h2 = jnp.dot(z, w_ref[...], preferred_element_type=jnp.float32)
    out_ref[...] = h2 * dinv


def _tc_c_body(acc_ref, hp_ref, degp_ref, b_ref, out_ref):
    deg = degp_ref[:, 0:1] + degp_ref[:, 1:2] + 1.0
    dinv = lax.rsqrt(deg)
    out_ref[...] = dinv * (acc_ref[0] + acc_ref[1] + hp_ref[...]) + b_ref[...]


_row_spec = pl.BlockSpec((BLK, D), lambda i: (i, 0))
_acc_spec = pl.BlockSpec((NC, BLK, D), lambda i: (0, i, 0))
_deg_spec = pl.BlockSpec((BLK, 2), lambda i: (i, 0))
_w_spec = pl.BlockSpec((D, D), lambda i: (0, 0))
_b_spec = pl.BlockSpec((1, D), lambda i: (0, 0))

_tc_a = pl.pallas_call(
    _tc_a_body,
    grid=(N // BLK,),
    in_specs=[_row_spec, _w_spec, _deg_spec],
    out_specs=_row_spec,
    out_shape=jax.ShapeDtypeStruct((N, D), jnp.float32),
)

_tc_b = pl.pallas_call(
    _tc_b_body,
    grid=(N // BLK,),
    in_specs=[_acc_spec, _row_spec, _deg_spec, _b_spec, _w_spec],
    out_specs=_row_spec,
    out_shape=jax.ShapeDtypeStruct((N, D), jnp.float32),
)

_tc_c = pl.pallas_call(
    _tc_c_body,
    grid=(N // BLK,),
    in_specs=[_acc_spec, _row_spec, _deg_spec, _b_spec],
    out_specs=_row_spec,
    out_shape=jax.ShapeDtypeStruct((N, D), jnp.float32),
)


def kernel(x, edge_index, W1, b1, W2, b2):
    src = edge_index[0].reshape(NW, SEC, SCH, EC)
    dst = edge_index[1].reshape(NW, SEC, SCH, EC)

    deg_parts = _deg_kernel()(dst.reshape(NW, CH, EC))
    degp = deg_parts[:, :N].T

    h1p = _tc_a(x, W1, degp)
    acc1 = _edge_kernel()(h1p, src, dst)
    h2p = _tc_b(acc1, h1p, degp, b1.reshape(1, D), W2)
    acc2 = _edge_kernel()(h2p, src, dst)
    out = _tc_c(acc2, h2p, degp, b2.reshape(1, D))
    return out

# --- scband reference (transcript-rebuilt; emitter-appended) ---
"""Pipeline reference for scband-hetero-gnn-49692771615165 (READ-ONLY COPY).

The authoritative reference and input builder live on the scoring server;
editing this copy changes nothing except your own understanding.
"""

import jax, jax.numpy as jnp
import numpy as np

N_NODES = 10000
N_EDGES = 320000
D_IN = 128
D_HID = 128


def _gcn_layer(x, edge_index, W, b):
    # GCNConv (Kipf & Welling) with added self-loops and symmetric normalization,
    # matching torch_geometric.nn.GCNConv defaults.
    n = x.shape[0]
    loop = jnp.arange(n, dtype=edge_index.dtype)
    src = jnp.concatenate([edge_index[0], loop])
    dst = jnp.concatenate([edge_index[1], loop])
    deg = jnp.zeros((n,), dtype=x.dtype).at[dst].add(1.0)
    deg_inv_sqrt = jnp.where(deg > 0, jax.lax.rsqrt(deg), 0.0)
    norm = deg_inv_sqrt[src] * deg_inv_sqrt[dst]
    h = x @ W
    msg = h[src] * norm[:, None]
    out = jnp.zeros((n, W.shape[1]), dtype=x.dtype).at[dst].add(msg)
    return out + b


def setup_inputs(seed: int = 0) -> dict:
    key = jax.random.key(seed)
    ks = jax.random.split(key, 6)
    x = jax.random.normal(ks[0], (N_NODES, D_IN), dtype=jnp.float32)
    edge_index = jax.random.randint(ks[1], (2, N_EDGES), 0, N_NODES, dtype=jnp.int32)
    s1 = 1.0 / np.sqrt(D_IN)
    s2 = 1.0 / np.sqrt(D_HID)
    W1 = jax.random.uniform(ks[2], (D_IN, D_HID), dtype=jnp.float32, minval=-s1, maxval=s1)
    b1 = jnp.zeros((D_HID,), dtype=jnp.float32)
    W2 = jax.random.uniform(ks[3], (D_HID, D_IN), dtype=jnp.float32, minval=-s2, maxval=s2)
    b2 = jnp.zeros((D_IN,), dtype=jnp.float32)
    return {"x": x, "edge_index": edge_index, "W1": W1, "b1": b1, "W2": W2, "b2": b2}


def reference(x, edge_index, W1, b1, W2, b2):
    # HeteroConv with a single ('asset','correlates_with','asset') relation and aggr='sum'
    # reduces to a single GCNConv per layer on the 'asset' node type.
    h = _gcn_layer(x, edge_index, W1, b1)
    h = jax.nn.relu(h)
    out = _gcn_layer(h, edge_index, W2, b2)
    return out

if __name__ == "__main__":
    import jax
    _d = setup_inputs()
    print(jax.jit(kernel)(*tuple(_d.values())))

</pallas_src>

<mosaic_0001>
#map = affine_map<(d0, d1) -> (0, 0)>
#map1 = affine_map<(d0, d1) -> (0, 0, 0, 0)>
#map2 = affine_map<(d0, d1) -> (0, 0, 0)>
module attributes {stable_mosaic.version = 14 : i64} {
  func.func @_edge_body(%arg0: i32, %arg1: i32, %arg2: memref<10000x128xf32, #tpu.memory_space<hbm>>, %arg3: memref<32x5x25x80xi32, #tpu.memory_space<hbm>>, %arg4: memref<32x5x25x80xi32, #tpu.memory_space<hbm>>, %arg5: memref<2x10240x128xf32, #tpu.memory_space<hbm>>, %arg6: memref<25x80xi32, #tpu.memory_space<vmem>>, %arg7: memref<25x80xi32, #tpu.memory_space<vmem>>, %arg8: memref<80x128xf32, #tpu.memory_space<vmem>>, %arg9: memref<80x128xf32, #tpu.memory_space<vmem>>, %arg10: memref<80x128xf32, #tpu.memory_space<vmem>>, %arg11: memref<10240x128xf32, #tpu.memory_space<vmem_shared>>, %arg12: memref<!tpu.dma_semaphore, #tpu.memory_space<semaphore_mem>>, %arg13: memref<!tpu.dma_semaphore, #tpu.memory_space<semaphore_mem>>, %arg14: memref<!tpu.dma_semaphore, #tpu.memory_space<semaphore_mem>>) attributes {dimension_semantics = [#tpu.dimension_semantics<core_parallel>, #tpu.dimension_semantics<subcore_parallel>], iteration_bounds = array<i64: 2, 16>, scalar_prefetch = 0 : i64, scratch_operands = 9 : i64, tpu.core_type = #tpu.core_type<sc_vector_subcore>, window_params = [{transform_indices = #map}, {transform_indices = #map1}, {transform_indices = #map1}, {transform_indices = #map2}]} {
    %mul3A = arith.constant 2 : i32
    %mul3A_0 = arith.muli %arg1, %mul3A : i32
    %add3A = arith.addi %mul3A_0, %arg0 : i32
    %mul3A_1 = arith.constant 640 : i32
    %mul3A_2 = arith.muli %arg1, %mul3A_1 : i32
    %scan3A = arith.constant 0 : i32
    %scan3A_3 = arith.constant 80 : i32
    %scan3A_4 = arith.addi %scan3A, %scan3A_3 : i32
    %scan3A_5 = arith.constant 1 : i32
    scf.for %scan3A_18 = %scan3A to %scan3A_4 step %scan3A_5  : i32 {
      %broadcast_in_dim3A = arith.constant 0.000000e+00 : f32
      %broadcast_in_dim3A_19 = vector.broadcast %broadcast_in_dim3A : f32 to vector<16xf32>
      %swap3A = arith.index_cast %scan3A_18 : i32 to index
      %swap3A_20 = arith.constant 0 : index
      %swap3A_21 = tpu.vector_load %arg8[%swap3A, %swap3A_20] {strides = array<i32>} : memref<80x128xf32, #tpu.memory_space<vmem>>, vector<1x16xf32>,
      %swap3A_22 = vector.shape_cast %swap3A_21 : vector<1x16xf32> to vector<16xf32>
      %swap3A_23 = vector.shape_cast %broadcast_in_dim3A_19 : vector<16xf32> to vector<1x16xf32>
      tpu.vector_store %arg8[%swap3A, %swap3A_20], %swap3A_23 {strides = array<i32>} : memref<80x128xf32, #tpu.memory_space<vmem>>, vector<1x16xf32>,
      %broadcast_in_dim3A_24 = arith.constant 0.000000e+00 : f32
      %broadcast_in_dim3A_25 = vector.broadcast %broadcast_in_dim3A_24 : f32 to vector<16xf32>
      %swap3A_26 = arith.index_cast %scan3A_18 : i32 to index
      %swap3A_27 = arith.constant 16 : index
      %swap3A_28 = tpu.vector_load %arg8[%swap3A_26, %swap3A_27] {strides = array<i32>} : memref<80x128xf32, #tpu.memory_space<vmem>>, vector<1x16xf32>,
      %swap3A_29 = vector.shape_cast %swap3A_28 : vector<1x16xf32> to vector<16xf32>
      %swap3A_30 = vector.shape_cast %broadcast_in_dim3A_25 : vector<16xf32> to vector<1x16xf32>
      tpu.vector_store %arg8[%swap3A_26, %swap3A_27], %swap3A_30 {strides = array<i32>} : memref<80x128xf32, #tpu.memory_space<vmem>>, vector<1x16xf32>,
      %broadcast_in_dim3A_31 = arith.constant 0.000000e+00 : f32
      %broadcast_in_dim3A_32 = vector.broadcast %broadcast_in_dim3A_31 : f32 to vector<16xf32>
      %swap3A_33 = arith.index_cast %scan3A_18 : i32 to index
      %swap3A_34 = arith.constant 32 : index
      %swap3A_35 = tpu.vector_load %arg8[%swap3A_33, %swap3A_34] {strides = array<i32>} : memref<80x128xf32, #tpu.memory_space<vmem>>, vector<1x16xf32>,
      %swap3A_36 = vector.shape_cast %swap3A_35 : vector<1x16xf32> to vector<16xf32>
      %swap3A_37 = vector.shape_cast %broadcast_in_dim3A_32 : vector<16xf32> to vector<1x16xf32>
      tpu.vector_store %arg8[%swap3A_33, %swap3A_34], %swap3A_37 {strides = array<i32>} : memref<80x128xf32, #tpu.memory_space<vmem>>, vector<1x16xf32>,
      %broadcast_in_dim3A_38 = arith.constant 0.000000e+00 : f32
      %broadcast_in_dim3A_39 = vector.broadcast %broadcast_in_dim3A_38 : f32 to vector<16xf32>
      %swap3A_40 = arith.index_cast %scan3A_18 : i32 to index
      %swap3A_41 = arith.constant 48 : index
      %swap3A_42 = tpu.vector_load %arg8[%swap3A_40, %swap3A_41] {strides = array<i32>} : memref<80x128xf32, #tpu.memory_space<vmem>>, vector<1x16xf32>,
      %swap3A_43 = vector.shape_cast %swap3A_42 : vector<1x16xf32> to vector<16xf32>
      %swap3A_44 = vector.shape_cast %broadcast_in_dim3A_39 : vector<16xf32> to vector<1x16xf32>
      tpu.vector_store %arg8[%swap3A_40, %swap3A_41], %swap3A_44 {strides = array<i32>} : memref<80x128xf32, #tpu.memory_space<vmem>>, vector<1x16xf32>,
      %broadcast_in_dim3A_45 = arith.constant 0.000000e+00 : f32
      %broadcast_in_dim3A_46 = vector.broadcast %broadcast_in_dim3A_45 : f32 to vector<16xf32>
      %swap3A_47 = arith.index_cast %scan3A_18 : i32 to index
      %swap3A_48 = arith.constant 64 : index
      %swap3A_49 = tpu.vector_load %arg8[%swap3A_47, %swap3A_48] {strides = array<i32>} : memref<80x128xf32, #tpu.memory_space<vmem>>, vector<1x16xf32>,
      %swap3A_50 = vector.shape_cast %swap3A_49 : vector<1x16xf32> to vector<16xf32>
      %swap3A_51 = vector.shape_cast %broadcast_in_dim3A_46 : vector<16xf32> to vector<1x16xf32>
      tpu.vector_store %arg8[%swap3A_47, %swap3A_48], %swap3A_51 {strides = array<i32>} : memref<80x128xf32, #tpu.memory_space<vmem>>, vector<1x16xf32>,
      %broadcast_in_dim3A_52 = arith.constant 0.000000e+00 : f32
      %broadcast_in_dim3A_53 = vector.broadcast %broadcast_in_dim3A_52 : f32 to vector<16xf32>
      %swap3A_54 = arith.index_cast %scan3A_18 : i32 to index
      %swap3A_55 = arith.constant 80 : index
      %swap3A_56 = tpu.vector_load %arg8[%swap3A_54, %swap3A_55] {strides = array<i32>} : memref<80x128xf32, #tpu.memory_space<vmem>>, vector<1x16xf32>,
      %swap3A_57 = vector.shape_cast %swap3A_56 : vector<1x16xf32> to vector<16xf32>
      %swap3A_58 = vector.shape_cast %broadcast_in_dim3A_53 : vector<16xf32> to vector<1x16xf32>
      tpu.vector_store %arg8[%swap3A_54, %swap3A_55], %swap3A_58 {strides = array<i32>} : memref<80x128xf32, #tpu.memory_space<vmem>>, vector<1x16xf32>,
      %broadcast_in_dim3A_59 = arith.constant 0.000000e+00 : f32
      %broadcast_in_dim3A_60 = vector.broadcast %broadcast_in_dim3A_59 : f32 to vector<16xf32>
      %swap3A_61 = arith.index_cast %scan3A_18 : i32 to index
      %swap3A_62 = arith.constant 96 : index
      %swap3A_63 = tpu.vector_load %arg8[%swap3A_61, %swap3A_62] {strides = array<i32>} : memref<80x128xf32, #tpu.memory_space<vmem>>, vector<1x16xf32>,
      %swap3A_64 = vector.shape_cast %swap3A_63 : vector<1x16xf32> to vector<16xf32>
      %swap3A_65 = vector.shape_cast %broadcast_in_dim3A_60 : vector<16xf32> to vector<1x16xf32>
      tpu.vector_store %arg8[%swap3A_61, %swap3A_62], %swap3A_65 {strides = array<i32>} : memref<80x128xf32, #tpu.memory_space<vmem>>, vector<1x16xf32>,
      %broadcast_in_dim3A_66 = arith.constant 0.000000e+00 : f32
      %broadcast_in_dim3A_67 = vector.broadcast %broadcast_in_dim3A_66 : f32 to vector<16xf32>
      %swap3A_68 = arith.index_cast %scan3A_18 : i32 to index
      %swap3A_69 = arith.constant 112 : index
      %swap3A_70 = tpu.vector_load %arg8[%swap3A_68, %swap3A_69] {strides = array<i32>} : memref<80x128xf32, #tpu.memory_space<vmem>>, vector<1x16xf32>,
      %swap3A_71 = vector.shape_cast %swap3A_70 : vector<1x16xf32> to vector<16xf32>
      %swap3A_72 = vector.shape_cast %broadcast_in_dim3A_67 : vector<16xf32> to vector<1x16xf32>
      tpu.vector_store %arg8[%swap3A_68, %swap3A_69], %swap3A_72 {strides = array<i32>} : memref<80x128xf32, #tpu.memory_space<vmem>>, vector<1x16xf32>,
    }
    %scan3A_6 = arith.constant 80 : i32
    %scan3A_7 = arith.constant 0 : i32
    %scan3A_8 = arith.constant 8 : i32
    %scan3A_9 = arith.addi %scan3A_7, %scan3A_8 : i32
    %scan3A_10 = arith.constant 1 : i32
    scf.for %scan3A_18 = %scan3A_7 to %scan3A_9 step %scan3A_10  : i32 {
      %mul3A_19 = arith.constant 80 : i32
      %mul3A_20 = arith.muli %scan3A_18, %mul3A_19 : i32
      %add3A_21 = arith.addi %mul3A_2, %mul3A_20 : i32
      "tpu.region"() ({
        %run_scoped3A = tpu.sem_alloc : memref<!tpu.dma_semaphore, #tpu.memory_space<semaphore_mem>>
        %dma_start3A = arith.constant 0 : i32
        %dma_start3A_22 = tpu.memref_slice %arg11[%add3A_21, %dma_start3A] : memref<10240x128xf32, #tpu.memory_space<vmem_shared>> -> memref<80x128xf32, #tpu.memory_space<vmem_shared>>
        %dma_start3A_23 = arith.constant 0 : i32
        %dma_start3A_24 = tpu.memref_slice %arg11[%add3A_21, %dma_start3A_23] : memref<10240x128xf32, #tpu.memory_space<vmem_shared>> -> memref<80x128xf32, #tpu.memory_space<vmem_shared>>
        tpu.enqueue_dma source(%arg8 : memref<80x128xf32, #tpu.memory_space<vmem>>) target(%dma_start3A_24 : memref<80x128xf32, #tpu.memory_space<vmem_shared>>) target_semaphore(%run_scoped3A : memref<!tpu.dma_semaphore, #tpu.memory_space<semaphore_mem>>)
        %dma_wait3A = arith.constant 0 : i32
        %dma_wait3A_25 = tpu.memref_slice %arg11[%add3A_21, %dma_wait3A] : memref<10240x128xf32, #tpu.memory_space<vmem_shared>> -> memref<80x128xf32, #tpu.memory_space<vmem_shared>>
        %dma_wait3A_26 = arith.constant 0 : i32
        %dma_wait3A_27 = tpu.memref_slice %arg11[%add3A_21, %dma_wait3A_26] : memref<10240x128xf32, #tpu.memory_space<vmem_shared>> -> memref<80x128xf32, #tpu.memory_space<vmem_shared>>
        tpu.wait_dma2 semaphore(%run_scoped3A : memref<!tpu.dma_semaphore, #tpu.memory_space<semaphore_mem>>) src(%arg8 : memref<80x128xf32, #tpu.memory_space<vmem>>) dst(%dma_wait3A_27 : memref<80x128xf32, #tpu.memory_space<vmem_shared>>)
        tpu.yield
      }) : () -> ()
    }
    %scan3A_11 = arith.constant 8 : i32
    %barrier3A = arith.constant 0 : index
    tpu.barrier barrier_id(%barrier3A)
    %scan3A_12 = arith.constant 0 : i32
    %scan3A_13 = arith.constant 5 : i32
    %scan3A_14 = arith.addi %scan3A_12, %scan3A_13 : i32
    %scan3A_15 = arith.constant 1 : i32
    scf.for %scan3A_18 = %scan3A_12 to %scan3A_14 step %scan3A_15  : i32 {
      "tpu.region"() ({
        %run_scoped3A_81 = tpu.sem_alloc : memref<!tpu.dma_semaphore, #tpu.memory_space<semaphore_mem>>
        %dma_start3A_82 = arith.constant 0 : i32
        %dma_start3A_83 = arith.constant 0 : i32
        %dma_start3A_84 = tpu.memref_slice %arg3[%add3A, %scan3A_18, %dma_start3A_82, %dma_start3A_83] : memref<32x5x25x80xi32, #tpu.memory_space<hbm>> -> memref<1x1x25x80xi32, #tpu.memory_space<hbm>>
        %dma_start3A_85 = tpu.memref_squeeze %dma_start3A_84 : memref<1x1x25x80xi32, #tpu.memory_space<hbm>> -> memref<25x80xi32, #tpu.memory_space<hbm>>
        %dma_start3A_86 = arith.constant 0 : i32
        %dma_start3A_87 = arith.constant 0 : i32
        %dma_start3A_88 = tpu.memref_slice %arg3[%add3A, %scan3A_18, %dma_start3A_86, %dma_start3A_87] : memref<32x5x25x80xi32, #tpu.memory_space<hbm>> -> memref<1x1x25x80xi32, #tpu.memory_space<hbm>>
        %dma_start3A_89 = tpu.memref_squeeze %dma_start3A_88 : memref<1x1x25x80xi32, #tpu.memory_space<hbm>> -> memref<25x80xi32, #tpu.memory_space<hbm>>
        tpu.enqueue_dma source(%dma_start3A_89 : memref<25x80xi32, #tpu.memory_space<hbm>>) target(%arg6 : memref<25x80xi32, #tpu.memory_space<vmem>>) target_semaphore(%run_scoped3A_81 : memref<!tpu.dma_semaphore, #tpu.memory_space<semaphore_mem>>)
        %dma_wait3A_90 = arith.constant 0 : i32
        %dma_wait3A_91 = arith.constant 0 : i32
        %dma_wait3A_92 = tpu.memref_slice %arg3[%add3A, %scan3A_18, %dma_wait3A_90, %dma_wait3A_91] : memref<32x5x25x80xi32, #tpu.memory_space<hbm>> -> memref<1x1x25x80xi32, #tpu.memory_space<hbm>>
        %dma_wait3A_93 = tpu.memref_squeeze %dma_wait3A_92 : memref<1x1x25x80xi32, #tpu.memory_space<hbm>> -> memref<25x80xi32, #tpu.memory_space<hbm>>
        %dma_wait3A_94 = arith.constant 0 : i32
        %dma_wait3A_95 = arith.constant 0 : i32
        %dma_wait3A_96 = tpu.memref_slice %arg3[%add3A, %scan3A_18, %dma_wait3A_94, %dma_wait3A_95] : memref<32x5x25x80xi32, #tpu.memory_space<hbm>> -> memref<1x1x25x80xi32, #tpu.memory_space<hbm>>
        %dma_wait3A_97 = tpu.memref_squeeze %dma_wait3A_96 : memref<1x1x25x80xi32, #tpu.memory_space<hbm>> -> memref<25x80xi32, #tpu.memory_space<hbm>>
        tpu.wait_dma2 semaphore(%run_scoped3A_81 : memref<!tpu.dma_semaphore, #tpu.memory_space<semaphore_mem>>) src(%dma_wait3A_97 : memref<25x80xi32, #tpu.memory_space<hbm>>) dst(%arg6 : memref<25x80xi32, #tpu.memory_space<vmem>>)
        tpu.yield
      }) : () -> ()
      "tpu.region"() ({
        %run_scoped3A_81 = tpu.sem_alloc : memref<!tpu.dma_semaphore, #tpu.memory_space<semaphore_mem>>
        %dma_start3A_82 = arith.constant 0 : i32
        %dma_start3A_83 = arith.constant 0 : i32
        %dma_start3A_84 = tpu.memref_slice %arg4[%add3A, %scan3A_18, %dma_start3A_82, %dma_start3A_83] : memref<32x5x25x80xi32, #tpu.memory_space<hbm>> -> memref<1x1x25x80xi32, #tpu.memory_space<hbm>>
        %dma_start3A_85 = tpu.memref_squeeze %dma_start3A_84 : memref<1x1x25x80xi32, #tpu.memory_space<hbm>> -> memref<25x80xi32, #tpu.memory_space<hbm>>
        %dma_start3A_86 = arith.constant 0 : i32
        %dma_start3A_87 = arith.constant 0 : i32
        %dma_start3A_88 = tpu.memref_slice %arg4[%add3A, %scan3A_18, %dma_start3A_86, %dma_start3A_87] : memref<32x5x25x80xi32, #tpu.memory_space<hbm>> -> memref<1x1x25x80xi32, #tpu.memory_space<hbm>>
        %dma_start3A_89 = tpu.memref_squeeze %dma_start3A_88 : memref<1x1x25x80xi32, #tpu.memory_space<hbm>> -> memref<25x80xi32, #tpu.memory_space<hbm>>
        tpu.enqueue_dma source(%dma_start3A_89 : memref<25x80xi32, #tpu.memory_space<hbm>>) target(%arg7 : memref<25x80xi32, #tpu.memory_space<vmem>>) target_semaphore(%run_scoped3A_81 : memref<!tpu.dma_semaphore, #tpu.memory_space<semaphore_mem>>)
        %dma_wait3A_90 = arith.constant 0 : i32
        %dma_wait3A_91 = arith.constant 0 : i32
        %dma_wait3A_92 = tpu.memref_slice %arg4[%add3A, %scan3A_18, %dma_wait3A_90, %dma_wait3A_91] : memref<32x5x25x80xi32, #tpu.memory_space<hbm>> -> memref<1x1x25x80xi32, #tpu.memory_space<hbm>>
        %dma_wait3A_93 = tpu.memref_squeeze %dma_wait3A_92 : memref<1x1x25x80xi32, #tpu.memory_space<hbm>> -> memref<25x80xi32, #tpu.memory_space<hbm>>
        %dma_wait3A_94 = arith.constant 0 : i32
        %dma_wait3A_95 = arith.constant 0 : i32
        %dma_wait3A_96 = tpu.memref_slice %arg4[%add3A, %scan3A_18, %dma_wait3A_94, %dma_wait3A_95] : memref<32x5x25x80xi32, #tpu.memory_space<hbm>> -> memref<1x1x25x80xi32, #tpu.memory_space<hbm>>
        %dma_wait3A_97 = tpu.memref_squeeze %dma_wait3A_96 : memref<1x1x25x80xi32, #tpu.memory_space<hbm>> -> memref<25x80xi32, #tpu.memory_space<hbm>>
        tpu.wait_dma2 semaphore(%run_scoped3A_81 : memref<!tpu.dma_semaphore, #tpu.memory_space<semaphore_mem>>) src(%dma_wait3A_97 : memref<25x80xi32, #tpu.memory_space<hbm>>) dst(%arg7 : memref<25x80xi32, #tpu.memory_space<vmem>>)
        tpu.yield
      }) : () -> ()
      %dma_start3A = arith.constant 0 : i32
      %dma_start3A_19 = arith.constant 0 : i32
      %dma_start3A_20 = tpu.memref_slice %arg6[%dma_start3A, %dma_start3A_19] : memref<25x80xi32, #tpu.memory_space<vmem>> -> memref<1x80xi32, #tpu.memory_space<vmem>>
      %dma_start3A_21 = tpu.memref_squeeze %dma_start3A_20 : memref<1x80xi32, #tpu.memory_space<vmem>> -> memref<80xi32, #tpu.memory_space<vmem>>
      %dma_start3A_22 = arith.constant 0 : i32
      %dma_start3A_23 = arith.constant 0 : i32
      %dma_start3A_24 = tpu.memref_slice %arg2[%dma_start3A_22, %dma_start3A_23] : memref<10000x128xf32, #tpu.memory_space<hbm>> -> memref<10000x128xf32, #tpu.memory_space<hbm>>
      tpu.enqueue_indirect_dma source(%dma_start3A_24 : memref<10000x128xf32, #tpu.memory_space<hbm>>) target(%arg8 : memref<80x128xf32, #tpu.memory_space<vmem>>) offsets(%dma_start3A_21 : memref<80xi32, #tpu.memory_space<vmem>>) semaphore(%arg12 : memref<!tpu.dma_semaphore, #tpu.memory_space<semaphore_mem>>)
      %dma_start3A_25 = arith.constant 1 : i32
      %dma_start3A_26 = arith.constant 0 : i32
      %dma_start3A_27 = tpu.memref_slice %arg6[%dma_start3A_25, %dma_start3A_26] : memref<25x80xi32, #tpu.memory_space<vmem>> -> memref<1x80xi32, #tpu.memory_space<vmem>>
      %dma_start3A_28 = tpu.memref_squeeze %dma_start3A_27 : memref<1x80xi32, #tpu.memory_space<vmem>> -> memref<80xi32, #tpu.memory_space<vmem>>
      %dma_start3A_29 = arith.constant 0 : i32
      %dma_start3A_30 = arith.constant 0 : i32
      %dma_start3A_31 = tpu.memref_slice %arg2[%dma_start3A_29, %dma_start3A_30] : memref<10000x128xf32, #tpu.memory_space<hbm>> -> memref<10000x128xf32, #tpu.memory_space<hbm>>
      tpu.enqueue_indirect_dma source(%dma_start3A_31 : memref<10000x128xf32, #tpu.memory_space<hbm>>) target(%arg9 : memref<80x128xf32, #tpu.memory_space<vmem>>) offsets(%dma_start3A_28 : memref<80xi32, #tpu.memory_space<vmem>>) semaphore(%arg13 : memref<!tpu.dma_semaphore, #tpu.memory_space<semaphore_mem>>)
      %scan3A_32 = arith.constant 0 : i32
      %scan3A_33 = arith.constant 7 : i32
      %scan3A_34 = arith.addi %scan3A_32, %scan3A_33 : i32
      %scan3A_35 = arith.constant 1 : i32
      scf.for %scan3A_81 = %scan3A_32 to %scan3A_34 step %scan3A_35  : i32 {
        %dma_wait3A_82 = arith.constant 0 : i32
        %dma_wait3A_83 = arith.constant 0 : i32
        %dma_wait3A_84 = tpu.memref_slice %arg6[%dma_wait3A_82, %dma_wait3A_83] : memref<25x80xi32, #tpu.memory_space<vmem>> -> memref<1x80xi32, #tpu.memory_space<vmem>>
        %dma_wait3A_85 = tpu.memref_squeeze %dma_wait3A_84 : memref<1x80xi32, #tpu.memory_space<vmem>> -> memref<80xi32, #tpu.memory_space<vmem>>
        %dma_wait3A_86 = arith.constant 0 : i32
        %dma_wait3A_87 = arith.constant 0 : i32
        %dma_wait3A_88 = tpu.memref_slice %arg2[%dma_wait3A_86, %dma_wait3A_87] : memref<10000x128xf32, #tpu.memory_space<hbm>> -> memref<10000x128xf32, #tpu.memory_space<hbm>>
        tpu.wait_indirect_dma semaphore(%arg12 : memref<!tpu.dma_semaphore, #tpu.memory_space<semaphore_mem>>) src(%dma_wait3A_88 : memref<10000x128xf32, #tpu.memory_space<hbm>>) dst(%arg8 : memref<80x128xf32, #tpu.memory_space<vmem>>)
        %mul3A_89 = arith.constant 3 : i32
        %mul3A_90 = arith.muli %mul3A_89, %scan3A_81 : i32
        %add3A_91 = arith.constant 2 : i32
        %add3A_92 = arith.addi %mul3A_90, %add3A_91 : i32
        %dma_start3A_93 = arith.constant 0 : i32
        %dma_start3A_94 = tpu.memref_slice %arg6[%add3A_92, %dma_start3A_93] : memref<25x80xi32, #tpu.memory_space<vmem>> -> memref<1x80xi32, #tpu.memory_space<vmem>>
        %dma_start3A_95 = tpu.memref_squeeze %dma_start3A_94 : memref<1x80xi32, #tpu.memory_space<vmem>> -> memref<80xi32, #tpu.memory_space<vmem>>
        %dma_start3A_96 = arith.constant 0 : i32
        %dma_start3A_97 = arith.constant 0 : i32
        %dma_start3A_98 = tpu.memref_slice %arg2[%dma_start3A_96, %dma_start3A_97] : memref<10000x128xf32, #tpu.memory_space<hbm>> -> memref<10000x128xf32, #tpu.memory_space<hbm>>
        tpu.enqueue_indirect_dma source(%dma_start3A_98 : memref<10000x128xf32, #tpu.memory_space<hbm>>) target(%arg10 : memref<80x128xf32, #tpu.memory_space<vmem>>) offsets(%dma_start3A_95 : memref<80xi32, #tpu.memory_space<vmem>>) semaphore(%arg14 : memref<!tpu.dma_semaphore, #tpu.memory_space<semaphore_mem>>)
        %mul3A_99 = arith.constant 3 : i32
        %mul3A_100 = arith.muli %mul3A_99, %scan3A_81 : i32
        "tpu.region"() ({
          %run_scoped3A_143 = tpu.sem_alloc : memref<!tpu.dma_semaphore, #tpu.memory_space<semaphore_mem>>
          %dma_start3A_144 = arith.constant 0 : i32
          %dma_start3A_145 = tpu.memref_slice %arg7[%mul3A_100, %dma_start3A_144] : memref<25x80xi32, #tpu.memory_space<vmem>> -> memref<1x80xi32, #tpu.memory_space<vmem>>
          %dma_start3A_146 = tpu.memref_squeeze %dma_start3A_145 : memref<1x80xi32, #tpu.memory_space<vmem>> -> memref<80xi32, #tpu.memory_space<vmem>>
          %dma_start3A_147 = arith.constant 0 : i32
          %dma_start3A_148 = arith.constant 0 : i32
          %dma_start3A_149 = tpu.memref_slice %arg11[%dma_start3A_147, %dma_start3A_148] : memref<10240x128xf32, #tpu.memory_space<vmem_shared>> -> memref<10240x128xf32, #tpu.memory_space<vmem_shared>>
          tpu.enqueue_indirect_dma source(%arg8 : memref<80x128xf32, #tpu.memory_space<vmem>>) target(%dma_start3A_149 : memref<10240x128xf32, #tpu.memory_space<vmem_shared>>) offsets(%dma_start3A_146 : memref<80xi32, #tpu.memory_space<vmem>>) semaphore(%run_scoped3A_143 : memref<!tpu.dma_semaphore, #tpu.memory_space<semaphore_mem>>) {add = true}
          %dma_wait3A_150 = arith.constant 0 : i32
          %dma_wait3A_151 = tpu.memref_slice %arg7[%mul3A_100, %dma_wait3A_150] : memref<25x80xi32, #tpu.memory_space<vmem>> -> memref<1x80xi32, #tpu.memory_space<vmem>>
          %dma_wait3A_152 = tpu.memref_squeeze %dma_wait3A_151 : memref<1x80xi32, #tpu.memory_space<vmem>> -> memref<80xi32, #tpu.memory_space<vmem>>
          %dma_wait3A_153 = arith.constant 0 : i32
          %dma_wait3A_154 = arith.constant 0 : i32
          %dma_wait3A_155 = tpu.memref_slice %arg11[%dma_wait3A_153, %dma_wait3A_154] : memref<10240x128xf32, #tpu.memory_space<vmem_shared>> -> memref<10240x128xf32, #tpu.memory_space<vmem_shared>>
          tpu.wait_indirect_dma semaphore(%run_scoped3A_143 : memref<!tpu.dma_semaphore, #tpu.memory_space<semaphore_mem>>) src(%arg8 : memref<80x128xf32, #tpu.memory_space<vmem>>) dst(%dma_wait3A_155 : memref<10240x128xf32, #tpu.memory_space<vmem_shared>>)
          tpu.yield
        }) : () -> ()
        %dma_wait3A_101 = arith.constant 0 : i32
        %dma_wait3A_102 = arith.constant 0 : i32
        %dma_wait3A_103 = tpu.memref_slice %arg6[%dma_wait3A_101, %dma_wait3A_102] : memref<25x80xi32, #tpu.memory_space<vmem>> -> memref<1x80xi32, #tpu.memory_space<vmem>>
        %dma_wait3A_104 = tpu.memref_squeeze %dma_wait3A_103 : memref<1x80xi32, #tpu.memory_space<vmem>> -> memref<80xi32, #tpu.memory_space<vmem>>
        %dma_wait3A_105 = arith.constant 0 : i32
        %dma_wait3A_106 = arith.constant 0 : i32
        %dma_wait3A_107 = tpu.memref_slice %arg2[%dma_wait3A_105, %dma_wait3A_106] : memref<10000x128xf32, #tpu.memory_space<hbm>> -> memref<10000x128xf32, #tpu.memory_space<hbm>>
        tpu.wait_indirect_dma semaphore(%arg13 : memref<!tpu.dma_semaphore, #tpu.memory_space<semaphore_mem>>) src(%dma_wait3A_107 : memref<10000x128xf32, #tpu.memory_space<hbm>>) dst(%arg9 : memref<80x128xf32, #tpu.memory_space<vmem>>)
        %mul3A_108 = arith.constant 3 : i32
        %mul3A_109 = arith.muli %mul3A_108, %scan3A_81 : i32
        %add3A_110 = arith.constant 3 : i32
        %add3A_111 = arith.addi %mul3A_109, %add3A_110 : i32
        %dma_start3A_112 = arith.constant 0 : i32
        %dma_start3A_113 = tpu.memref_slice %arg6[%add3A_111, %dma_start3A_112] : memref<25x80xi32, #tpu.memory_space<vmem>> -> memref<1x80xi32, #tpu.memory_space<vmem>>
        %dma_start3A_114 = tpu.memref_squeeze %dma_start3A_113 : memref<1x80xi32, #tpu.memory_space<vmem>> -> memref<80xi32, #tpu.memory_space<vmem>>
        %dma_start3A_115 = arith.constant 0 : i32
        %dma_start3A_116 = arith.constant 0 : i32
        %dma_start3A_117 = tpu.memref_slice %arg2[%dma_start3A_115, %dma_start3A_116] : memref<10000x128xf32, #tpu.memory_space<hbm>> -> memref<10000x128xf32, #tpu.memory_space<hbm>>
        tpu.enqueue_indirect_dma source(%dma_start3A_117 : memref<10000x128xf32, #tpu.memory_space<hbm>>) target(%arg8 : memref<80x128xf32, #tpu.memory_space<vmem>>) offsets(%dma_start3A_114 : memref<80xi32, #tpu.memory_space<vmem>>) semaphore(%arg12 : memref<!tpu.dma_semaphore, #tpu.memory_space<semaphore_mem>>)
        %mul3A_118 = arith.constant 3 : i32
        %mul3A_119 = arith.muli %mul3A_118, %scan3A_81 : i32
        %add3A_120 = arith.constant 1 : i32
        %add3A_121 = arith.addi %mul3A_119, %add3A_120 : i32
        "tpu.region"() ({
          %run_scoped3A_143 = tpu.sem_alloc : memref<!tpu.dma_semaphore, #tpu.memory_space<semaphore_mem>>
          %dma_start3A_144 = arith.constant 0 : i32
          %dma_start3A_145 = tpu.memref_slice %arg7[%add3A_121, %dma_start3A_144] : memref<25x80xi32, #tpu.memory_space<vmem>> -> memref<1x80xi32, #tpu.memory_space<vmem>>
          %dma_start3A_146 = tpu.memref_squeeze %dma_start3A_145 : memref<1x80xi32, #tpu.memory_space<vmem>> -> memref<80xi32, #tpu.memory_space<vmem>>
          %dma_start3A_147 = arith.constant 0 : i32
          %dma_start3A_148 = arith.constant 0 : i32
          %dma_start3A_149 = tpu.memref_slice %arg11[%dma_start3A_147, %dma_start3A_148] : memref<10240x128xf32, #tpu.memory_space<vmem_shared>> -> memref<10240x128xf32, #tpu.memory_space<vmem_shared>>
          tpu.enqueue_indirect_dma source(%arg9 : memref<80x128xf32, #tpu.memory_space<vmem>>) target(%dma_start3A_149 : memref<10240x128xf32, #tpu.memory_space<vmem_shared>>) offsets(%dma_start3A_146 : memref<80xi32, #tpu.memory_space<vmem>>) semaphore(%run_scoped3A_143 : memref<!tpu.dma_semaphore, #tpu.memory_space<semaphore_mem>>) {add = true}
          %dma_wait3A_150 = arith.constant 0 : i32
          %dma_wait3A_151 = tpu.memref_slice %arg7[%add3A_121, %dma_wait3A_150] : memref<25x80xi32, #tpu.memory_space<vmem>> -> memref<1x80xi32, #tpu.memory_space<vmem>>
          %dma_wait3A_152 = tpu.memref_squeeze %dma_wait3A_151 : memref<1x80xi32, #tpu.memory_space<vmem>> -> memref<80xi32, #tpu.memory_space<vmem>>
          %dma_wait3A_153 = arith.constant 0 : i32
          %dma_wait3A_154 = arith.constant 0 : i32
          %dma_wait3A_155 = tpu.memref_slice %arg11[%dma_wait3A_153, %dma_wait3A_154] : memref<10240x128xf32, #tpu.memory_space<vmem_shared>> -> memref<10240x128xf32, #tpu.memory_space<vmem_shared>>
          tpu.wait_indirect_dma semaphore(%run_scoped3A_143 : memref<!tpu.dma_semaphore, #tpu.memory_space<semaphore_mem>>) src(%arg9 : memref<80x128xf32, #tpu.memory_space<vmem>>) dst(%dma_wait3A_155 : memref<10240x128xf32, #tpu.memory_space<vmem_shared>>)
          tpu.yield
        }) : () -> ()
        %dma_wait3A_122 = arith.constant 0 : i32
        %dma_wait3A_123 = arith.constant 0 : i32
        %dma_wait3A_124 = tpu.memref_slice %arg6[%dma_wait3A_122, %dma_wait3A_123] : memref<25x80xi32, #tpu.memory_space<vmem>> -> memref<1x80xi32, #tpu.memory_space<vmem>>
        %dma_wait3A_125 = tpu.memref_squeeze %dma_wait3A_124 : memref<1x80xi32, #tpu.memory_space<vmem>> -> memref<80xi32, #tpu.memory_space<vmem>>
        %dma_wait3A_126 = arith.constant 0 : i32
        %dma_wait3A_127 = arith.constant 0 : i32
        %dma_wait3A_128 = tpu.memref_slice %arg2[%dma_wait3A_126, %dma_wait3A_127] : memref<10000x128xf32, #tpu.memory_space<hbm>> -> memref<10000x128xf32, #tpu.memory_space<hbm>>
        tpu.wait_indirect_dma semaphore(%arg14 : memref<!tpu.dma_semaphore, #tpu.memory_space<semaphore_mem>>) src(%dma_wait3A_128 : memref<10000x128xf32, #tpu.memory_space<hbm>>) dst(%arg10 : memref<80x128xf32, #tpu.memory_space<vmem>>)
        %mul3A_129 = arith.constant 3 : i32
        %mul3A_130 = arith.muli %mul3A_129, %scan3A_81 : i32
        %add3A_131 = arith.constant 4 : i32
        %add3A_132 = arith.addi %mul3A_130, %add3A_131 : i32
        %dma_start3A_133 = arith.constant 0 : i32
        %dma_start3A_134 = tpu.memref_slice %arg6[%add3A_132, %dma_start3A_133] : memref<25x80xi32, #tpu.memory_space<vmem>> -> memref<1x80xi32, #tpu.memory_space<vmem>>
        %dma_start3A_135 = tpu.memref_squeeze %dma_start3A_134 : memref<1x80xi32, #tpu.memory_space<vmem>> -> memref<80xi32, #tpu.memory_space<vmem>>
        %dma_start3A_136 = arith.constant 0 : i32
        %dma_start3A_137 = arith.constant 0 : i32
        %dma_start3A_138 = tpu.memref_slice %arg2[%dma_start3A_136, %dma_start3A_137] : memref<10000x128xf32, #tpu.memory_space<hbm>> -> memref<10000x128xf32, #tpu.memory_space<hbm>>
        tpu.enqueue_indirect_dma source(%dma_start3A_138 : memref<10000x128xf32, #tpu.memory_space<hbm>>) target(%arg9 : memref<80x128xf32, #tpu.memory_space<vmem>>) offsets(%dma_start3A_135 : memref<80xi32, #tpu.memory_space<vmem>>) semaphore(%arg13 : memref<!tpu.dma_semaphore, #tpu.memory_space<semaphore_mem>>)
        %mul3A_139 = arith.constant 3 : i32
        %mul3A_140 = arith.muli %mul3A_139, %scan3A_81 : i32
        %add3A_141 = arith.constant 2 : i32
        %add3A_142 = arith.addi %mul3A_140, %add3A_141 : i32
        "tpu.region"() ({
          %run_scoped3A_143 = tpu.sem_alloc : memref<!tpu.dma_semaphore, #tpu.memory_space<semaphore_mem>>
          %dma_start3A_144 = arith.constant 0 : i32
          %dma_start3A_145 = tpu.memref_slice %arg7[%add3A_142, %dma_start3A_144] : memref<25x80xi32, #tpu.memory_space<vmem>> -> memref<1x80xi32, #tpu.memory_space<vmem>>
          %dma_start3A_146 = tpu.memref_squeeze %dma_start3A_145 : memref<1x80xi32, #tpu.memory_space<vmem>> -> memref<80xi32, #tpu.memory_space<vmem>>
          %dma_start3A_147 = arith.constant 0 : i32
          %dma_start3A_148 = arith.constant 0 : i32
          %dma_start3A_149 = tpu.memref_slice %arg11[%dma_start3A_147, %dma_start3A_148] : memref<10240x128xf32, #tpu.memory_space<vmem_shared>> -> memref<10240x128xf32, #tpu.memory_space<vmem_shared>>
          tpu.enqueue_indirect_dma source(%arg10 : memref<80x128xf32, #tpu.memory_space<vmem>>) target(%dma_start3A_149 : memref<10240x128xf32, #tpu.memory_space<vmem_shared>>) offsets(%dma_start3A_146 : memref<80xi32, #tpu.memory_space<vmem>>) semaphore(%run_scoped3A_143 : memref<!tpu.dma_semaphore, #tpu.memory_space<semaphore_mem>>) {add = true}
          %dma_wait3A_150 = arith.constant 0 : i32
          %dma_wait3A_151 = tpu.memref_slice %arg7[%add3A_142, %dma_wait3A_150] : memref<25x80xi32, #tpu.memory_space<vmem>> -> memref<1x80xi32, #tpu.memory_space<vmem>>
          %dma_wait3A_152 = tpu.memref_squeeze %dma_wait3A_151 : memref<1x80xi32, #tpu.memory_space<vmem>> -> memref<80xi32, #tpu.memory_space<vmem>>
          %dma_wait3A_153 = arith.constant 0 : i32
          %dma_wait3A_154 = arith.constant 0 : i32
          %dma_wait3A_155 = tpu.memref_slice %arg11[%dma_wait3A_153, %dma_wait3A_154] : memref<10240x128xf32, #tpu.memory_space<vmem_shared>> -> memref<10240x128xf32, #tpu.memory_space<vmem_shared>>
          tpu.wait_indirect_dma semaphore(%run_scoped3A_143 : memref<!tpu.dma_semaphore, #tpu.memory_space<semaphore_mem>>) src(%arg10 : memref<80x128xf32, #tpu.memory_space<vmem>>) dst(%dma_wait3A_155 : memref<10240x128xf32, #tpu.memory_space<vmem_shared>>)
          tpu.yield
        }) : () -> ()
      }
      %scan3A_36 = arith.constant 7 : i32
      %dma_wait3A = arith.constant 0 : i32
      %dma_wait3A_37 = arith.constant 0 : i32
      %dma_wait3A_38 = tpu.memref_slice %arg6[%dma_wait3A, %dma_wait3A_37] : memref<25x80xi32, #tpu.memory_space<vmem>> -> memref<1x80xi32, #tpu.memory_space<vmem>>
      %dma_wait3A_39 = tpu.memref_squeeze %dma_wait3A_38 : memref<1x80xi32, #tpu.memory_space<vmem>> -> memref<80xi32, #tpu.memory_space<vmem>>
      %dma_wait3A_40 = arith.constant 0 : i32
      %dma_wait3A_41 = arith.constant 0 : i32
      %dma_wait3A_42 = tpu.memref_slice %arg2[%dma_wait3A_40, %dma_wait3A_41] : memref<10000x128xf32, #tpu.memory_space<hbm>> -> memref<10000x128xf32, #tpu.memory_space<hbm>>
      tpu.wait_indirect_dma semaphore(%arg12 : memref<!tpu.dma_semaphore, #tpu.memory_space<semaphore_mem>>) src(%dma_wait3A_42 : memref<10000x128xf32, #tpu.memory_space<hbm>>) dst(%arg8 : memref<80x128xf32, #tpu.memory_space<vmem>>)
      %dma_start3A_43 = arith.constant 23 : i32
      %dma_start3A_44 = arith.constant 0 : i32
      %dma_start3A_45 = tpu.memref_slice %arg6[%dma_start3A_43, %dma_start3A_44] : memref<25x80xi32, #tpu.memory_space<vmem>> -> memref<1x80xi32, #tpu.memory_space<vmem>>
      %dma_start3A_46 = tpu.memref_squeeze %dma_start3A_45 : memref<1x80xi32, #tpu.memory_space<vmem>> -> memref<80xi32, #tpu.memory_space<vmem>>
      %dma_start3A_47 = arith.constant 0 : i32
      %dma_start3A_48 = arith.constant 0 : i32
      %dma_start3A_49 = tpu.memref_slice %arg2[%dma_start3A_47, %dma_start3A_48] : memref<10000x128xf32, #tpu.memory_space<hbm>> -> memref<10000x128xf32, #tpu.memory_space<hbm>>
      tpu.enqueue_indirect_dma source(%dma_start3A_49 : memref<10000x128xf32, #tpu.memory_space<hbm>>) target(%arg10 : memref<80x128xf32, #tpu.memory_space<vmem>>) offsets(%dma_start3A_46 : memref<80xi32, #tpu.memory_space<vmem>>) semaphore(%arg14 : memref<!tpu.dma_semaphore, #tpu.memory_space<semaphore_mem>>)
      %run_scoped3A = arith.constant 21 : i32
      "tpu.region"() ({
        %run_scoped3A_81 = tpu.sem_alloc : memref<!tpu.dma_semaphore, #tpu.memory_space<semaphore_mem>>
        %dma_start3A_82 = arith.constant 0 : i32
        %dma_start3A_83 = tpu.memref_slice %arg7[%run_scoped3A, %dma_start3A_82] : memref<25x80xi32, #tpu.memory_space<vmem>> -> memref<1x80xi32, #tpu.memory_space<vmem>>
        %dma_start3A_84 = tpu.memref_squeeze %dma_start3A_83 : memref<1x80xi32, #tpu.memory_space<vmem>> -> memref<80xi32, #tpu.memory_space<vmem>>
        %dma_start3A_85 = arith.constant 0 : i32
        %dma_start3A_86 = arith.constant 0 : i32
        %dma_start3A_87 = tpu.memref_slice %arg11[%dma_start3A_85, %dma_start3A_86] : memref<10240x128xf32, #tpu.memory_space<vmem_shared>> -> memref<10240x128xf32, #tpu.memory_space<vmem_shared>>
        tpu.enqueue_indirect_dma source(%arg8 : memref<80x128xf32, #tpu.memory_space<vmem>>) target(%dma_start3A_87 : memref<10240x128xf32, #tpu.memory_space<vmem_shared>>) offsets(%dma_start3A_84 : memref<80xi32, #tpu.memory_space<vmem>>) semaphore(%run_scoped3A_81 : memref<!tpu.dma_semaphore, #tpu.memory_space<semaphore_mem>>) {add = true}
        %dma_wait3A_88 = arith.constant 0 : i32
        %dma_wait3A_89 = tpu.memref_slice %arg7[%run_scoped3A, %dma_wait3A_88] : memref<25x80xi32, #tpu.memory_space<vmem>> -> memref<1x80xi32, #tpu.memory_space<vmem>>
        %dma_wait3A_90 = tpu.memref_squeeze %dma_wait3A_89 : memref<1x80xi32, #tpu.memory_space<vmem>> -> memref<80xi32, #tpu.memory_space<vmem>>
        %dma_wait3A_91 = arith.constant 0 : i32
        %dma_wait3A_92 = arith.constant 0 : i32
        %dma_wait3A_93 = tpu.memref_slice %arg11[%dma_wait3A_91, %dma_wait3A_92] : memref<10240x128xf32, #tpu.memory_space<vmem_shared>> -> memref<10240x128xf32, #tpu.memory_space<vmem_shared>>
        tpu.wait_indirect_dma semaphore(%run_scoped3A_81 : memref<!tpu.dma_semaphore, #tpu.memory_space<semaphore_mem>>) src(%arg8 : memref<80x128xf32, #tpu.memory_space<vmem>>) dst(%dma_wait3A_93 : memref<10240x128xf32, #tpu.memory_space<vmem_shared>>)
        tpu.yield
      }) : () -> ()
      %dma_wait3A_50 = arith.constant 0 : i32
      %dma_wait3A_51 = arith.constant 0 : i32
      %dma_wait3A_52 = tpu.memref_slice %arg6[%dma_wait3A_50, %dma_wait3A_51] : memref<25x80xi32, #tpu.memory_space<vmem>> -> memref<1x80xi32, #tpu.memory_space<vmem>>
      %dma_wait3A_53 = tpu.memref_squeeze %dma_wait3A_52 : memref<1x80xi32, #tpu.memory_space<vmem>> -> memref<80xi32, #tpu.memory_space<vmem>>
      %dma_wait3A_54 = arith.constant 0 : i32
      %dma_wait3A_55 = arith.constant 0 : i32
      %dma_wait3A_56 = tpu.memref_slice %arg2[%dma_wait3A_54, %dma_wait3A_55] : memref<10000x128xf32, #tpu.memory_space<hbm>> -> memref<10000x128xf32, #tpu.memory_space<hbm>>
      tpu.wait_indirect_dma semaphore(%arg13 : memref<!tpu.dma_semaphore, #tpu.memory_space<semaphore_mem>>) src(%dma_wait3A_56 : memref<10000x128xf32, #tpu.memory_space<hbm>>) dst(%arg9 : memref<80x128xf32, #tpu.memory_space<vmem>>)
      %dma_start3A_57 = arith.constant 24 : i32
      %dma_start3A_58 = arith.constant 0 : i32
      %dma_start3A_59 = tpu.memref_slice %arg6[%dma_start3A_57, %dma_start3A_58] : memref<25x80xi32, #tpu.memory_space<vmem>> -> memref<1x80xi32, #tpu.memory_space<vmem>>
      %dma_start3A_60 = tpu.memref_squeeze %dma_start3A_59 : memref<1x80xi32, #tpu.memory_space<vmem>> -> memref<80xi32, #tpu.memory_space<vmem>>
      %dma_start3A_61 = arith.constant 0 : i32
      %dma_start3A_62 = arith.constant 0 : i32
      %dma_start3A_63 = tpu.memref_slice %arg2[%dma_start3A_61, %dma_start3A_62] : memref<10000x128xf32, #tpu.memory_space<hbm>> -> memref<10000x128xf32, #tpu.memory_space<hbm>>
      tpu.enqueue_indirect_dma source(%dma_start3A_63 : memref<10000x128xf32, #tpu.memory_space<hbm>>) target(%arg8 : memref<80x128xf32, #tpu.memory_space<vmem>>) offsets(%dma_start3A_60 : memref<80xi32, #tpu.memory_space<vmem>>) semaphore(%arg12 : memref<!tpu.dma_semaphore, #tpu.memory_space<semaphore_mem>>)
      %run_scoped3A_64 = arith.constant 22 : i32
      "tpu.region"() ({
        %run_scoped3A_81 = tpu.sem_alloc : memref<!tpu.dma_semaphore, #tpu.memory_space<semaphore_mem>>
        %dma_start3A_82 = arith.constant 0 : i32
        %dma_start3A_83 = tpu.memref_slice %arg7[%run_scoped3A_64, %dma_start3A_82] : memref<25x80xi32, #tpu.memory_space<vmem>> -> memref<1x80xi32, #tpu.memory_space<vmem>>
        %dma_start3A_84 = tpu.memref_squeeze %dma_start3A_83 : memref<1x80xi32, #tpu.memory_space<vmem>> -> memref<80xi32, #tpu.memory_space<vmem>>
        %dma_start3A_85 = arith.constant 0 : i32
        %dma_start3A_86 = arith.constant 0 : i32
        %dma_start3A_87 = tpu.memref_slice %arg11[%dma_start3A_85, %dma_start3A_86] : memref<10240x128xf32, #tpu.memory_space<vmem_shared>> -> memref<10240x128xf32, #tpu.memory_space<vmem_shared>>
        tpu.enqueue_indirect_dma source(%arg9 : memref<80x128xf32, #tpu.memory_space<vmem>>) target(%dma_start3A_87 : memref<10240x128xf32, #tpu.memory_space<vmem_shared>>) offsets(%dma_start3A_84 : memref<80xi32, #tpu.memory_space<vmem>>) semaphore(%run_scoped3A_81 : memref<!tpu.dma_semaphore, #tpu.memory_space<semaphore_mem>>) {add = true}
        %dma_wait3A_88 = arith.constant 0 : i32
        %dma_wait3A_89 = tpu.memref_slice %arg7[%run_scoped3A_64, %dma_wait3A_88] : memref<25x80xi32, #tpu.memory_space<vmem>> -> memref<1x80xi32, #tpu.memory_space<vmem>>
        %dma_wait3A_90 = tpu.memref_squeeze %dma_wait3A_89 : memref<1x80xi32, #tpu.memory_space<vmem>> -> memref<80xi32, #tpu.memory_space<vmem>>
        %dma_wait3A_91 = arith.constant 0 : i32
        %dma_wait3A_92 = arith.constant 0 : i32
        %dma_wait3A_93 = tpu.memref_slice %arg11[%dma_wait3A_91, %dma_wait3A_92] : memref<10240x128xf32, #tpu.memory_space<vmem_shared>> -> memref<10240x128xf32, #tpu.memory_space<vmem_shared>>
        tpu.wait_indirect_dma semaphore(%run_scoped3A_81 : memref<!tpu.dma_semaphore, #tpu.memory_space<semaphore_mem>>) src(%arg9 : memref<80x128xf32, #tpu.memory_space<vmem>>) dst(%dma_wait3A_93 : memref<10240x128xf32, #tpu.memory_space<vmem_shared>>)
        tpu.yield
      }) : () -> ()
      %dma_wait3A_65 = arith.constant 0 : i32
      %dma_wait3A_66 = arith.constant 0 : i32
      %dma_wait3A_67 = tpu.memref_slice %arg6[%dma_wait3A_65, %dma_wait3A_66] : memref<25x80xi32, #tpu.memory_space<vmem>> -> memref<1x80xi32, #tpu.memory_space<vmem>>
      %dma_wait3A_68 = tpu.memref_squeeze %dma_wait3A_67 : memref<1x80xi32, #tpu.memory_space<vmem>> -> memref<80xi32, #tpu.memory_space<vmem>>
      %dma_wait3A_69 = arith.constant 0 : i32
      %dma_wait3A_70 = arith.constant 0 : i32
      %dma_wait3A_71 = tpu.memref_slice %arg2[%dma_wait3A_69, %dma_wait3A_70] : memref<10000x128xf32, #tpu.memory_space<hbm>> -> memref<10000x128xf32, #tpu.memory_space<hbm>>
      tpu.wait_indirect_dma semaphore(%arg14 : memref<!tpu.dma_semaphore, #tpu.memory_space<semaphore_mem>>) src(%dma_wait3A_71 : memref<10000x128xf32, #tpu.memory_space<hbm>>) dst(%arg10 : memref<80x128xf32, #tpu.memory_space<vmem>>)
      %run_scoped3A_72 = arith.constant 23 : i32
      "tpu.region"() ({
        %run_scoped3A_81 = tpu.sem_alloc : memref<!tpu.dma_semaphore, #tpu.memory_space<semaphore_mem>>
        %dma_start3A_82 = arith.constant 0 : i32
        %dma_start3A_83 = tpu.memref_slice %arg7[%run_scoped3A_72, %dma_start3A_82] : memref<25x80xi32, #tpu.memory_space<vmem>> -> memref<1x80xi32, #tpu.memory_space<vmem>>
        %dma_start3A_84 = tpu.memref_squeeze %dma_start3A_83 : memref<1x80xi32, #tpu.memory_space<vmem>> -> memref<80xi32, #tpu.memory_space<vmem>>
        %dma_start3A_85 = arith.constant 0 : i32
        %dma_start3A_86 = arith.constant 0 : i32
        %dma_start3A_87 = tpu.memref_slice %arg11[%dma_start3A_85, %dma_start3A_86] : memref<10240x128xf32, #tpu.memory_space<vmem_shared>> -> memref<10240x128xf32, #tpu.memory_space<vmem_shared>>
        tpu.enqueue_indirect_dma source(%arg10 : memref<80x128xf32, #tpu.memory_space<vmem>>) target(%dma_start3A_87 : memref<10240x128xf32, #tpu.memory_space<vmem_shared>>) offsets(%dma_start3A_84 : memref<80xi32, #tpu.memory_space<vmem>>) semaphore(%run_scoped3A_81 : memref<!tpu.dma_semaphore, #tpu.memory_space<semaphore_mem>>) {add = true}
        %dma_wait3A_88 = arith.constant 0 : i32
        %dma_wait3A_89 = tpu.memref_slice %arg7[%run_scoped3A_72, %dma_wait3A_88] : memref<25x80xi32, #tpu.memory_space<vmem>> -> memref<1x80xi32, #tpu.memory_space<vmem>>
        %dma_wait3A_90 = tpu.memref_squeeze %dma_wait3A_89 : memref<1x80xi32, #tpu.memory_space<vmem>> -> memref<80xi32, #tpu.memory_space<vmem>>
        %dma_wait3A_91 = arith.constant 0 : i32
        %dma_wait3A_92 = arith.constant 0 : i32
        %dma_wait3A_93 = tpu.memref_slice %arg11[%dma_wait3A_91, %dma_wait3A_92] : memref<10240x128xf32, #tpu.memory_space<vmem_shared>> -> memref<10240x128xf32, #tpu.memory_space<vmem_shared>>
        tpu.wait_indirect_dma semaphore(%run_scoped3A_81 : memref<!tpu.dma_semaphore, #tpu.memory_space<semaphore_mem>>) src(%arg10 : memref<80x128xf32, #tpu.memory_space<vmem>>) dst(%dma_wait3A_93 : memref<10240x128xf32, #tpu.memory_space<vmem_shared>>)
        tpu.yield
      }) : () -> ()
      %dma_wait3A_73 = arith.constant 0 : i32
      %dma_wait3A_74 = arith.constant 0 : i32
      %dma_wait3A_75 = tpu.memref_slice %arg6[%dma_wait3A_73, %dma_wait3A_74] : memref<25x80xi32, #tpu.memory_space<vmem>> -> memref<1x80xi32, #tpu.memory_space<vmem>>
      %dma_wait3A_76 = tpu.memref_squeeze %dma_wait3A_75 : memref<1x80xi32, #tpu.memory_space<vmem>> -> memref<80xi32, #tpu.memory_space<vmem>>
      %dma_wait3A_77 = arith.constant 0 : i32
      %dma_wait3A_78 = arith.constant 0 : i32
      %dma_wait3A_79 = tpu.memref_slice %arg2[%dma_wait3A_77, %dma_wait3A_78] : memref<10000x128xf32, #tpu.memory_space<hbm>> -> memref<10000x128xf32, #tpu.memory_space<hbm>>
      tpu.wait_indirect_dma semaphore(%arg12 : memref<!tpu.dma_semaphore, #tpu.memory_space<semaphore_mem>>) src(%dma_wait3A_79 : memref<10000x128xf32, #tpu.memory_space<hbm>>) dst(%arg8 : memref<80x128xf32, #tpu.memory_space<vmem>>)
      %run_scoped3A_80 = arith.constant 24 : i32
      "tpu.region"() ({
        %run_scoped3A_81 = tpu.sem_alloc : memref<!tpu.dma_semaphore, #tpu.memory_space<semaphore_mem>>
        %dma_start3A_82 = arith.constant 0 : i32
        %dma_start3A_83 = tpu.memref_slice %arg7[%run_scoped3A_80, %dma_start3A_82] : memref<25x80xi32, #tpu.memory_space<vmem>> -> memref<1x80xi32, #tpu.memory_space<vmem>>
        %dma_start3A_84 = tpu.memref_squeeze %dma_start3A_83 : memref<1x80xi32, #tpu.memory_space<vmem>> -> memref<80xi32, #tpu.memory_space<vmem>>
        %dma_start3A_85 = arith.constant 0 : i32
        %dma_start3A_86 = arith.constant 0 : i32
        %dma_start3A_87 = tpu.memref_slice %arg11[%dma_start3A_85, %dma_start3A_86] : memref<10240x128xf32, #tpu.memory_space<vmem_shared>> -> memref<10240x128xf32, #tpu.memory_space<vmem_shared>>
        tpu.enqueue_indirect_dma source(%arg8 : memref<80x128xf32, #tpu.memory_space<vmem>>) target(%dma_start3A_87 : memref<10240x128xf32, #tpu.memory_space<vmem_shared>>) offsets(%dma_start3A_84 : memref<80xi32, #tpu.memory_space<vmem>>) semaphore(%run_scoped3A_81 : memref<!tpu.dma_semaphore, #tpu.memory_space<semaphore_mem>>) {add = true}
        %dma_wait3A_88 = arith.constant 0 : i32
        %dma_wait3A_89 = tpu.memref_slice %arg7[%run_scoped3A_80, %dma_wait3A_88] : memref<25x80xi32, #tpu.memory_space<vmem>> -> memref<1x80xi32, #tpu.memory_space<vmem>>
        %dma_wait3A_90 = tpu.memref_squeeze %dma_wait3A_89 : memref<1x80xi32, #tpu.memory_space<vmem>> -> memref<80xi32, #tpu.memory_space<vmem>>
        %dma_wait3A_91 = arith.constant 0 : i32
        %dma_wait3A_92 = arith.constant 0 : i32
        %dma_wait3A_93 = tpu.memref_slice %arg11[%dma_wait3A_91, %dma_wait3A_92] : memref<10240x128xf32, #tpu.memory_space<vmem_shared>> -> memref<10240x128xf32, #tpu.memory_space<vmem_shared>>
        tpu.wait_indirect_dma semaphore(%run_scoped3A_81 : memref<!tpu.dma_semaphore, #tpu.memory_space<semaphore_mem>>) src(%arg8 : memref<80x128xf32, #tpu.memory_space<vmem>>) dst(%dma_wait3A_93 : memref<10240x128xf32, #tpu.memory_space<vmem_shared>>)
        tpu.yield
      }) : () -> ()
    }
    %scan3A_16 = arith.constant 5 : i32
    %barrier3A_17 = arith.constant 0 : index
    tpu.barrier barrier_id(%barrier3A_17)
    "tpu.region"() ({
      %run_scoped3A = tpu.sem_alloc : memref<!tpu.dma_semaphore, #tpu.memory_space<semaphore_mem>>
      %dma_start3A = arith.constant 0 : i32
      %dma_start3A_18 = tpu.memref_slice %arg5[%arg0, %mul3A_2, %dma_start3A] : memref<2x10240x128xf32, #tpu.memory_space<hbm>> -> memref<1x640x128xf32, #tpu.memory_space<hbm>>
      %dma_start3A_19 = tpu.memref_squeeze %dma_start3A_18 : memref<1x640x128xf32, #tpu.memory_space<hbm>> -> memref<640x128xf32, #tpu.memory_space<hbm>>
      %dma_start3A_20 = arith.constant 0 : i32
      %dma_start3A_21 = tpu.memref_slice %arg11[%mul3A_2, %dma_start3A_20] : memref<10240x128xf32, #tpu.memory_space<vmem_shared>> -> memref<640x128xf32, #tpu.memory_space<vmem_shared>>
      tpu.enqueue_dma source(%dma_start3A_21 : memref<640x128xf32, #tpu.memory_space<vmem_shared>>) target(%dma_start3A_19 : memref<640x128xf32, #tpu.memory_space<hbm>>) target_semaphore(%run_scoped3A : memref<!tpu.dma_semaphore, #tpu.memory_space<semaphore_mem>>)
      %dma_wait3A = arith.constant 0 : i32
      %dma_wait3A_22 = tpu.memref_slice %arg5[%arg0, %mul3A_2, %dma_wait3A] : memref<2x10240x128xf32, #tpu.memory_space<hbm>> -> memref<1x640x128xf32, #tpu.memory_space<hbm>>
      %dma_wait3A_23 = tpu.memref_squeeze %dma_wait3A_22 : memref<1x640x128xf32, #tpu.memory_space<hbm>> -> memref<640x128xf32, #tpu.memory_space<hbm>>
      %dma_wait3A_24 = arith.constant 0 : i32
      %dma_wait3A_25 = tpu.memref_slice %arg11[%mul3A_2, %dma_wait3A_24] : memref<10240x128xf32, #tpu.memory_space<vmem_shared>> -> memref<640x128xf32, #tpu.memory_space<vmem_shared>>
      tpu.wait_dma2 semaphore(%run_scoped3A : memref<!tpu.dma_semaphore, #tpu.memory_space<semaphore_mem>>) src(%dma_wait3A_25 : memref<640x128xf32, #tpu.memory_space<vmem_shared>>) dst(%dma_wait3A_23 : memref<640x128xf32, #tpu.memory_space<hbm>>)
      tpu.yield
    }) : () -> ()
    return
  }
}

#map = affine_map<(d0, d1) -> (0, 0)>
#map1 = affine_map<(d0, d1) -> (0, 0, 0, 0)>
#map2 = affine_map<(d0, d1) -> (0, 0, 0)>
module attributes {stable_mosaic.version = 14 : i64} {
  func.func @_edge_body(%arg0: i32, %arg1: i32, %arg2: memref<10000x128xf32, #tpu.memory_space<hbm>>, %arg3: memref<32x5x25x80xi32, #tpu.memory_space<hbm>>, %arg4: memref<32x5x25x80xi32, #tpu.memory_space<hbm>>, %arg5: memref<2x10240x128xf32, #tpu.memory_space<hbm>>, %arg6: memref<25x80xi32, #tpu.memory_space<vmem>>, %arg7: memref<25x80xi32, #tpu.memory_space<vmem>>, %arg8: memref<80x128xf32, #tpu.memory_space<vmem>>, %arg9: memref<80x128xf32, #tpu.memory_space<vmem>>, %arg10: memref<80x128xf32, #tpu.memory_space<vmem>>, %arg11: memref<10240x128xf32, #tpu.memory_space<vmem_shared>>, %arg12: memref<!tpu.dma_semaphore, #tpu.memory_space<semaphore_mem>>, %arg13: memref<!tpu.dma_semaphore, #tpu.memory_space<semaphore_mem>>, %arg14: memref<!tpu.dma_semaphore, #tpu.memory_space<semaphore_mem>>) attributes {dimension_semantics = [#tpu.dimension_semantics<core_parallel>, #tpu.dimension_semantics<subcore_parallel>], iteration_bounds = array<i64: 2, 16>, scalar_prefetch = 0 : i64, scratch_operands = 9 : i64, tpu.core_type = #tpu.core_type<sc_vector_subcore>, window_params = [{transform_indices = #map}, {transform_indices = #map1}, {transform_indices = #map1}, {transform_indices = #map2}]} {
    %mul3A = arith.constant 2 : i32
    %mul3A_0 = arith.muli %arg1, %mul3A : i32
    %add3A = arith.addi %mul3A_0, %arg0 : i32
    %mul3A_1 = arith.constant 640 : i32
    %mul3A_2 = arith.muli %arg1, %mul3A_1 : i32
    %scan3A = arith.constant 0 : i32
    %scan3A_3 = arith.constant 80 : i32
    %scan3A_4 = arith.addi %scan3A, %scan3A_3 : i32
    %scan3A_5 = arith.constant 1 : i32
    scf.for %scan3A_18 = %scan3A to %scan3A_4 step %scan3A_5  : i32 {
      %broadcast_in_dim3A = arith.constant 0.000000e+00 : f32
      %broadcast_in_dim3A_19 = vector.broadcast %broadcast_in_dim3A : f32 to vector<16xf32>
      %swap3A = arith.index_cast %scan3A_18 : i32 to index
      %swap3A_20 = arith.constant 0 : index
      %swap3A_21 = tpu.vector_load %arg8[%swap3A, %swap3A_20] {strides = array<i32>} : memref<80x128xf32, #tpu.memory_space<vmem>>, vector<1x16xf32>,
      %swap3A_22 = vector.shape_cast %swap3A_21 : vector<1x16xf32> to vector<16xf32>
      %swap3A_23 = vector.shape_cast %broadcast_in_dim3A_19 : vector<16xf32> to vector<1x16xf32>
      tpu.vector_store %arg8[%swap3A, %swap3A_20], %swap3A_23 {strides = array<i32>} : memref<80x128xf32, #tpu.memory_space<vmem>>, vector<1x16xf32>,
      %broadcast_in_dim3A_24 = arith.constant 0.000000e+00 : f32
      %broadcast_in_dim3A_25 = vector.broadcast %broadcast_in_dim3A_24 : f32 to vector<16xf32>
      %swap3A_26 = arith.index_cast %scan3A_18 : i32 to index
      %swap3A_27 = arith.constant 16 : index
      %swap3A_28 = tpu.vector_load %arg8[%swap3A_26, %swap3A_27] {strides = array<i32>} : memref<80x128xf32, #tpu.memory_space<vmem>>, vector<1x16xf32>,
      %swap3A_29 = vector.shape_cast %swap3A_28 : vector<1x16xf32> to vector<16xf32>
      %swap3A_30 = vector.shape_cast %broadcast_in_dim3A_25 : vector<16xf32> to vector<1x16xf32>
      tpu.vector_store %arg8[%swap3A_26, %swap3A_27], %swap3A_30 {strides = array<i32>} : memref<80x128xf32, #tpu.memory_space<vmem>>, vector<1x16xf32>,
      %broadcast_in_dim3A_31 = arith.constant 0.000000e+00 : f32
      %broadcast_in_dim3A_32 = vector.broadcast %broadcast_in_dim3A_31 : f32 to vector<16xf32>
      %swap3A_33 = arith.index_cast %scan3A_18 : i32 to index
      %swap3A_34 = arith.constant 32 : index
      %swap3A_35 = tpu.vector_load %arg8[%swap3A_33, %swap3A_34] {strides = array<i32>} : memref<80x128xf32, #tpu.memory_space<vmem>>, vector<1x16xf32>,
      %swap3A_36 = vector.shape_cast %swap3A_35 : vector<1x16xf32> to vector<16xf32>
      %swap3A_37 = vector.shape_cast %broadcast_in_dim3A_32 : vector<16xf32> to vector<1x16xf32>
      tpu.vector_store %arg8[%swap3A_33, %swap3A_34], %swap3A_37 {strides = array<i32>} : memref<80x128xf32, #tpu.memory_space<vmem>>, vector<1x16xf32>,
      %broadcast_in_dim3A_38 = arith.constant 0.000000e+00 : f32
      %broadcast_in_dim3A_39 = vector.broadcast %broadcast_in_dim3A_38 : f32 to vector<16xf32>
      %swap3A_40 = arith.index_cast %scan3A_18 : i32 to index
      %swap3A_41 = arith.constant 48 : index
      %swap3A_42 = tpu.vector_load %arg8[%swap3A_40, %swap3A_41] {strides = array<i32>} : memref<80x128xf32, #tpu.memory_space<vmem>>, vector<1x16xf32>,
      %swap3A_43 = vector.shape_cast %swap3A_42 : vector<1x16xf32> to vector<16xf32>
      %swap3A_44 = vector.shape_cast %broadcast_in_dim3A_39 : vector<16xf32> to vector<1x16xf32>
      tpu.vector_store %arg8[%swap3A_40, %swap3A_41], %swap3A_44 {strides = array<i32>} : memref<80x128xf32, #tpu.memory_space<vmem>>, vector<1x16xf32>,
      %broadcast_in_dim3A_45 = arith.constant 0.000000e+00 : f32
      %broadcast_in_dim3A_46 = vector.broadcast %broadcast_in_dim3A_45 : f32 to vector<16xf32>
      %swap3A_47 = arith.index_cast %scan3A_18 : i32 to index
      %swap3A_48 = arith.constant 64 : index
      %swap3A_49 = tpu.vector_load %arg8[%swap3A_47, %swap3A_48] {strides = array<i32>} : memref<80x128xf32, #tpu.memory_space<vmem>>, vector<1x16xf32>,
      %swap3A_50 = vector.shape_cast %swap3A_49 : vector<1x16xf32> to vector<16xf32>
      %swap3A_51 = vector.shape_cast %broadcast_in_dim3A_46 : vector<16xf32> to vector<1x16xf32>
      tpu.vector_store %arg8[%swap3A_47, %swap3A_48], %swap3A_51 {strides = array<i32>} : memref<80x128xf32, #tpu.memory_space<vmem>>, vector<1x16xf32>,
      %broadcast_in_dim3A_52 = arith.constant 0.000000e+00 : f32
      %broadcast_in_dim3A_53 = vector.broadcast %broadcast_in_dim3A_52 : f32 to vector<16xf32>
      %swap3A_54 = arith.index_cast %scan3A_18 : i32 to index
      %swap3A_55 = arith.constant 80 : index
      %swap3A_56 = tpu.vector_load %arg8[%swap3A_54, %swap3A_55] {strides = array<i32>} : memref<80x128xf32, #tpu.memory_space<vmem>>, vector<1x16xf32>,
      %swap3A_57 = vector.shape_cast %swap3A_56 : vector<1x16xf32> to vector<16xf32>
      %swap3A_58 = vector.shape_cast %broadcast_in_dim3A_53 : vector<16xf32> to vector<1x16xf32>
      tpu.vector_store %arg8[%swap3A_54, %swap3A_55], %swap3A_58 {strides = array<i32>} : memref<80x128xf32, #tpu.memory_space<vmem>>, vector<1x16xf32>,
      %broadcast_in_dim3A_59 = arith.constant 0.000000e+00 : f32
      %broadcast_in_dim3A_60 = vector.broadcast %broadcast_in_dim3A_59 : f32 to vector<16xf32>
      %swap3A_61 = arith.index_cast %scan3A_18 : i32 to index
      %swap3A_62 = arith.constant 96 : index
      %swap3A_63 = tpu.vector_load %arg8[%swap3A_61, %swap3A_62] {strides = array<i32>} : memref<80x128xf32, #tpu.memory_space<vmem>>, vector<1x16xf32>,
      %swap3A_64 = vector.shape_cast %swap3A_63 : vector<1x16xf32> to vector<16xf32>
      %swap3A_65 = vector.shape_cast %broadcast_in_dim3A_60 : vector<16xf32> to vector<1x16xf32>
      tpu.vector_store %arg8[%swap3A_61, %swap3A_62], %swap3A_65 {strides = array<i32>} : memref<80x128xf32, #tpu.memory_space<vmem>>, vector<1x16xf32>,
      %broadcast_in_dim3A_66 = arith.constant 0.000000e+00 : f32
      %broadcast_in_dim3A_67 = vector.broadcast %broadcast_in_dim3A_66 : f32 to vector<16xf32>
      %swap3A_68 = arith.index_cast %scan3A_18 : i32 to index
      %swap3A_69 = arith.constant 112 : index
      %swap3A_70 = tpu.vector_load %arg8[%swap3A_68, %swap3A_69] {strides = array<i32>} : memref<80x128xf32, #tpu.memory_space<vmem>>, vector<1x16xf32>,
      %swap3A_71 = vector.shape_cast %swap3A_70 : vector<1x16xf32> to vector<16xf32>
      %swap3A_72 = vector.shape_cast %broadcast_in_dim3A_67 : vector<16xf32> to vector<1x16xf32>
      tpu.vector_store %arg8[%swap3A_68, %swap3A_69], %swap3A_72 {strides = array<i32>} : memref<80x128xf32, #tpu.memory_space<vmem>>, vector<1x16xf32>,
    }
    %scan3A_6 = arith.constant 80 : i32
    %scan3A_7 = arith.constant 0 : i32
    %scan3A_8 = arith.constant 8 : i32
    %scan3A_9 = arith.addi %scan3A_7, %scan3A_8 : i32
    %scan3A_10 = arith.constant 1 : i32
    scf.for %scan3A_18 = %scan3A_7 to %scan3A_9 step %scan3A_10  : i32 {
      %mul3A_19 = arith.constant 80 : i32
      %mul3A_20 = arith.muli %scan3A_18, %mul3A_19 : i32
      %add3A_21 = arith.addi %mul3A_2, %mul3A_20 : i32
      "tpu.region"() ({
        %run_scoped3A = tpu.sem_alloc : memref<!tpu.dma_semaphore, #tpu.memory_space<semaphore_mem>>
        %dma_start3A = arith.constant 0 : i32
        %dma_start3A_22 = tpu.memref_slice %arg11[%add3A_21, %dma_start3A] : memref<10240x128xf32, #tpu.memory_space<vmem_shared>> -> memref<80x128xf32, #tpu.memory_space<vmem_shared>>
        %dma_start3A_23 = arith.constant 0 : i32
        %dma_start3A_24 = tpu.memref_slice %arg11[%add3A_21, %dma_start3A_23] : memref<10240x128xf32, #tpu.memory_space<vmem_shared>> -> memref<80x128xf32, #tpu.memory_space<vmem_shared>>
        tpu.enqueue_dma source(%arg8 : memref<80x128xf32, #tpu.memory_space<vmem>>) target(%dma_start3A_24 : memref<80x128xf32, #tpu.memory_space<vmem_shared>>) target_semaphore(%run_scoped3A : memref<!tpu.dma_semaphore, #tpu.memory_space<semaphore_mem>>)
        %dma_wait3A = arith.constant 0 : i32
        %dma_wait3A_25 = tpu.memref_slice %arg11[%add3A_21, %dma_wait3A] : memref<10240x128xf32, #tpu.memory_space<vmem_shared>> -> memref<80x128xf32, #tpu.memory_space<vmem_shared>>
        %dma_wait3A_26 = arith.constant 0 : i32
        %dma_wait3A_27 = tpu.memref_slice %arg11[%add3A_21, %dma_wait3A_26] : memref<10240x128xf32, #tpu.memory_space<vmem_shared>> -> memref<80x128xf32, #tpu.memory_space<vmem_shared>>
        tpu.wait_dma2 semaphore(%run_scoped3A : memref<!tpu.dma_semaphore, #tpu.memory_space<semaphore_mem>>) src(%arg8 : memref<80x128xf32, #tpu.memory_space<vmem>>) dst(%dma_wait3A_27 : memref<80x128xf32, #tpu.memory_space<vmem_shared>>)
        tpu.yield
      }) : () -> ()
    }
    %scan3A_11 = arith.constant 8 : i32
    %barrier3A = arith.constant 0 : index
    tpu.barrier barrier_id(%barrier3A)
    %scan3A_12 = arith.constant 0 : i32
    %scan3A_13 = arith.constant 5 : i32
    %scan3A_14 = arith.addi %scan3A_12, %scan3A_13 : i32
    %scan3A_15 = arith.constant 1 : i32
    scf.for %scan3A_18 = %scan3A_12 to %scan3A_14 step %scan3A_15  : i32 {
      "tpu.region"() ({
        %run_scoped3A_81 = tpu.sem_alloc : memref<!tpu.dma_semaphore, #tpu.memory_space<semaphore_mem>>
        %dma_start3A_82 = arith.constant 0 : i32
        %dma_start3A_83 = arith.constant 0 : i32
        %dma_start3A_84 = tpu.memref_slice %arg3[%add3A, %scan3A_18, %dma_start3A_82, %dma_start3A_83] : memref<32x5x25x80xi32, #tpu.memory_space<hbm>> -> memref<1x1x25x80xi32, #tpu.memory_space<hbm>>
        %dma_start3A_85 = tpu.memref_squeeze %dma_start3A_84 : memref<1x1x25x80xi32, #tpu.memory_space<hbm>> -> memref<25x80xi32, #tpu.memory_space<hbm>>
        %dma_start3A_86 = arith.constant 0 : i32
        %dma_start3A_87 = arith.constant 0 : i32
        %dma_start3A_88 = tpu.memref_slice %arg3[%add3A, %scan3A_18, %dma_start3A_86, %dma_start3A_87] : memref<32x5x25x80xi32, #tpu.memory_space<hbm>> -> memref<1x1x25x80xi32, #tpu.memory_space<hbm>>
        %dma_start3A_89 = tpu.memref_squeeze %dma_start3A_88 : memref<1x1x25x80xi32, #tpu.memory_space<hbm>> -> memref<25x80xi32, #tpu.memory_space<hbm>>
        tpu.enqueue_dma source(%dma_start3A_89 : memref<25x80xi32, #tpu.memory_space<hbm>>) target(%arg6 : memref<25x80xi32, #tpu.memory_space<vmem>>) target_semaphore(%run_scoped3A_81 : memref<!tpu.dma_semaphore, #tpu.memory_space<semaphore_mem>>)
        %dma_wait3A_90 = arith.constant 0 : i32
        %dma_wait3A_91 = arith.constant 0 : i32
        %dma_wait3A_92 = tpu.memref_slice %arg3[%add3A, %scan3A_18, %dma_wait3A_90, %dma_wait3A_91] : memref<32x5x25x80xi32, #tpu.memory_space<hbm>> -> memref<1x1x25x80xi32, #tpu.memory_space<hbm>>
        %dma_wait3A_93 = tpu.memref_squeeze %dma_wait3A_92 : memref<1x1x25x80xi32, #tpu.memory_space<hbm>> -> memref<25x80xi32, #tpu.memory_space<hbm>>
        %dma_wait3A_94 = arith.constant 0 : i32
        %dma_wait3A_95 = arith.constant 0 : i32
        %dma_wait3A_96 = tpu.memref_slice %arg3[%add3A, %scan3A_18, %dma_wait3A_94, %dma_wait3A_95] : memref<32x5x25x80xi32, #tpu.memory_space<hbm>> -> memref<1x1x25x80xi32, #tpu.memory_space<hbm>>
        %dma_wait3A_97 = tpu.memref_squeeze %dma_wait3A_96 : memref<1x1x25x80xi32, #tpu.memory_space<hbm>> -> memref<25x80xi32, #tpu.memory_space<hbm>>
        tpu.wait_dma2 semaphore(%run_scoped3A_81 : memref<!tpu.dma_semaphore, #tpu.memory_space<semaphore_mem>>) src(%dma_wait3A_97 : memref<25x80xi32, #tpu.memory_space<hbm>>) dst(%arg6 : memref<25x80xi32, #tpu.memory_space<vmem>>)
        tpu.yield
      }) : () -> ()
      "tpu.region"() ({
        %run_scoped3A_81 = tpu.sem_alloc : memref<!tpu.dma_semaphore, #tpu.memory_space<semaphore_mem>>
        %dma_start3A_82 = arith.constant 0 : i32
        %dma_start3A_83 = arith.constant 0 : i32
        %dma_start3A_84 = tpu.memref_slice %arg4[%add3A, %scan3A_18, %dma_start3A_82, %dma_start3A_83] : memref<32x5x25x80xi32, #tpu.memory_space<hbm>> -> memref<1x1x25x80xi32, #tpu.memory_space<hbm>>
        %dma_start3A_85 = tpu.memref_squeeze %dma_start3A_84 : memref<1x1x25x80xi32, #tpu.memory_space<hbm>> -> memref<25x80xi32, #tpu.memory_space<hbm>>
        %dma_start3A_86 = arith.constant 0 : i32
        %dma_start3A_87 = arith.constant 0 : i32
        %dma_start3A_88 = tpu.memref_slice %arg4[%add3A, %scan3A_18, %dma_start3A_86, %dma_start3A_87] : memref<32x5x25x80xi32, #tpu.memory_space<hbm>> -> memref<1x1x25x80xi32, #tpu.memory_space<hbm>>
        %dma_start3A_89 = tpu.memref_squeeze %dma_start3A_88 : memref<1x1x25x80xi32, #tpu.memory_space<hbm>> -> memref<25x80xi32, #tpu.memory_space<hbm>>
        tpu.enqueue_dma source(%dma_start3A_89 : memref<25x80xi32, #tpu.memory_space<hbm>>) target(%arg7 : memref<25x80xi32, #tpu.memory_space<vmem>>) target_semaphore(%run_scoped3A_81 : memref<!tpu.dma_semaphore, #tpu.memory_space<semaphore_mem>>)
        %dma_wait3A_90 = arith.constant 0 : i32
        %dma_wait3A_91 = arith.constant 0 : i32
        %dma_wait3A_92 = tpu.memref_slice %arg4[%add3A, %scan3A_18, %dma_wait3A_90, %dma_wait3A_91] : memref<32x5x25x80xi32, #tpu.memory_space<hbm>> -> memref<1x1x25x80xi32, #tpu.memory_space<hbm>>
        %dma_wait3A_93 = tpu.memref_squeeze %dma_wait3A_92 : memref<1x1x25x80xi32, #tpu.memory_space<hbm>> -> memref<25x80xi32, #tpu.memory_space<hbm>>
        %dma_wait3A_94 = arith.constant 0 : i32
        %dma_wait3A_95 = arith.constant 0 : i32
        %dma_wait3A_96 = tpu.memref_slice %arg4[%add3A, %scan3A_18, %dma_wait3A_94, %dma_wait3A_95] : memref<32x5x25x80xi32, #tpu.memory_space<hbm>> -> memref<1x1x25x80xi32, #tpu.memory_space<hbm>>
        %dma_wait3A_97 = tpu.memref_squeeze %dma_wait3A_96 : memref<1x1x25x80xi32, #tpu.memory_space<hbm>> -> memref<25x80xi32, #tpu.memory_space<hbm>>
        tpu.wait_dma2 semaphore(%run_scoped3A_81 : memref<!tpu.dma_semaphore, #tpu.memory_space<semaphore_mem>>) src(%dma_wait3A_97 : memref<25x80xi32, #tpu.memory_space<hbm>>) dst(%arg7 : memref<25x80xi32, #tpu.memory_space<vmem>>)
        tpu.yield
      }) : () -> ()
      %dma_start3A = arith.constant 0 : i32
      %dma_start3A_19 = arith.constant 0 : i32
      %dma_start3A_20 = tpu.memref_slice %arg6[%dma_start3A, %dma_start3A_19] : memref<25x80xi32, #tpu.memory_space<vmem>> -> memref<1x80xi32, #tpu.memory_space<vmem>>
      %dma_start3A_21 = tpu.memref_squeeze %dma_start3A_20 : memref<1x80xi32, #tpu.memory_space<vmem>> -> memref<80xi32, #tpu.memory_space<vmem>>
      %dma_start3A_22 = arith.constant 0 : i32
      %dma_start3A_23 = arith.constant 0 : i32
      %dma_start3A_24 = tpu.memref_slice %arg2[%dma_start3A_22, %dma_start3A_23] : memref<10000x128xf32, #tpu.memory_space<hbm>> -> memref<10000x128xf32, #tpu.memory_space<hbm>>
      tpu.enqueue_indirect_dma source(%dma_start3A_24 : memref<10000x128xf32, #tpu.memory_space<hbm>>) target(%arg8 : memref<80x128xf32, #tpu.memory_space<vmem>>) offsets(%dma_start3A_21 : memref<80xi32, #tpu.memory_space<vmem>>) semaphore(%arg12 : memref<!tpu.dma_semaphore, #tpu.memory_space<semaphore_mem>>)
      %dma_start3A_25 = arith.constant 1 : i32
      %dma_start3A_26 = arith.constant 0 : i32
      %dma_start3A_27 = tpu.memref_slice %arg6[%dma_start3A_25, %dma_start3A_26] : memref<25x80xi32, #tpu.memory_space<vmem>> -> memref<1x80xi32, #tpu.memory_space<vmem>>
      %dma_start3A_28 = tpu.memref_squeeze %dma_start3A_27 : memref<1x80xi32, #tpu.memory_space<vmem>> -> memref<80xi32, #tpu.memory_space<vmem>>
      %dma_start3A_29 = arith.constant 0 : i32
      %dma_start3A_30 = arith.constant 0 : i32
      %dma_start3A_31 = tpu.memref_slice %arg2[%dma_start3A_29, %dma_start3A_30] : memref<10000x128xf32, #tpu.memory_space<hbm>> -> memref<10000x128xf32, #tpu.memory_space<hbm>>
      tpu.enqueue_indirect_dma source(%dma_start3A_31 : memref<10000x128xf32, #tpu.memory_space<hbm>>) target(%arg9 : memref<80x128xf32, #tpu.memory_space<vmem>>) offsets(%dma_start3A_28 : memref<80xi32, #tpu.memory_space<vmem>>) semaphore(%arg13 : memref<!tpu.dma_semaphore, #tpu.memory_space<semaphore_mem>>)
      %scan3A_32 = arith.constant 0 : i32
      %scan3A_33 = arith.constant 7 : i32
      %scan3A_34 = arith.addi %scan3A_32, %scan3A_33 : i32
      %scan3A_35 = arith.constant 1 : i32
      scf.for %scan3A_81 = %scan3A_32 to %scan3A_34 step %scan3A_35  : i32 {
        %dma_wait3A_82 = arith.constant 0 : i32
        %dma_wait3A_83 = arith.constant 0 : i32
        %dma_wait3A_84 = tpu.memref_slice %arg6[%dma_wait3A_82, %dma_wait3A_83] : memref<25x80xi32, #tpu.memory_space<vmem>> -> memref<1x80xi32, #tpu.memory_space<vmem>>
        %dma_wait3A_85 = tpu.memref_squeeze %dma_wait3A_84 : memref<1x80xi32, #tpu.memory_space<vmem>> -> memref<80xi32, #tpu.memory_space<vmem>>
        %dma_wait3A_86 = arith.constant 0 : i32
        %dma_wait3A_87 = arith.constant 0 : i32
        %dma_wait3A_88 = tpu.memref_slice %arg2[%dma_wait3A_86, %dma_wait3A_87] : memref<10000x128xf32, #tpu.memory_space<hbm>> -> memref<10000x128xf32, #tpu.memory_space<hbm>>
        tpu.wait_indirect_dma semaphore(%arg12 : memref<!tpu.dma_semaphore, #tpu.memory_space<semaphore_mem>>) src(%dma_wait3A_88 : memref<10000x128xf32, #tpu.memory_space<hbm>>) dst(%arg8 : memref<80x128xf32, #tpu.memory_space<vmem>>)
        %mul3A_89 = arith.constant 3 : i32
        %mul3A_90 = arith.muli %mul3A_89, %scan3A_81 : i32
        %add3A_91 = arith.constant 2 : i32
        %add3A_92 = arith.addi %mul3A_90, %add3A_91 : i32
        %dma_start3A_93 = arith.constant 0 : i32
        %dma_start3A_94 = tpu.memref_slice %arg6[%add3A_92, %dma_start3A_93] : memref<25x80xi32, #tpu.memory_space<vmem>> -> memref<1x80xi32, #tpu.memory_space<vmem>>
        %dma_start3A_95 = tpu.memref_squeeze %dma_start3A_94 : memref<1x80xi32, #tpu.memory_space<vmem>> -> memref<80xi32, #tpu.memory_space<vmem>>
        %dma_start3A_96 = arith.constant 0 : i32
        %dma_start3A_97 = arith.constant 0 : i32
        %dma_start3A_98 = tpu.memref_slice %arg2[%dma_start3A_96, %dma_start3A_97] : memref<10000x128xf32, #tpu.memory_space<hbm>> -> memref<10000x128xf32, #tpu.memory_space<hbm>>
        tpu.enqueue_indirect_dma source(%dma_start3A_98 : memref<10000x128xf32, #tpu.memory_space<hbm>>) target(%arg10 : memref<80x128xf32, #tpu.memory_space<vmem>>) offsets(%dma_start3A_95 : memref<80xi32, #tpu.memory_space<vmem>>) semaphore(%arg14 : memref<!tpu.dma_semaphore, #tpu.memory_space<semaphore_mem>>)
        %mul3A_99 = arith.constant 3 : i32
        %mul3A_100 = arith.muli %mul3A_99, %scan3A_81 : i32
        "tpu.region"() ({
          %run_scoped3A_143 = tpu.sem_alloc : memref<!tpu.dma_semaphore, #tpu.memory_space<semaphore_mem>>
          %dma_start3A_144 = arith.constant 0 : i32
          %dma_start3A_145 = tpu.memref_slice %arg7[%mul3A_100, %dma_start3A_144] : memref<25x80xi32, #tpu.memory_space<vmem>> -> memref<1x80xi32, #tpu.memory_space<vmem>>
          %dma_start3A_146 = tpu.memref_squeeze %dma_start3A_145 : memref<1x80xi32, #tpu.memory_space<vmem>> -> memref<80xi32, #tpu.memory_space<vmem>>
          %dma_start3A_147 = arith.constant 0 : i32
          %dma_start3A_148 = arith.constant 0 : i32
          %dma_start3A_149 = tpu.memref_slice %arg11[%dma_start3A_147, %dma_start3A_148] : memref<10240x128xf32, #tpu.memory_space<vmem_shared>> -> memref<10240x128xf32, #tpu.memory_space<vmem_shared>>
          tpu.enqueue_indirect_dma source(%arg8 : memref<80x128xf32, #tpu.memory_space<vmem>>) target(%dma_start3A_149 : memref<10240x128xf32, #tpu.memory_space<vmem_shared>>) offsets(%dma_start3A_146 : memref<80xi32, #tpu.memory_space<vmem>>) semaphore(%run_scoped3A_143 : memref<!tpu.dma_semaphore, #tpu.memory_space<semaphore_mem>>) {add = true}
          %dma_wait3A_150 = arith.constant 0 : i32
          %dma_wait3A_151 = tpu.memref_slice %arg7[%mul3A_100, %dma_wait3A_150] : memref<25x80xi32, #tpu.memory_space<vmem>> -> memref<1x80xi32, #tpu.memory_space<vmem>>
          %dma_wait3A_152 = tpu.memref_squeeze %dma_wait3A_151 : memref<1x80xi32, #tpu.memory_space<vmem>> -> memref<80xi32, #tpu.memory_space<vmem>>
          %dma_wait3A_153 = arith.constant 0 : i32
          %dma_wait3A_154 = arith.constant 0 : i32
          %dma_wait3A_155 = tpu.memref_slice %arg11[%dma_wait3A_153, %dma_wait3A_154] : memref<10240x128xf32, #tpu.memory_space<vmem_shared>> -> memref<10240x128xf32, #tpu.memory_space<vmem_shared>>
          tpu.wait_indirect_dma semaphore(%run_scoped3A_143 : memref<!tpu.dma_semaphore, #tpu.memory_space<semaphore_mem>>) src(%arg8 : memref<80x128xf32, #tpu.memory_space<vmem>>) dst(%dma_wait3A_155 : memref<10240x128xf32, #tpu.memory_space<vmem_shared>>)
          tpu.yield
        }) : () -> ()
        %dma_wait3A_101 = arith.constant 0 : i32
        %dma_wait3A_102 = arith.constant 0 : i32
        %dma_wait3A_103 = tpu.memref_slice %arg6[%dma_wait3A_101, %dma_wait3A_102] : memref<25x80xi32, #tpu.memory_space<vmem>> -> memref<1x80xi32, #tpu.memory_space<vmem>>
        %dma_wait3A_104 = tpu.memref_squeeze %dma_wait3A_103 : memref<1x80xi32, #tpu.memory_space<vmem>> -> memref<80xi32, #tpu.memory_space<vmem>>
        %dma_wait3A_105 = arith.constant 0 : i32
        %dma_wait3A_106 = arith.constant 0 : i32
        %dma_wait3A_107 = tpu.memref_slice %arg2[%dma_wait3A_105, %dma_wait3A_106] : memref<10000x128xf32, #tpu.memory_space<hbm>> -> memref<10000x128xf32, #tpu.memory_space<hbm>>
        tpu.wait_indirect_dma semaphore(%arg13 : memref<!tpu.dma_semaphore, #tpu.memory_space<semaphore_mem>>) src(%dma_wait3A_107 : memref<10000x128xf32, #tpu.memory_space<hbm>>) dst(%arg9 : memref<80x128xf32, #tpu.memory_space<vmem>>)
        %mul3A_108 = arith.constant 3 : i32
        %mul3A_109 = arith.muli %mul3A_108, %scan3A_81 : i32
        %add3A_110 = arith.constant 3 : i32
        %add3A_111 = arith.addi %mul3A_109, %add3A_110 : i32
        %dma_start3A_112 = arith.constant 0 : i32
        %dma_start3A_113 = tpu.memref_slice %arg6[%add3A_111, %dma_start3A_112] : memref<25x80xi32, #tpu.memory_space<vmem>> -> memref<1x80xi32, #tpu.memory_space<vmem>>
        %dma_start3A_114 = tpu.memref_squeeze %dma_start3A_113 : memref<1x80xi32, #tpu.memory_space<vmem>> -> memref<80xi32, #tpu.memory_space<vmem>>
        %dma_start3A_115 = arith.constant 0 : i32
        %dma_start3A_116 = arith.constant 0 : i32
        %dma_start3A_117 = tpu.memref_slice %arg2[%dma_start3A_115, %dma_start3A_116] : memref<10000x128xf32, #tpu.memory_space<hbm>> -> memref<10000x128xf32, #tpu.memory_space<hbm>>
        tpu.enqueue_indirect_dma source(%dma_start3A_117 : memref<10000x128xf32, #tpu.memory_space<hbm>>) target(%arg8 : memref<80x128xf32, #tpu.memory_space<vmem>>) offsets(%dma_start3A_114 : memref<80xi32, #tpu.memory_space<vmem>>) semaphore(%arg12 : memref<!tpu.dma_semaphore, #tpu.memory_space<semaphore_mem>>)
        %mul3A_118 = arith.constant 3 : i32
        %mul3A_119 = arith.muli %mul3A_118, %scan3A_81 : i32
        %add3A_120 = arith.constant 1 : i32
        %add3A_121 = arith.addi %mul3A_119, %add3A_120 : i32
        "tpu.region"() ({
          %run_scoped3A_143 = tpu.sem_alloc : memref<!tpu.dma_semaphore, #tpu.memory_space<semaphore_mem>>
          %dma_start3A_144 = arith.constant 0 : i32
          %dma_start3A_145 = tpu.memref_slice %arg7[%add3A_121, %dma_start3A_144] : memref<25x80xi32, #tpu.memory_space<vmem>> -> memref<1x80xi32, #tpu.memory_space<vmem>>
          %dma_start3A_146 = tpu.memref_squeeze %dma_start3A_145 : memref<1x80xi32, #tpu.memory_space<vmem>> -> memref<80xi32, #tpu.memory_space<vmem>>
          %dma_start3A_147 = arith.constant 0 : i32
          %dma_start3A_148 = arith.constant 0 : i32
          %dma_start3A_149 = tpu.memref_slice %arg11[%dma_start3A_147, %dma_start3A_148] : memref<10240x128xf32, #tpu.memory_space<vmem_shared>> -> memref<10240x128xf32, #tpu.memory_space<vmem_shared>>
          tpu.enqueue_indirect_dma source(%arg9 : memref<80x128xf32, #tpu.memory_space<vmem>>) target(%dma_start3A_149 : memref<10240x128xf32, #tpu.memory_space<vmem_shared>>) offsets(%dma_start3A_146 : memref<80xi32, #tpu.memory_space<vmem>>) semaphore(%run_scoped3A_143 : memref<!tpu.dma_semaphore, #tpu.memory_space<semaphore_mem>>) {add = true}
          %dma_wait3A_150 = arith.constant 0 : i32
          %dma_wait3A_151 = tpu.memref_slice %arg7[%add3A_121, %dma_wait3A_150] : memref<25x80xi32, #tpu.memory_space<vmem>> -> memref<1x80xi32, #tpu.memory_space<vmem>>
          %dma_wait3A_152 = tpu.memref_squeeze %dma_wait3A_151 : memref<1x80xi32, #tpu.memory_space<vmem>> -> memref<80xi32, #tpu.memory_space<vmem>>
          %dma_wait3A_153 = arith.constant 0 : i32
          %dma_wait3A_154 = arith.constant 0 : i32
          %dma_wait3A_155 = tpu.memref_slice %arg11[%dma_wait3A_153, %dma_wait3A_154] : memref<10240x128xf32, #tpu.memory_space<vmem_shared>> -> memref<10240x128xf32, #tpu.memory_space<vmem_shared>>
          tpu.wait_indirect_dma semaphore(%run_scoped3A_143 : memref<!tpu.dma_semaphore, #tpu.memory_space<semaphore_mem>>) src(%arg9 : memref<80x128xf32, #tpu.memory_space<vmem>>) dst(%dma_wait3A_155 : memref<10240x128xf32, #tpu.memory_space<vmem_shared>>)
          tpu.yield
        }) : () -> ()
        %dma_wait3A_122 = arith.constant 0 : i32
        %dma_wait3A_123 = arith.constant 0 : i32
        %dma_wait3A_124 = tpu.memref_slice %arg6[%dma_wait3A_122, %dma_wait3A_123] : memref<25x80xi32, #tpu.memory_space<vmem>> -> memref<1x80xi32, #tpu.memory_space<vmem>>
        %dma_wait3A_125 = tpu.memref_squeeze %dma_wait3A_124 : memref<1x80xi32, #tpu.memory_space<vmem>> -> memref<80xi32, #tpu.memory_space<vmem>>
        %dma_wait3A_126 = arith.constant 0 : i32
        %dma_wait3A_127 = arith.constant 0 : i32
        %dma_wait3A_128 = tpu.memref_slice %arg2[%dma_wait3A_126, %dma_wait3A_127] : memref<10000x128xf32, #tpu.memory_space<hbm>> -> memref<10000x128xf32, #tpu.memory_space<hbm>>
        tpu.wait_indirect_dma semaphore(%arg14 : memref<!tpu.dma_semaphore, #tpu.memory_space<semaphore_mem>>) src(%dma_wait3A_128 : memref<10000x128xf32, #tpu.memory_space<hbm>>) dst(%arg10 : memref<80x128xf32, #tpu.memory_space<vmem>>)
        %mul3A_129 = arith.constant 3 : i32
        %mul3A_130 = arith.muli %mul3A_129, %scan3A_81 : i32
        %add3A_131 = arith.constant 4 : i32
        %add3A_132 = arith.addi %mul3A_130, %add3A_131 : i32
        %dma_start3A_133 = arith.constant 0 : i32
        %dma_start3A_134 = tpu.memref_slice %arg6[%add3A_132, %dma_start3A_133] : memref<25x80xi32, #tpu.memory_space<vmem>> -> memref<1x80xi32, #tpu.memory_space<vmem>>
        %dma_start3A_135 = tpu.memref_squeeze %dma_start3A_134 : memref<1x80xi32, #tpu.memory_space<vmem>> -> memref<80xi32, #tpu.memory_space<vmem>>
        %dma_start3A_136 = arith.constant 0 : i32
        %dma_start3A_137 = arith.constant 0 : i32
        %dma_start3A_138 = tpu.memref_slice %arg2[%dma_start3A_136, %dma_start3A_137] : memref<10000x128xf32, #tpu.memory_space<hbm>> -> memref<10000x128xf32, #tpu.memory_space<hbm>>
        tpu.enqueue_indirect_dma source(%dma_start3A_138 : memref<10000x128xf32, #tpu.memory_space<hbm>>) target(%arg9 : memref<80x128xf32, #tpu.memory_space<vmem>>) offsets(%dma_start3A_135 : memref<80xi32, #tpu.memory_space<vmem>>) semaphore(%arg13 : memref<!tpu.dma_semaphore, #tpu.memory_space<semaphore_mem>>)
        %mul3A_139 = arith.constant 3 : i32
        %mul3A_140 = arith.muli %mul3A_139, %scan3A_81 : i32
        %add3A_141 = arith.constant 2 : i32
        %add3A_142 = arith.addi %mul3A_140, %add3A_141 : i32
        "tpu.region"() ({
          %run_scoped3A_143 = tpu.sem_alloc : memref<!tpu.dma_semaphore, #tpu.memory_space<semaphore_mem>>
          %dma_start3A_144 = arith.constant 0 : i32
          %dma_start3A_145 = tpu.memref_slice %arg7[%add3A_142, %dma_start3A_144] : memref<25x80xi32, #tpu.memory_space<vmem>> -> memref<1x80xi32, #tpu.memory_space<vmem>>
          %dma_start3A_146 = tpu.memref_squeeze %dma_start3A_145 : memref<1x80xi32, #tpu.memory_space<vmem>> -> memref<80xi32, #tpu.memory_space<vmem>>
          %dma_start3A_147 = arith.constant 0 : i32
          %dma_start3A_148 = arith.constant 0 : i32
          %dma_start3A_149 = tpu.memref_slice %arg11[%dma_start3A_147, %dma_start3A_148] : memref<10240x128xf32, #tpu.memory_space<vmem_shared>> -> memref<10240x128xf32, #tpu.memory_space<vmem_shared>>
          tpu.enqueue_indirect_dma source(%arg10 : memref<80x128xf32, #tpu.memory_space<vmem>>) target(%dma_start3A_149 : memref<10240x128xf32, #tpu.memory_space<vmem_shared>>) offsets(%dma_start3A_146 : memref<80xi32, #tpu.memory_space<vmem>>) semaphore(%run_scoped3A_143 : memref<!tpu.dma_semaphore, #tpu.memory_space<semaphore_mem>>) {add = true}
          %dma_wait3A_150 = arith.constant 0 : i32
          %dma_wait3A_151 = tpu.memref_slice %arg7[%add3A_142, %dma_wait3A_150] : memref<25x80xi32, #tpu.memory_space<vmem>> -> memref<1x80xi32, #tpu.memory_space<vmem>>
          %dma_wait3A_152 = tpu.memref_squeeze %dma_wait3A_151 : memref<1x80xi32, #tpu.memory_space<vmem>> -> memref<80xi32, #tpu.memory_space<vmem>>
          %dma_wait3A_153 = arith.constant 0 : i32
          %dma_wait3A_154 = arith.constant 0 : i32
          %dma_wait3A_155 = tpu.memref_slice %arg11[%dma_wait3A_153, %dma_wait3A_154] : memref<10240x128xf32, #tpu.memory_space<vmem_shared>> -> memref<10240x128xf32, #tpu.memory_space<vmem_shared>>
          tpu.wait_indirect_dma semaphore(%run_scoped3A_143 : memref<!tpu.dma_semaphore, #tpu.memory_space<semaphore_mem>>) src(%arg10 : memref<80x128xf32, #tpu.memory_space<vmem>>) dst(%dma_wait3A_155 : memref<10240x128xf32, #tpu.memory_space<vmem_shared>>)
          tpu.yield
        }) : () -> ()
      }
      %scan3A_36 = arith.constant 7 : i32
      %dma_wait3A = arith.constant 0 : i32
      %dma_wait3A_37 = arith.constant 0 : i32
      %dma_wait3A_38 = tpu.memref_slice %arg6[%dma_wait3A, %dma_wait3A_37] : memref<25x80xi32, #tpu.memory_space<vmem>> -> memref<1x80xi32, #tpu.memory_space<vmem>>
      %dma_wait3A_39 = tpu.memref_squeeze %dma_wait3A_38 : memref<1x80xi32, #tpu.memory_space<vmem>> -> memref<80xi32, #tpu.memory_space<vmem>>
      %dma_wait3A_40 = arith.constant 0 : i32
      %dma_wait3A_41 = arith.constant 0 : i32
      %dma_wait3A_42 = tpu.memref_slice %arg2[%dma_wait3A_40, %dma_wait3A_41] : memref<10000x128xf32, #tpu.memory_space<hbm>> -> memref<10000x128xf32, #tpu.memory_space<hbm>>
      tpu.wait_indirect_dma semaphore(%arg12 : memref<!tpu.dma_semaphore, #tpu.memory_space<semaphore_mem>>) src(%dma_wait3A_42 : memref<10000x128xf32, #tpu.memory_space<hbm>>) dst(%arg8 : memref<80x128xf32, #tpu.memory_space<vmem>>)
      %dma_start3A_43 = arith.constant 23 : i32
      %dma_start3A_44 = arith.constant 0 : i32
      %dma_start3A_45 = tpu.memref_slice %arg6[%dma_start3A_43, %dma_start3A_44] : memref<25x80xi32, #tpu.memory_space<vmem>> -> memref<1x80xi32, #tpu.memory_space<vmem>>
      %dma_start3A_46 = tpu.memref_squeeze %dma_start3A_45 : memref<1x80xi32, #tpu.memory_space<vmem>> -> memref<80xi32, #tpu.memory_space<vmem>>
      %dma_start3A_47 = arith.constant 0 : i32
      %dma_start3A_48 = arith.constant 0 : i32
      %dma_start3A_49 = tpu.memref_slice %arg2[%dma_start3A_47, %dma_start3A_48] : memref<10000x128xf32, #tpu.memory_space<hbm>> -> memref<10000x128xf32, #tpu.memory_space<hbm>>
      tpu.enqueue_indirect_dma source(%dma_start3A_49 : memref<10000x128xf32, #tpu.memory_space<hbm>>) target(%arg10 : memref<80x128xf32, #tpu.memory_space<vmem>>) offsets(%dma_start3A_46 : memref<80xi32, #tpu.memory_space<vmem>>) semaphore(%arg14 : memref<!tpu.dma_semaphore, #tpu.memory_space<semaphore_mem>>)
      %run_scoped3A = arith.constant 21 : i32
      "tpu.region"() ({
        %run_scoped3A_81 = tpu.sem_alloc : memref<!tpu.dma_semaphore, #tpu.memory_space<semaphore_mem>>
        %dma_start3A_82 = arith.constant 0 : i32
        %dma_start3A_83 = tpu.memref_slice %arg7[%run_scoped3A, %dma_start3A_82] : memref<25x80xi32, #tpu.memory_space<vmem>> -> memref<1x80xi32, #tpu.memory_space<vmem>>
        %dma_start3A_84 = tpu.memref_squeeze %dma_start3A_83 : memref<1x80xi32, #tpu.memory_space<vmem>> -> memref<80xi32, #tpu.memory_space<vmem>>
        %dma_start3A_85 = arith.constant 0 : i32
        %dma_start3A_86 = arith.constant 0 : i32
        %dma_start3A_87 = tpu.memref_slice %arg11[%dma_start3A_85, %dma_start3A_86] : memref<10240x128xf32, #tpu.memory_space<vmem_shared>> -> memref<10240x128xf32, #tpu.memory_space<vmem_shared>>
        tpu.enqueue_indirect_dma source(%arg8 : memref<80x128xf32, #tpu.memory_space<vmem>>) target(%dma_start3A_87 : memref<10240x128xf32, #tpu.memory_space<vmem_shared>>) offsets(%dma_start3A_84 : memref<80xi32, #tpu.memory_space<vmem>>) semaphore(%run_scoped3A_81 : memref<!tpu.dma_semaphore, #tpu.memory_space<semaphore_mem>>) {add = true}
        %dma_wait3A_88 = arith.constant 0 : i32
        %dma_wait3A_89 = tpu.memref_slice %arg7[%run_scoped3A, %dma_wait3A_88] : memref<25x80xi32, #tpu.memory_space<vmem>> -> memref<1x80xi32, #tpu.memory_space<vmem>>
        %dma_wait3A_90 = tpu.memref_squeeze %dma_wait3A_89 : memref<1x80xi32, #tpu.memory_space<vmem>> -> memref<80xi32, #tpu.memory_space<vmem>>
        %dma_wait3A_91 = arith.constant 0 : i32
        %dma_wait3A_92 = arith.constant 0 : i32
        %dma_wait3A_93 = tpu.memref_slice %arg11[%dma_wait3A_91, %dma_wait3A_92] : memref<10240x128xf32, #tpu.memory_space<vmem_shared>> -> memref<10240x128xf32, #tpu.memory_space<vmem_shared>>
        tpu.wait_indirect_dma semaphore(%run_scoped3A_81 : memref<!tpu.dma_semaphore, #tpu.memory_space<semaphore_mem>>) src(%arg8 : memref<80x128xf32, #tpu.memory_space<vmem>>) dst(%dma_wait3A_93 : memref<10240x128xf32, #tpu.memory_space<vmem_shared>>)
        tpu.yield
      }) : () -> ()
      %dma_wait3A_50 = arith.constant 0 : i32
      %dma_wait3A_51 = arith.constant 0 : i32
      %dma_wait3A_52 = tpu.memref_slice %arg6[%dma_wait3A_50, %dma_wait3A_51] : memref<25x80xi32, #tpu.memory_space<vmem>> -> memref<1x80xi32, #tpu.memory_space<vmem>>
      %dma_wait3A_53 = tpu.memref_squeeze %dma_wait3A_52 : memref<1x80xi32, #tpu.memory_space<vmem>> -> memref<80xi32, #tpu.memory_space<vmem>>
      %dma_wait3A_54 = arith.constant 0 : i32
      %dma_wait3A_55 = arith.constant 0 : i32
      %dma_wait3A_56 = tpu.memref_slice %arg2[%dma_wait3A_54, %dma_wait3A_55] : memref<10000x128xf32, #tpu.memory_space<hbm>> -> memref<10000x128xf32, #tpu.memory_space<hbm>>
      tpu.wait_indirect_dma semaphore(%arg13 : memref<!tpu.dma_semaphore, #tpu.memory_space<semaphore_mem>>) src(%dma_wait3A_56 : memref<10000x128xf32, #tpu.memory_space<hbm>>) dst(%arg9 : memref<80x128xf32, #tpu.memory_space<vmem>>)
      %dma_start3A_57 = arith.constant 24 : i32
      %dma_start3A_58 = arith.constant 0 : i32
      %dma_start3A_59 = tpu.memref_slice %arg6[%dma_start3A_57, %dma_start3A_58] : memref<25x80xi32, #tpu.memory_space<vmem>> -> memref<1x80xi32, #tpu.memory_space<vmem>>
      %dma_start3A_60 = tpu.memref_squeeze %dma_start3A_59 : memref<1x80xi32, #tpu.memory_space<vmem>> -> memref<80xi32, #tpu.memory_space<vmem>>
      %dma_start3A_61 = arith.constant 0 : i32
      %dma_start3A_62 = arith.constant 0 : i32
      %dma_start3A_63 = tpu.memref_slice %arg2[%dma_start3A_61, %dma_start3A_62] : memref<10000x128xf32, #tpu.memory_space<hbm>> -> memref<10000x128xf32, #tpu.memory_space<hbm>>
      tpu.enqueue_indirect_dma source(%dma_start3A_63 : memref<10000x128xf32, #tpu.memory_space<hbm>>) target(%arg8 : memref<80x128xf32, #tpu.memory_space<vmem>>) offsets(%dma_start3A_60 : memref<80xi32, #tpu.memory_space<vmem>>) semaphore(%arg12 : memref<!tpu.dma_semaphore, #tpu.memory_space<semaphore_mem>>)
      %run_scoped3A_64 = arith.constant 22 : i32
      "tpu.region"() ({
        %run_scoped3A_81 = tpu.sem_alloc : memref<!tpu.dma_semaphore, #tpu.memory_space<semaphore_mem>>
        %dma_start3A_82 = arith.constant 0 : i32
        %dma_start3A_83 = tpu.memref_slice %arg7[%run_scoped3A_64, %dma_start3A_82] : memref<25x80xi32, #tpu.memory_space<vmem>> -> memref<1x80xi32, #tpu.memory_space<vmem>>
        %dma_start3A_84 = tpu.memref_squeeze %dma_start3A_83 : memref<1x80xi32, #tpu.memory_space<vmem>> -> memref<80xi32, #tpu.memory_space<vmem>>
        %dma_start3A_85 = arith.constant 0 : i32
        %dma_start3A_86 = arith.constant 0 : i32
        %dma_start3A_87 = tpu.memref_slice %arg11[%dma_start3A_85, %dma_start3A_86] : memref<10240x128xf32, #tpu.memory_space<vmem_shared>> -> memref<10240x128xf32, #tpu.memory_space<vmem_shared>>
        tpu.enqueue_indirect_dma source(%arg9 : memref<80x128xf32, #tpu.memory_space<vmem>>) target(%dma_start3A_87 : memref<10240x128xf32, #tpu.memory_space<vmem_shared>>) offsets(%dma_start3A_84 : memref<80xi32, #tpu.memory_space<vmem>>) semaphore(%run_scoped3A_81 : memref<!tpu.dma_semaphore, #tpu.memory_space<semaphore_mem>>) {add = true}
        %dma_wait3A_88 = arith.constant 0 : i32
        %dma_wait3A_89 = tpu.memref_slice %arg7[%run_scoped3A_64, %dma_wait3A_88] : memref<25x80xi32, #tpu.memory_space<vmem>> -> memref<1x80xi32, #tpu.memory_space<vmem>>
        %dma_wait3A_90 = tpu.memref_squeeze %dma_wait3A_89 : memref<1x80xi32, #tpu.memory_space<vmem>> -> memref<80xi32, #tpu.memory_space<vmem>>
        %dma_wait3A_91 = arith.constant 0 : i32
        %dma_wait3A_92 = arith.constant 0 : i32
        %dma_wait3A_93 = tpu.memref_slice %arg11[%dma_wait3A_91, %dma_wait3A_92] : memref<10240x128xf32, #tpu.memory_space<vmem_shared>> -> memref<10240x128xf32, #tpu.memory_space<vmem_shared>>
        tpu.wait_indirect_dma semaphore(%run_scoped3A_81 : memref<!tpu.dma_semaphore, #tpu.memory_space<semaphore_mem>>) src(%arg9 : memref<80x128xf32, #tpu.memory_space<vmem>>) dst(%dma_wait3A_93 : memref<10240x128xf32, #tpu.memory_space<vmem_shared>>)
        tpu.yield
      }) : () -> ()
      %dma_wait3A_65 = arith.constant 0 : i32
      %dma_wait3A_66 = arith.constant 0 : i32
      %dma_wait3A_67 = tpu.memref_slice %arg6[%dma_wait3A_65, %dma_wait3A_66] : memref<25x80xi32, #tpu.memory_space<vmem>> -> memref<1x80xi32, #tpu.memory_space<vmem>>
      %dma_wait3A_68 = tpu.memref_squeeze %dma_wait3A_67 : memref<1x80xi32, #tpu.memory_space<vmem>> -> memref<80xi32, #tpu.memory_space<vmem>>
      %dma_wait3A_69 = arith.constant 0 : i32
      %dma_wait3A_70 = arith.constant 0 : i32
      %dma_wait3A_71 = tpu.memref_slice %arg2[%dma_wait3A_69, %dma_wait3A_70] : memref<10000x128xf32, #tpu.memory_space<hbm>> -> memref<10000x128xf32, #tpu.memory_space<hbm>>
      tpu.wait_indirect_dma semaphore(%arg14 : memref<!tpu.dma_semaphore, #tpu.memory_space<semaphore_mem>>) src(%dma_wait3A_71 : memref<10000x128xf32, #tpu.memory_space<hbm>>) dst(%arg10 : memref<80x128xf32, #tpu.memory_space<vmem>>)
      %run_scoped3A_72 = arith.constant 23 : i32
      "tpu.region"() ({
        %run_scoped3A_81 = tpu.sem_alloc : memref<!tpu.dma_semaphore, #tpu.memory_space<semaphore_mem>>
        %dma_start3A_82 = arith.constant 0 : i32
        %dma_start3A_83 = tpu.memref_slice %arg7[%run_scoped3A_72, %dma_start3A_82] : memref<25x80xi32, #tpu.memory_space<vmem>> -> memref<1x80xi32, #tpu.memory_space<vmem>>
        %dma_start3A_84 = tpu.memref_squeeze %dma_start3A_83 : memref<1x80xi32, #tpu.memory_space<vmem>> -> memref<80xi32, #tpu.memory_space<vmem>>
        %dma_start3A_85 = arith.constant 0 : i32
        %dma_start3A_86 = arith.constant 0 : i32
        %dma_start3A_87 = tpu.memref_slice %arg11[%dma_start3A_85, %dma_start3A_86] : memref<10240x128xf32, #tpu.memory_space<vmem_shared>> -> memref<10240x128xf32, #tpu.memory_space<vmem_shared>>
        tpu.enqueue_indirect_dma source(%arg10 : memref<80x128xf32, #tpu.memory_space<vmem>>) target(%dma_start3A_87 : memref<10240x128xf32, #tpu.memory_space<vmem_shared>>) offsets(%dma_start3A_84 : memref<80xi32, #tpu.memory_space<vmem>>) semaphore(%run_scoped3A_81 : memref<!tpu.dma_semaphore, #tpu.memory_space<semaphore_mem>>) {add = true}
        %dma_wait3A_88 = arith.constant 0 : i32
        %dma_wait3A_89 = tpu.memref_slice %arg7[%run_scoped3A_72, %dma_wait3A_88] : memref<25x80xi32, #tpu.memory_space<vmem>> -> memref<1x80xi32, #tpu.memory_space<vmem>>
        %dma_wait3A_90 = tpu.memref_squeeze %dma_wait3A_89 : memref<1x80xi32, #tpu.memory_space<vmem>> -> memref<80xi32, #tpu.memory_space<vmem>>
        %dma_wait3A_91 = arith.constant 0 : i32
        %dma_wait3A_92 = arith.constant 0 : i32
        %dma_wait3A_93 = tpu.memref_slice %arg11[%dma_wait3A_91, %dma_wait3A_92] : memref<10240x128xf32, #tpu.memory_space<vmem_shared>> -> memref<10240x128xf32, #tpu.memory_space<vmem_shared>>
        tpu.wait_indirect_dma semaphore(%run_scoped3A_81 : memref<!tpu.dma_semaphore, #tpu.memory_space<semaphore_mem>>) src(%arg10 : memref<80x128xf32, #tpu.memory_space<vmem>>) dst(%dma_wait3A_93 : memref<10240x128xf32, #tpu.memory_space<vmem_shared>>)
        tpu.yield
      }) : () -> ()
      %dma_wait3A_73 = arith.constant 0 : i32
      %dma_wait3A_74 = arith.constant 0 : i32
      %dma_wait3A_75 = tpu.memref_slice %arg6[%dma_wait3A_73, %dma_wait3A_74] : memref<25x80xi32, #tpu.memory_space<vmem>> -> memref<1x80xi32, #tpu.memory_space<vmem>>
      %dma_wait3A_76 = tpu.memref_squeeze %dma_wait3A_75 : memref<1x80xi32, #tpu.memory_space<vmem>> -> memref<80xi32, #tpu.memory_space<vmem>>
      %dma_wait3A_77 = arith.constant 0 : i32
      %dma_wait3A_78 = arith.constant 0 : i32
      %dma_wait3A_79 = tpu.memref_slice %arg2[%dma_wait3A_77, %dma_wait3A_78] : memref<10000x128xf32, #tpu.memory_space<hbm>> -> memref<10000x128xf32, #tpu.memory_space<hbm>>
      tpu.wait_indirect_dma semaphore(%arg12 : memref<!tpu.dma_semaphore, #tpu.memory_space<semaphore_mem>>) src(%dma_wait3A_79 : memref<10000x128xf32, #tpu.memory_space<hbm>>) dst(%arg8 : memref<80x128xf32, #tpu.memory_space<vmem>>)
      %run_scoped3A_80 = arith.constant 24 : i32
      "tpu.region"() ({
        %run_scoped3A_81 = tpu.sem_alloc : memref<!tpu.dma_semaphore, #tpu.memory_space<semaphore_mem>>
        %dma_start3A_82 = arith.constant 0 : i32
        %dma_start3A_83 = tpu.memref_slice %arg7[%run_scoped3A_80, %dma_start3A_82] : memref<25x80xi32, #tpu.memory_space<vmem>> -> memref<1x80xi32, #tpu.memory_space<vmem>>
        %dma_start3A_84 = tpu.memref_squeeze %dma_start3A_83 : memref<1x80xi32, #tpu.memory_space<vmem>> -> memref<80xi32, #tpu.memory_space<vmem>>
        %dma_start3A_85 = arith.constant 0 : i32
        %dma_start3A_86 = arith.constant 0 : i32
        %dma_start3A_87 = tpu.memref_slice %arg11[%dma_start3A_85, %dma_start3A_86] : memref<10240x128xf32, #tpu.memory_space<vmem_shared>> -> memref<10240x128xf32, #tpu.memory_space<vmem_shared>>
        tpu.enqueue_indirect_dma source(%arg8 : memref<80x128xf32, #tpu.memory_space<vmem>>) target(%dma_start3A_87 : memref<10240x128xf32, #tpu.memory_space<vmem_shared>>) offsets(%dma_start3A_84 : memref<80xi32, #tpu.memory_space<vmem>>) semaphore(%run_scoped3A_81 : memref<!tpu.dma_semaphore, #tpu.memory_space<semaphore_mem>>) {add = true}
        %dma_wait3A_88 = arith.constant 0 : i32
        %dma_wait3A_89 = tpu.memref_slice %arg7[%run_scoped3A_80, %dma_wait3A_88] : memref<25x80xi32, #tpu.memory_space<vmem>> -> memref<1x80xi32, #tpu.memory_space<vmem>>
        %dma_wait3A_90 = tpu.memref_squeeze %dma_wait3A_89 : memref<1x80xi32, #tpu.memory_space<vmem>> -> memref<80xi32, #tpu.memory_space<vmem>>
        %dma_wait3A_91 = arith.constant 0 : i32
        %dma_wait3A_92 = arith.constant 0 : i32
        %dma_wait3A_93 = tpu.memref_slice %arg11[%dma_wait3A_91, %dma_wait3A_92] : memref<10240x128xf32, #tpu.memory_space<vmem_shared>> -> memref<10240x128xf32, #tpu.memory_space<vmem_shared>>
        tpu.wait_indirect_dma semaphore(%run_scoped3A_81 : memref<!tpu.dma_semaphore, #tpu.memory_space<semaphore_mem>>) src(%arg8 : memref<80x128xf32, #tpu.memory_space<vmem>>) dst(%dma_wait3A_93 : memref<10240x128xf32, #tpu.memory_space<vmem_shared>>)
        tpu.yield
      }) : () -> ()
    }
    %scan3A_16 = arith.constant 5 : i32
    %barrier3A_17 = arith.constant 0 : index
    tpu.barrier barrier_id(%barrier3A_17)
    "tpu.region"() ({
      %run_scoped3A = tpu.sem_alloc : memref<!tpu.dma_semaphore, #tpu.memory_space<semaphore_mem>>
      %dma_start3A = arith.constant 0 : i32
      %dma_start3A_18 = tpu.memref_slice %arg5[%arg0, %mul3A_2, %dma_start3A] : memref<2x10240x128xf32, #tpu.memory_space<hbm>> -> memref<1x640x128xf32, #tpu.memory_space<hbm>>
      %dma_start3A_19 = tpu.memref_squeeze %dma_start3A_18 : memref<1x640x128xf32, #tpu.memory_space<hbm>> -> memref<640x128xf32, #tpu.memory_space<hbm>>
      %dma_start3A_20 = arith.constant 0 : i32
      %dma_start3A_21 = tpu.memref_slice %arg11[%mul3A_2, %dma_start3A_20] : memref<10240x128xf32, #tpu.memory_space<vmem_shared>> -> memref<640x128xf32, #tpu.memory_space<vmem_shared>>
      tpu.enqueue_dma source(%dma_start3A_21 : memref<640x128xf32, #tpu.memory_space<vmem_shared>>) target(%dma_start3A_19 : memref<640x128xf32, #tpu.memory_space<hbm>>) target_semaphore(%run_scoped3A : memref<!tpu.dma_semaphore, #tpu.memory_space<semaphore_mem>>)
      %dma_wait3A = arith.constant 0 : i32
      %dma_wait3A_22 = tpu.memref_slice %arg5[%arg0, %mul3A_2, %dma_wait3A] : memref<2x10240x128xf32, #tpu.memory_space<hbm>> -> memref<1x640x128xf32, #tpu.memory_space<hbm>>
      %dma_wait3A_23 = tpu.memref_squeeze %dma_wait3A_22 : memref<1x640x128xf32, #tpu.memory_space<hbm>> -> memref<640x128xf32, #tpu.memory_space<hbm>>
      %dma_wait3A_24 = arith.constant 0 : i32
      %dma_wait3A_25 = tpu.memref_slice %arg11[%mul3A_2, %dma_wait3A_24] : memref<10240x128xf32, #tpu.memory_space<vmem_shared>> -> memref<640x128xf32, #tpu.memory_space<vmem_shared>>
      tpu.wait_dma2 semaphore(%run_scoped3A : memref<!tpu.dma_semaphore, #tpu.memory_space<semaphore_mem>>) src(%dma_wait3A_25 : memref<640x128xf32, #tpu.memory_space<vmem_shared>>) dst(%dma_wait3A_23 : memref<640x128xf32, #tpu.memory_space<hbm>>)
      tpu.yield
    }) : () -> ()
    return
  }
}

#map = affine_map<(d0, d1) -> (0, 0, 0)>
#map1 = affine_map<(d0, d1) -> (0, 0)>
module attributes {stable_mosaic.version = 14 : i64} {
  func.func @_deg_body(%arg0: i32, %arg1: i32, %arg2: memref<32x125x80xi32, #tpu.memory_space<hbm>>, %arg3: memref<2x10240xf32, #tpu.memory_space<hbm>>, %arg4: memref<125x80xi32, #tpu.memory_space<vmem>>, %arg5: memref<80xf32, #tpu.memory_space<vmem>>, %arg6: memref<640xf32, #tpu.memory_space<vmem>>, %arg7: memref<10240xf32, #tpu.memory_space<vmem_shared>>, %arg8: memref<!tpu.dma_semaphore, #tpu.memory_space<semaphore_mem>>) attributes {dimension_semantics = [#tpu.dimension_semantics<core_parallel>, #tpu.dimension_semantics<subcore_parallel>], iteration_bounds = array<i64: 2, 16>, scalar_prefetch = 0 : i64, scratch_operands = 5 : i64, tpu.core_type = #tpu.core_type<sc_vector_subcore>, window_params = [{transform_indices = #map}, {transform_indices = #map1}]} {
    %mul3A = arith.constant 2 : i32
    %mul3A_0 = arith.muli %arg1, %mul3A : i32
    %add3A = arith.addi %mul3A_0, %arg0 : i32
    "tpu.region"() ({
      %run_scoped3A = tpu.sem_alloc : memref<!tpu.dma_semaphore, #tpu.memory_space<semaphore_mem>>
      %dma_start3A = arith.constant 0 : i32
      %dma_start3A_50 = arith.constant 0 : i32
      %dma_start3A_51 = tpu.memref_slice %arg2[%add3A, %dma_start3A, %dma_start3A_50] : memref<32x125x80xi32, #tpu.memory_space<hbm>> -> memref<1x125x80xi32, #tpu.memory_space<hbm>>
      %dma_start3A_52 = tpu.memref_squeeze %dma_start3A_51 : memref<1x125x80xi32, #tpu.memory_space<hbm>> -> memref<125x80xi32, #tpu.memory_space<hbm>>
      %dma_start3A_53 = arith.constant 0 : i32
      %dma_start3A_54 = arith.constant 0 : i32
      %dma_start3A_55 = tpu.memref_slice %arg2[%add3A, %dma_start3A_53, %dma_start3A_54] : memref<32x125x80xi32, #tpu.memory_space<hbm>> -> memref<1x125x80xi32, #tpu.memory_space<hbm>>
      %dma_start3A_56 = tpu.memref_squeeze %dma_start3A_55 : memref<1x125x80xi32, #tpu.memory_space<hbm>> -> memref<125x80xi32, #tpu.memory_space<hbm>>
      tpu.enqueue_dma source(%dma_start3A_56 : memref<125x80xi32, #tpu.memory_space<hbm>>) target(%arg4 : memref<125x80xi32, #tpu.memory_space<vmem>>) target_semaphore(%run_scoped3A : memref<!tpu.dma_semaphore, #tpu.memory_space<semaphore_mem>>)
      %dma_wait3A = arith.constant 0 : i32
      %dma_wait3A_57 = arith.constant 0 : i32
      %dma_wait3A_58 = tpu.memref_slice %arg2[%add3A, %dma_wait3A, %dma_wait3A_57] : memref<32x125x80xi32, #tpu.memory_space<hbm>> -> memref<1x125x80xi32, #tpu.memory_space<hbm>>
      %dma_wait3A_59 = tpu.memref_squeeze %dma_wait3A_58 : memref<1x125x80xi32, #tpu.memory_space<hbm>> -> memref<125x80xi32, #tpu.memory_space<hbm>>
      %dma_wait3A_60 = arith.constant 0 : i32
      %dma_wait3A_61 = arith.constant 0 : i32
      %dma_wait3A_62 = tpu.memref_slice %arg2[%add3A, %dma_wait3A_60, %dma_wait3A_61] : memref<32x125x80xi32, #tpu.memory_space<hbm>> -> memref<1x125x80xi32, #tpu.memory_space<hbm>>
      %dma_wait3A_63 = tpu.memref_squeeze %dma_wait3A_62 : memref<1x125x80xi32, #tpu.memory_space<hbm>> -> memref<125x80xi32, #tpu.memory_space<hbm>>
      tpu.wait_dma2 semaphore(%run_scoped3A : memref<!tpu.dma_semaphore, #tpu.memory_space<semaphore_mem>>) src(%dma_wait3A_63 : memref<125x80xi32, #tpu.memory_space<hbm>>) dst(%arg4 : memref<125x80xi32, #tpu.memory_space<vmem>>)
      tpu.yield
    }) : () -> ()
    %broadcast_in_dim3A = arith.constant 1.000000e+00 : f32
    %broadcast_in_dim3A_1 = vector.broadcast %broadcast_in_dim3A : f32 to vector<16xf32>
    %swap3A = arith.constant 0 : index
    %swap3A_2 = tpu.vector_load %arg5[%swap3A] {strides = array<i32>} : memref<80xf32, #tpu.memory_space<vmem>>, vector<16xf32>,
    %swap3A_3 = vector.shape_cast %swap3A_2 : vector<16xf32> to vector<16xf32>
    %swap3A_4 = vector.shape_cast %broadcast_in_dim3A_1 : vector<16xf32> to vector<16xf32>
    tpu.vector_store %arg5[%swap3A], %swap3A_4 {strides = array<i32>} : memref<80xf32, #tpu.memory_space<vmem>>, vector<16xf32>,
    %broadcast_in_dim3A_5 = arith.constant 1.000000e+00 : f32
    %broadcast_in_dim3A_6 = vector.broadcast %broadcast_in_dim3A_5 : f32 to vector<16xf32>
    %swap3A_7 = arith.constant 16 : index
    %swap3A_8 = tpu.vector_load %arg5[%swap3A_7] {strides = array<i32>} : memref<80xf32, #tpu.memory_space<vmem>>, vector<16xf32>,
    %swap3A_9 = vector.shape_cast %swap3A_8 : vector<16xf32> to vector<16xf32>
    %swap3A_10 = vector.shape_cast %broadcast_in_dim3A_6 : vector<16xf32> to vector<16xf32>
    tpu.vector_store %arg5[%swap3A_7], %swap3A_10 {strides = array<i32>} : memref<80xf32, #tpu.memory_space<vmem>>, vector<16xf32>,
    %broadcast_in_dim3A_11 = arith.constant 1.000000e+00 : f32
    %broadcast_in_dim3A_12 = vector.broadcast %broadcast_in_dim3A_11 : f32 to vector<16xf32>
    %swap3A_13 = arith.constant 32 : index
    %swap3A_14 = tpu.vector_load %arg5[%swap3A_13] {strides = array<i32>} : memref<80xf32, #tpu.memory_space<vmem>>, vector<16xf32>,
    %swap3A_15 = vector.shape_cast %swap3A_14 : vector<16xf32> to vector<16xf32>
    %swap3A_16 = vector.shape_cast %broadcast_in_dim3A_12 : vector<16xf32> to vector<16xf32>
    tpu.vector_store %arg5[%swap3A_13], %swap3A_16 {strides = array<i32>} : memref<80xf32, #tpu.memory_space<vmem>>, vector<16xf32>,
    %broadcast_in_dim3A_17 = arith.constant 1.000000e+00 : f32
    %broadcast_in_dim3A_18 = vector.broadcast %broadcast_in_dim3A_17 : f32 to vector<16xf32>
    %swap3A_19 = arith.constant 48 : index
    %swap3A_20 = tpu.vector_load %arg5[%swap3A_19] {strides = array<i32>} : memref<80xf32, #tpu.memory_space<vmem>>, vector<16xf32>,
    %swap3A_21 = vector.shape_cast %swap3A_20 : vector<16xf32> to vector<16xf32>
    %swap3A_22 = vector.shape_cast %broadcast_in_dim3A_18 : vector<16xf32> to vector<16xf32>
    tpu.vector_store %arg5[%swap3A_19], %swap3A_22 {strides = array<i32>} : memref<80xf32, #tpu.memory_space<vmem>>, vector<16xf32>,
    %broadcast_in_dim3A_23 = arith.constant 1.000000e+00 : f32
    %broadcast_in_dim3A_24 = vector.broadcast %broadcast_in_dim3A_23 : f32 to vector<16xf32>
    %swap3A_25 = arith.constant 64 : index
    %swap3A_26 = tpu.vector_load %arg5[%swap3A_25] {strides = array<i32>} : memref<80xf32, #tpu.memory_space<vmem>>, vector<16xf32>,
    %swap3A_27 = vector.shape_cast %swap3A_26 : vector<16xf32> to vector<16xf32>
    %swap3A_28 = vector.shape_cast %broadcast_in_dim3A_24 : vector<16xf32> to vector<16xf32>
    tpu.vector_store %arg5[%swap3A_25], %swap3A_28 {strides = array<i32>} : memref<80xf32, #tpu.memory_space<vmem>>, vector<16xf32>,
    %scan3A = arith.constant 0 : i32
    %scan3A_29 = arith.constant 40 : i32
    %scan3A_30 = arith.addi %scan3A, %scan3A_29 : i32
    %scan3A_31 = arith.constant 1 : i32
    scf.for %scan3A_50 = %scan3A to %scan3A_30 step %scan3A_31  : i32 {
      %broadcast_in_dim3A_51 = arith.constant 0.000000e+00 : f32
      %broadcast_in_dim3A_52 = vector.broadcast %broadcast_in_dim3A_51 : f32 to vector<16xf32>
      %mul3A_53 = arith.constant 16 : i32
      %mul3A_54 = arith.muli %scan3A_50, %mul3A_53 : i32
      %swap3A_55 = arith.index_cast %mul3A_54 : i32 to index
      %swap3A_56 = tpu.vector_load %arg6[%swap3A_55] {strides = array<i32>} : memref<640xf32, #tpu.memory_space<vmem>>, vector<16xf32>,
      %swap3A_57 = vector.shape_cast %swap3A_56 : vector<16xf32> to vector<16xf32>
      %swap3A_58 = vector.shape_cast %broadcast_in_dim3A_52 : vector<16xf32> to vector<16xf32>
      tpu.vector_store %arg6[%swap3A_55], %swap3A_58 {strides = array<i32>} : memref<640xf32, #tpu.memory_space<vmem>>, vector<16xf32>,
    }
    %scan3A_32 = arith.constant 40 : i32
    %mul3A_33 = arith.constant 640 : i32
    %mul3A_34 = arith.muli %arg1, %mul3A_33 : i32
    "tpu.region"() ({
      %run_scoped3A = tpu.sem_alloc : memref<!tpu.dma_semaphore, #tpu.memory_space<semaphore_mem>>
      %dma_start3A = tpu.memref_slice %arg7[%mul3A_34] : memref<10240xf32, #tpu.memory_space<vmem_shared>> -> memref<640xf32, #tpu.memory_space<vmem_shared>>
      %dma_start3A_50 = tpu.memref_slice %arg7[%mul3A_34] : memref<10240xf32, #tpu.memory_space<vmem_shared>> -> memref<640xf32, #tpu.memory_space<vmem_shared>>
      tpu.enqueue_dma source(%arg6 : memref<640xf32, #tpu.memory_space<vmem>>) target(%dma_start3A_50 : memref<640xf32, #tpu.memory_space<vmem_shared>>) target_semaphore(%run_scoped3A : memref<!tpu.dma_semaphore, #tpu.memory_space<semaphore_mem>>)
      %dma_wait3A = tpu.memref_slice %arg7[%mul3A_34] : memref<10240xf32, #tpu.memory_space<vmem_shared>> -> memref<640xf32, #tpu.memory_space<vmem_shared>>
      %dma_wait3A_51 = tpu.memref_slice %arg7[%mul3A_34] : memref<10240xf32, #tpu.memory_space<vmem_shared>> -> memref<640xf32, #tpu.memory_space<vmem_shared>>
      tpu.wait_dma2 semaphore(%run_scoped3A : memref<!tpu.dma_semaphore, #tpu.memory_space<semaphore_mem>>) src(%arg6 : memref<640xf32, #tpu.memory_space<vmem>>) dst(%dma_wait3A_51 : memref<640xf32, #tpu.memory_space<vmem_shared>>)
      tpu.yield
    }) : () -> ()
    %barrier3A = arith.constant 0 : index
    tpu.barrier barrier_id(%barrier3A)
    %scan3A_35 = arith.constant 0 : i32
    %scan3A_36 = arith.constant 125 : i32
    %scan3A_37 = arith.addi %scan3A_35, %scan3A_36 : i32
    %scan3A_38 = arith.constant 1 : i32
    scf.for %scan3A_50 = %scan3A_35 to %scan3A_37 step %scan3A_38  : i32 {
      %dma_start3A = arith.constant 0 : i32
      %dma_start3A_51 = tpu.memref_slice %arg4[%scan3A_50, %dma_start3A] : memref<125x80xi32, #tpu.memory_space<vmem>> -> memref<1x80xi32, #tpu.memory_space<vmem>>
      %dma_start3A_52 = tpu.memref_squeeze %dma_start3A_51 : memref<1x80xi32, #tpu.memory_space<vmem>> -> memref<80xi32, #tpu.memory_space<vmem>>
      %dma_start3A_53 = arith.constant 0 : i32
      %dma_start3A_54 = tpu.memref_slice %arg7[%dma_start3A_53] : memref<10240xf32, #tpu.memory_space<vmem_shared>> -> memref<10240xf32, #tpu.memory_space<vmem_shared>>
      tpu.enqueue_indirect_dma source(%arg5 : memref<80xf32, #tpu.memory_space<vmem>>) target(%dma_start3A_54 : memref<10240xf32, #tpu.memory_space<vmem_shared>>) offsets(%dma_start3A_52 : memref<80xi32, #tpu.memory_space<vmem>>) semaphore(%arg8 : memref<!tpu.dma_semaphore, #tpu.memory_space<semaphore_mem>>) {add = true}
    }
    %scan3A_39 = arith.constant 125 : i32
    %scan3A_40 = arith.constant 0 : i32
    %scan3A_41 = arith.constant 125 : i32
    %scan3A_42 = arith.addi %scan3A_40, %scan3A_41 : i32
    %scan3A_43 = arith.constant 1 : i32
    scf.for %scan3A_50 = %scan3A_40 to %scan3A_42 step %scan3A_43  : i32 {
      %dma_wait3A = arith.constant 0 : i32
      %dma_wait3A_51 = arith.constant 0 : i32
      %dma_wait3A_52 = tpu.memref_slice %arg4[%dma_wait3A, %dma_wait3A_51] : memref<125x80xi32, #tpu.memory_space<vmem>> -> memref<1x80xi32, #tpu.memory_space<vmem>>
      %dma_wait3A_53 = tpu.memref_squeeze %dma_wait3A_52 : memref<1x80xi32, #tpu.memory_space<vmem>> -> memref<80xi32, #tpu.memory_space<vmem>>
      %dma_wait3A_54 = arith.constant 0 : i32
      %dma_wait3A_55 = tpu.memref_slice %arg7[%dma_wait3A_54] : memref<10240xf32, #tpu.memory_space<vmem_shared>> -> memref<10240xf32, #tpu.memory_space<vmem_shared>>
      tpu.wait_indirect_dma semaphore(%arg8 : memref<!tpu.dma_semaphore, #tpu.memory_space<semaphore_mem>>) src(%arg5 : memref<80xf32, #tpu.memory_space<vmem>>) dst(%dma_wait3A_55 : memref<10240xf32, #tpu.memory_space<vmem_shared>>)
    }
    %scan3A_44 = arith.constant 125 : i32
    %barrier3A_45 = arith.constant 0 : index
    tpu.barrier barrier_id(%barrier3A_45)
    %mul3A_46 = arith.constant 640 : i32
    %mul3A_47 = arith.muli %arg1, %mul3A_46 : i32
    %mul3A_48 = arith.constant 640 : i32
    %mul3A_49 = arith.muli %arg1, %mul3A_48 : i32
    "tpu.region"() ({
      %run_scoped3A = tpu.sem_alloc : memref<!tpu.dma_semaphore, #tpu.memory_space<semaphore_mem>>
      %dma_start3A = tpu.memref_slice %arg3[%arg0, %mul3A_49] : memref<2x10240xf32, #tpu.memory_space<hbm>> -> memref<1x640xf32, #tpu.memory_space<hbm>>
      %dma_start3A_50 = tpu.memref_squeeze %dma_start3A : memref<1x640xf32, #tpu.memory_space<hbm>> -> memref<640xf32, #tpu.memory_space<hbm>>
      %dma_start3A_51 = tpu.memref_slice %arg7[%mul3A_47] : memref<10240xf32, #tpu.memory_space<vmem_shared>> -> memref<640xf32, #tpu.memory_space<vmem_shared>>
      tpu.enqueue_dma source(%dma_start3A_51 : memref<640xf32, #tpu.memory_space<vmem_shared>>) target(%dma_start3A_50 : memref<640xf32, #tpu.memory_space<hbm>>) target_semaphore(%run_scoped3A : memref<!tpu.dma_semaphore, #tpu.memory_space<semaphore_mem>>)
      %dma_wait3A = tpu.memref_slice %arg3[%arg0, %mul3A_49] : memref<2x10240xf32, #tpu.memory_space<hbm>> -> memref<1x640xf32, #tpu.memory_space<hbm>>
      %dma_wait3A_52 = tpu.memref_squeeze %dma_wait3A : memref<1x640xf32, #tpu.memory_space<hbm>> -> memref<640xf32, #tpu.memory_space<hbm>>
      %dma_wait3A_53 = tpu.memref_slice %arg7[%mul3A_47] : memref<10240xf32, #tpu.memory_space<vmem_shared>> -> memref<640xf32, #tpu.memory_space<vmem_shared>>
      tpu.wait_dma2 semaphore(%run_scoped3A : memref<!tpu.dma_semaphore, #tpu.memory_space<semaphore_mem>>) src(%dma_wait3A_53 : memref<640xf32, #tpu.memory_space<vmem_shared>>) dst(%dma_wait3A_52 : memref<640xf32, #tpu.memory_space<hbm>>)
      tpu.yield
    }) : () -> ()
    return
  }
}

module attributes {stable_mosaic.version = 14 : i64} {
  func.func @_tc_a_body(%arg0: i32, %arg1: memref<5000x128xf32, #tpu.memory_space<vmem>>, %arg2: memref<128x128xf32, #tpu.memory_space<vmem>>, %arg3: memref<5000x2xf32, #tpu.memory_space<vmem>>, %arg4: memref<5000x128xf32, #tpu.memory_space<vmem>>) attributes {dimension_semantics = [#tpu.dimension_semantics<arbitrary>], iteration_bounds = array<i64: 2>, scalar_prefetch = 0 : i64, scratch_operands = 0 : i64, tpu.core_type = #tpu.core_type<tc>, window_params = [{transform_indices = @transform_0, window_bounds = array<i64: 5000, 128>}, {pipeline_mode = #tpu.pipeline_mode<synchronous>, transform_indices = @transform_1, window_bounds = array<i64: 128, 128>}, {transform_indices = @transform_2, window_bounds = array<i64: 5000, 2>}, {transform_indices = @transform_3, window_bounds = array<i64: 5000, 128>}]} {
    %get3A = arith.constant 0 : index
    %get3A_0 = arith.constant 0 : index
    %get3A_1 = vector.load %arg3[%get3A, %get3A_0] : memref<5000x2xf32, #tpu.memory_space<vmem>>, vector<5000x1xf32>
    %get3A_2 = arith.constant 0 : index
    %get3A_3 = arith.constant 1 : index
    %get3A_4 = vector.load %arg3[%get3A_2, %get3A_3] : memref<5000x2xf32, #tpu.memory_space<vmem>>, vector<5000x1xf32>
    %add3A = arith.addf %get3A_1, %get3A_4 : vector<5000x1xf32>
    %add3A_5 = arith.constant 1.000000e+00 : f32
    %add3A_6 = vector.broadcast %add3A_5 : f32 to vector<5000x1xf32>
    %add3A_7 = arith.addf %add3A, %add3A_6 : vector<5000x1xf32>
    %rsqrt3A = math.rsqrt %add3A_7 : vector<5000x1xf32>
    %get3A_8 = arith.constant 0 : index
    %get3A_9 = arith.constant 0 : index
    %get3A_10 = vector.load %arg1[%get3A_8, %get3A_9] : memref<5000x128xf32, #tpu.memory_space<vmem>>, vector<5000x128xf32>
    %get3A_11 = arith.constant 0 : index
    %get3A_12 = arith.constant 0 : index
    %get3A_13 = vector.load %arg2[%get3A_11, %get3A_12] : memref<128x128xf32, #tpu.memory_space<vmem>>, vector<128x128xf32>
    %dot_general3A = arith.constant dense<0.000000e+00> : vector<5000x128xf32>
    %dot_general3A_14 = tpu.matmul %get3A_10, %get3A_13, %dot_general3A {dimension_numbers = #tpu.dot_dimension_numbers<[1], [0], [0], [1], [0, 0, 1, 1], [], []>, transpose_lhs_hint = false} : vector<5000x128xf32>, vector<128x128xf32>, vector<5000x128xf32> -> vector<5000x128xf32>
    %mul3A = vector.broadcast %rsqrt3A : vector<5000x1xf32> to vector<5000x128xf32>
    %mul3A_15 = arith.mulf %dot_general3A_14, %mul3A : vector<5000x128xf32>
    %swap3A = arith.constant 0 : index
    %swap3A_16 = arith.constant 0 : index
    %swap3A_17 = vector.load %arg4[%swap3A, %swap3A_16] : memref<5000x128xf32, #tpu.memory_space<vmem>>, vector<5000x128xf32>
    tpu.vector_store %arg4[%swap3A, %swap3A_16], %mul3A_15 {strides = array<i32>} : memref<5000x128xf32, #tpu.memory_space<vmem>>, vector<5000x128xf32>,
    return
  }
  func.func @transform_0(%arg0: i32) -> (i32, i32) {
    %c0_i32 = arith.constant 0 : i32
    %c0_i32_0 = arith.constant 0 : i32
    return %arg0, %c0_i32 : i32, i32
  }
  func.func @transform_1(%arg0: i32) -> (i32, i32) {
    %c0_i32 = arith.constant 0 : i32
    %c0_i32_0 = arith.constant 0 : i32
    %c0_i32_1 = arith.constant 0 : i32
    return %c0_i32, %c0_i32_0 : i32, i32
  }
  func.func @transform_2(%arg0: i32) -> (i32, i32) {
    %c0_i32 = arith.constant 0 : i32
    %c0_i32_0 = arith.constant 0 : i32
    return %arg0, %c0_i32 : i32, i32
  }
  func.func @transform_3(%arg0: i32) -> (i32, i32) {
    %c0_i32 = arith.constant 0 : i32
    %c0_i32_0 = arith.constant 0 : i32
    return %arg0, %c0_i32 : i32, i32
  }
}

module attributes {stable_mosaic.version = 14 : i64} {
  func.func @_tc_b_body(%arg0: i32, %arg1: memref<2x5000x128xf32, #tpu.memory_space<vmem>>, %arg2: memref<5000x128xf32, #tpu.memory_space<vmem>>, %arg3: memref<5000x2xf32, #tpu.memory_space<vmem>>, %arg4: memref<1x128xf32, #tpu.memory_space<vmem>>, %arg5: memref<128x128xf32, #tpu.memory_space<vmem>>, %arg6: memref<5000x128xf32, #tpu.memory_space<vmem>>) attributes {dimension_semantics = [#tpu.dimension_semantics<arbitrary>], iteration_bounds = array<i64: 2>, scalar_prefetch = 0 : i64, scratch_operands = 0 : i64, tpu.core_type = #tpu.core_type<tc>, window_params = [{transform_indices = @transform_0, window_bounds = array<i64: 2, 5000, 128>}, {transform_indices = @transform_1, window_bounds = array<i64: 5000, 128>}, {transform_indices = @transform_2, window_bounds = array<i64: 5000, 2>}, {pipeline_mode = #tpu.pipeline_mode<synchronous>, transform_indices = @transform_3, window_bounds = array<i64: 1, 128>}, {pipeline_mode = #tpu.pipeline_mode<synchronous>, transform_indices = @transform_4, window_bounds = array<i64: 128, 128>}, {transform_indices = @transform_5, window_bounds = array<i64: 5000, 128>}]} {
    %get3A = arith.constant 0 : index
    %get3A_0 = arith.constant 0 : index
    %get3A_1 = vector.load %arg3[%get3A, %get3A_0] : memref<5000x2xf32, #tpu.memory_space<vmem>>, vector<5000x1xf32>
    %get3A_2 = arith.constant 0 : index
    %get3A_3 = arith.constant 1 : index
    %get3A_4 = vector.load %arg3[%get3A_2, %get3A_3] : memref<5000x2xf32, #tpu.memory_space<vmem>>, vector<5000x1xf32>
    %add3A = arith.addf %get3A_1, %get3A_4 : vector<5000x1xf32>
    %add3A_5 = arith.constant 1.000000e+00 : f32
    %add3A_6 = vector.broadcast %add3A_5 : f32 to vector<5000x1xf32>
    %add3A_7 = arith.addf %add3A, %add3A_6 : vector<5000x1xf32>
    %rsqrt3A = math.rsqrt %add3A_7 : vector<5000x1xf32>
    %get3A_8 = arith.constant 0 : index
    %get3A_9 = arith.constant 0 : index
    %get3A_10 = arith.constant 0 : index
    %get3A_11 = vector.load %arg1[%get3A_8, %get3A_9, %get3A_10] : memref<2x5000x128xf32, #tpu.memory_space<vmem>>, vector<1x5000x128xf32>
    %get3A_12 = vector.shape_cast %get3A_11 : vector<1x5000x128xf32> to vector<5000x128xf32>
    %get3A_13 = arith.constant 1 : index
    %get3A_14 = arith.constant 0 : index
    %get3A_15 = arith.constant 0 : index
    %get3A_16 = vector.load %arg1[%get3A_13, %get3A_14, %get3A_15] : memref<2x5000x128xf32, #tpu.memory_space<vmem>>, vector<1x5000x128xf32>
    %get3A_17 = vector.shape_cast %get3A_16 : vector<1x5000x128xf32> to vector<5000x128xf32>
    %add3A_18 = arith.addf %get3A_12, %get3A_17 : vector<5000x128xf32>
    %get3A_19 = arith.constant 0 : index
    %get3A_20 = arith.constant 0 : index
    %get3A_21 = vector.load %arg2[%get3A_19, %get3A_20] : memref<5000x128xf32, #tpu.memory_space<vmem>>, vector<5000x128xf32>
    %add3A_22 = arith.addf %add3A_18, %get3A_21 : vector<5000x128xf32>
    %mul3A = vector.broadcast %rsqrt3A : vector<5000x1xf32> to vector<5000x128xf32>
    %mul3A_23 = arith.mulf %mul3A, %add3A_22 : vector<5000x128xf32>
    %get3A_24 = arith.constant 0 : index
    %get3A_25 = arith.constant 0 : index
    %get3A_26 = vector.load %arg4[%get3A_24, %get3A_25] : memref<1x128xf32, #tpu.memory_space<vmem>>, vector<1x128xf32>
    %add3A_27 = vector.broadcast %get3A_26 : vector<1x128xf32> to vector<5000x128xf32>
    %add3A_28 = arith.addf %mul3A_23, %add3A_27 : vector<5000x128xf32>
    %max3A = arith.constant 0.000000e+00 : f32
    %max3A_29 = vector.broadcast %max3A : f32 to vector<5000x128xf32>
    %max3A_30 = arith.maximumf %add3A_28, %max3A_29 : vector<5000x128xf32>
    %get3A_31 = arith.constant 0 : index
    %get3A_32 = arith.constant 0 : index
    %get3A_33 = vector.load %arg5[%get3A_31, %get3A_32] : memref<128x128xf32, #tpu.memory_space<vmem>>, vector<128x128xf32>
    %dot_general3A = arith.constant dense<0.000000e+00> : vector<5000x128xf32>
    %dot_general3A_34 = tpu.matmul %max3A_30, %get3A_33, %dot_general3A {dimension_numbers = #tpu.dot_dimension_numbers<[1], [0], [0], [1], [0, 0, 1, 1], [], []>, transpose_lhs_hint = false} : vector<5000x128xf32>, vector<128x128xf32>, vector<5000x128xf32> -> vector<5000x128xf32>
    %mul3A_35 = vector.broadcast %rsqrt3A : vector<5000x1xf32> to vector<5000x128xf32>
    %mul3A_36 = arith.mulf %dot_general3A_34, %mul3A_35 : vector<5000x128xf32>
    %swap3A = arith.constant 0 : index
    %swap3A_37 = arith.constant 0 : index
    %swap3A_38 = vector.load %arg6[%swap3A, %swap3A_37] : memref<5000x128xf32, #tpu.memory_space<vmem>>, vector<5000x128xf32>
    tpu.vector_store %arg6[%swap3A, %swap3A_37], %mul3A_36 {strides = array<i32>} : memref<5000x128xf32, #tpu.memory_space<vmem>>, vector<5000x128xf32>,
    return
  }
  func.func @transform_0(%arg0: i32) -> (i32, i32, i32) {
    %c0_i32 = arith.constant 0 : i32
    %c0_i32_0 = arith.constant 0 : i32
    %c0_i32_1 = arith.constant 0 : i32
    return %c0_i32, %arg0, %c0_i32_0 : i32, i32, i32
  }
  func.func @transform_1(%arg0: i32) -> (i32, i32) {
    %c0_i32 = arith.constant 0 : i32
    %c0_i32_0 = arith.constant 0 : i32
    return %arg0, %c0_i32 : i32, i32
  }
  func.func @transform_2(%arg0: i32) -> (i32, i32) {
    %c0_i32 = arith.constant 0 : i32
    %c0_i32_0 = arith.constant 0 : i32
    return %arg0, %c0_i32 : i32, i32
  }
  func.func @transform_3(%arg0: i32) -> (i32, i32) {
    %c0_i32 = arith.constant 0 : i32
    %c0_i32_0 = arith.constant 0 : i32
    %c0_i32_1 = arith.constant 0 : i32
    return %c0_i32, %c0_i32_0 : i32, i32
  }
  func.func @transform_4(%arg0: i32) -> (i32, i32) {
    %c0_i32 = arith.constant 0 : i32
    %c0_i32_0 = arith.constant 0 : i32
    %c0_i32_1 = arith.constant 0 : i32
    return %c0_i32, %c0_i32_0 : i32, i32
  }
  func.func @transform_5(%arg0: i32) -> (i32, i32) {
    %c0_i32 = arith.constant 0 : i32
    %c0_i32_0 = arith.constant 0 : i32
    return %arg0, %c0_i32 : i32, i32
  }
}

module attributes {stable_mosaic.version = 14 : i64} {
  func.func @_tc_c_body(%arg0: i32, %arg1: memref<2x5000x128xf32, #tpu.memory_space<vmem>>, %arg2: memref<5000x128xf32, #tpu.memory_space<vmem>>, %arg3: memref<5000x2xf32, #tpu.memory_space<vmem>>, %arg4: memref<1x128xf32, #tpu.memory_space<vmem>>, %arg5: memref<5000x128xf32, #tpu.memory_space<vmem>>) attributes {dimension_semantics = [#tpu.dimension_semantics<arbitrary>], iteration_bounds = array<i64: 2>, scalar_prefetch = 0 : i64, scratch_operands = 0 : i64, tpu.core_type = #tpu.core_type<tc>, window_params = [{transform_indices = @transform_0, window_bounds = array<i64: 2, 5000, 128>}, {transform_indices = @transform_1, window_bounds = array<i64: 5000, 128>}, {transform_indices = @transform_2, window_bounds = array<i64: 5000, 2>}, {pipeline_mode = #tpu.pipeline_mode<synchronous>, transform_indices = @transform_3, window_bounds = array<i64: 1, 128>}, {transform_indices = @transform_4, window_bounds = array<i64: 5000, 128>}]} {
    %get3A = arith.constant 0 : index
    %get3A_0 = arith.constant 0 : index
    %get3A_1 = vector.load %arg3[%get3A, %get3A_0] : memref<5000x2xf32, #tpu.memory_space<vmem>>, vector<5000x1xf32>
    %get3A_2 = arith.constant 0 : index
    %get3A_3 = arith.constant 1 : index
    %get3A_4 = vector.load %arg3[%get3A_2, %get3A_3] : memref<5000x2xf32, #tpu.memory_space<vmem>>, vector<5000x1xf32>
    %add3A = arith.addf %get3A_1, %get3A_4 : vector<5000x1xf32>
    %add3A_5 = arith.constant 1.000000e+00 : f32
    %add3A_6 = vector.broadcast %add3A_5 : f32 to vector<5000x1xf32>
    %add3A_7 = arith.addf %add3A, %add3A_6 : vector<5000x1xf32>
    %rsqrt3A = math.rsqrt %add3A_7 : vector<5000x1xf32>
    %get3A_8 = arith.constant 0 : index
    %get3A_9 = arith.constant 0 : index
    %get3A_10 = arith.constant 0 : index
    %get3A_11 = vector.load %arg1[%get3A_8, %get3A_9, %get3A_10] : memref<2x5000x128xf32, #tpu.memory_space<vmem>>, vector<1x5000x128xf32>
    %get3A_12 = vector.shape_cast %get3A_11 : vector<1x5000x128xf32> to vector<5000x128xf32>
    %get3A_13 = arith.constant 1 : index
    %get3A_14 = arith.constant 0 : index
    %get3A_15 = arith.constant 0 : index
    %get3A_16 = vector.load %arg1[%get3A_13, %get3A_14, %get3A_15] : memref<2x5000x128xf32, #tpu.memory_space<vmem>>, vector<1x5000x128xf32>
    %get3A_17 = vector.shape_cast %get3A_16 : vector<1x5000x128xf32> to vector<5000x128xf32>
    %add3A_18 = arith.addf %get3A_12, %get3A_17 : vector<5000x128xf32>
    %get3A_19 = arith.constant 0 : index
    %get3A_20 = arith.constant 0 : index
    %get3A_21 = vector.load %arg2[%get3A_19, %get3A_20] : memref<5000x128xf32, #tpu.memory_space<vmem>>, vector<5000x128xf32>
    %add3A_22 = arith.addf %add3A_18, %get3A_21 : vector<5000x128xf32>
    %mul3A = vector.broadcast %rsqrt3A : vector<5000x1xf32> to vector<5000x128xf32>
    %mul3A_23 = arith.mulf %mul3A, %add3A_22 : vector<5000x128xf32>
    %get3A_24 = arith.constant 0 : index
    %get3A_25 = arith.constant 0 : index
    %get3A_26 = vector.load %arg4[%get3A_24, %get3A_25] : memref<1x128xf32, #tpu.memory_space<vmem>>, vector<1x128xf32>
    %add3A_27 = vector.broadcast %get3A_26 : vector<1x128xf32> to vector<5000x128xf32>
    %add3A_28 = arith.addf %mul3A_23, %add3A_27 : vector<5000x128xf32>
    %swap3A = arith.constant 0 : index
    %swap3A_29 = arith.constant 0 : index
    %swap3A_30 = vector.load %arg5[%swap3A, %swap3A_29] : memref<5000x128xf32, #tpu.memory_space<vmem>>, vector<5000x128xf32>
    tpu.vector_store %arg5[%swap3A, %swap3A_29], %add3A_28 {strides = array<i32>} : memref<5000x128xf32, #tpu.memory_space<vmem>>, vector<5000x128xf32>,
    return
  }
  func.func @transform_0(%arg0: i32) -> (i32, i32, i32) {
    %c0_i32 = arith.constant 0 : i32
    %c0_i32_0 = arith.constant 0 : i32
    %c0_i32_1 = arith.constant 0 : i32
    return %c0_i32, %arg0, %c0_i32_0 : i32, i32, i32
  }
  func.func @transform_1(%arg0: i32) -> (i32, i32) {
    %c0_i32 = arith.constant 0 : i32
    %c0_i32_0 = arith.constant 0 : i32
    return %arg0, %c0_i32 : i32, i32
  }
  func.func @transform_2(%arg0: i32) -> (i32, i32) {
    %c0_i32 = arith.constant 0 : i32
    %c0_i32_0 = arith.constant 0 : i32
    return %arg0, %c0_i32 : i32, i32
  }
  func.func @transform_3(%arg0: i32) -> (i32, i32) {
    %c0_i32 = arith.constant 0 : i32
    %c0_i32_0 = arith.constant 0 : i32
    %c0_i32_1 = arith.constant 0 : i32
    return %c0_i32, %c0_i32_0 : i32, i32
  }
  func.func @transform_4(%arg0: i32) -> (i32, i32) {
    %c0_i32 = arith.constant 0 : i32
    %c0_i32_0 = arith.constant 0 : i32
    return %arg0, %c0_i32 : i32, i32
  }
}

</mosaic_0001>

<sc_bundles>
// kernel: kernel.11.cloned.1.call-start
scs
__scs_entry_jumppad:
0x0: {  	(pc) =	sbr.rel $0x88, $3  }
0x1: {  	(tag) =	ssettag $0x0;
	lr =	simm.s32 $0x1  }
0x2: {  	[smem:$0x3F9B] =	sst lr;
	_ =	strace $0xD0000000  }
0x3: {  	_ = 	snop  }
0x4: {  	_ = 	snop  }
0x5: {  	_ = 	snop  }
0x6: {  	_ = 	snop  }
0x7: {  	_ = 	snop  }
__scs_overlays_trampoline_lowered:
0x8: {  	[smem:$0x3FAA] =	sst s0  }
0x9: {  	[smem:$0x3FAB] =	sst s1  }
0xa: {  	[smem:$0x3FAC] =	sst s2  }
0xb: {  	[smem:$0x3FAD] =	sst s3  }
0xc: {  	[smem:$0x3FAE] =	sst s4  }
0xd: {  	[smem:$0x3FAF] =	sst s5  }
0xe: {  	[smem:$0x3FB0] =	sst s6  }
0xf: {  	[smem:$0x3FB1] =	sst s7  }
0x10: {  	[smem:$0x3FB2] =	sst s8  }
0x11: {  	[smem:$0x3FB3] =	sst s9;
	s0 =	simm.s32 @!p0 $0x0  }
0x12: {  	s1 =	sld [smem:$0x3F99];
	s0 =	simm.s32 @p0 $0x1  }
0x13: {  	[smem:$0x3FB4] =	sst s0;
	s0 =	simm.s32 @!p1 $0x0  }
0x14: {  	s2 =	sld [smem:$0x3F98];
	s0 =	simm.s32 @p1 $0x1  }
0x15: {  	[smem:$0x3FB5] =	sst s0;
	s0 =	simm.s32 @!p2 $0x0  }
0x16: {  	s3 =	sld [smem:$0x3FDB];
	s0 =	simm.s32 @p2 $0x1  }
0x17: {  	s4 =	simm.s32 $0x1BF5;
	[smem:$0x3FB7] =	sst s0  }
0x18: {  	s0 =	sld [smem:$0x3F9A];
	_ =	swait.ge [sflag:s4], $0x0  }
0x19: {  	s7 =	sld [smem:$0x3F9B]  }
0x1a: {  	s8 =	sadd.s32 $0xFFFFE003, lr  }
0x1b: {  	s9 =	sadd.s32 $0xFFFFFEF7, lr;
	s5 =	simm.s32 $0xFFFFFFFF;
	p2 =	slt.u32 s8, $0xFFFFF086  }
0x1c: {  	p1 =	slt.u32 s9, $0xF7A;
	s5 =	simm.s32 @!p2 $0x0  }
0x1d: {  	s5 =	simm.s32 @p1 $0x1;
	p0 =	seq.s32 s7, s2  }
0x1e: {  	s7 =	smul.u32 @!p0 $0xF7A, s2;
	p2 =	seq.s32 @!p0 s5, $0x0  }
0x1f: {  	s9 =	smul.u32 $0xF7A, s1;
	s8 =	simm.s32 @!p0 $0x1BF5;
	p2 =	por !p2, p0  }
0x20: {  	[sflag:s8] =	ssyncset.s32 @!p0 $0xFFFFF086;
	s6 =	sadd.s32 @!p0 s3, s7;
	s7 =	simm.s32 @!p0 $0x108  }
0x21: {  	s3 =	sadd.s32 s3, s9;
	s6 =	sadd.s32 @!p0 $0x88, s6;
	s7 =	simm.s32 @p2 $0x1082  }
0x22: {  	[simem:s7], [sflag:s8] =	dma.local @!p0 [hbm:s6], $0xF7A  }
0x23: {  	s9 =	sor.u32 $0xD0000000, s2;
	s6 =	simm.s32 $0x108;
	_ =	swait.ge @!p0 [sflag:s8], $0x0  }
0x24: {  	s3 =	sadd.s32 $0x88, s3;
	s6 =	simm.s32 @!p1 $0x1082;
	[sflag:s4] =	ssyncset.s32 $0xFFFFF086  }
0x25: {  	[simem:s6], [sflag:s4] =	dma.local [hbm:s3], $0xF7A  }
0x26: {  	[smem:$0x3F9B] =	sst s1;
	(tag) =	ssettag s2;
	_ =	strace s9  }
0x27: {  	s1 =	sld [smem:$0x3FAB]  }
0x28: {  	s2 =	sld [smem:$0x3FAC]  }
0x29: {  	s4 =	sld [smem:$0x3FAE]  }
0x2a: {  	p0 =	seq.s32 s5, $0x0;
	s5 =	sld [smem:$0x3FAF]  }
0x2b: {  	s6 =	sld [smem:$0x3FB0]  }
0x2c: {  	s7 =	sld [smem:$0x3FB1]  }
0x2d: {  	s3 =	simm.s32 $0x108;
	s8 =	sld [smem:$0x3FB2]  }
0x2e: {  	s3 =	simm.s32 @!p0 $0x1082;
	s9 =	sld [smem:$0x3FB3]  }
0x2f: {  	lr =	sadd.s32 s0, s3;
	s0 =	sld [smem:$0x3FAA]  }
0x30: {  	s3 =	sld [smem:$0x3FAD]  }
0x31: {  	[smem:$0x3FB6] =	sst s10  }
0x32: {  	s10 =	sld [smem:$0x3FB4];
	_ =	sdelay $0x3  }
0x33: {  	p0 =	seq.s32 s10, $0x1;
	s10 =	sld [smem:$0x3FB6];
	_ =	sdelay $0x3  }
0x34: {  	[smem:$0x3FB6] =	sst s10  }
0x35: {  	s10 =	sld [smem:$0x3FB5];
	_ =	sdelay $0x3  }
0x36: {  	p1 =	seq.s32 s10, $0x1;
	s10 =	sld [smem:$0x3FB6];
	_ =	sdelay $0x3  }
0x37: {  	[smem:$0x3FB6] =	sst s10  }
0x38: {  	s10 =	sld [smem:$0x3FB7]  }
0x39: {  	_ = 	snop;
	(pc) =	sbr.ind lr, $3  }
0x3a: {  	_ = 	snop  }
0x3b: {  	_ = 	snop  }
0x3c: {  	p2 =	seq.s32 s10, $0x1;
	s10 =	sld [smem:$0x3FB6]  }
0x3d: {  	_ =	shalt  }
0x3e: {  	_ =	shalt  }
0x3f: {  	_ =	shalt  }
0x40: {  	_ =	shalt  }
0x41: {  	_ =	shalt  }
0x42: {  	_ =	shalt  }
0x43: {  	_ =	shalt  }
0x44: {  	_ =	shalt  }
0x45: {  	_ =	shalt  }
0x46: {  	_ =	shalt  }
0x47: {  	_ =	shalt  }
0x48: {  	_ =	shalt  }
0x49: {  	_ =	shalt  }
0x4a: {  	_ =	shalt  }
0x4b: {  	_ =	shalt  }
0x4c: {  	_ =	shalt  }
0x4d: {  	_ =	shalt  }
0x4e: {  	_ =	shalt  }
0x4f: {  	_ =	shalt  }
0x50: {  	_ =	shalt  }
0x51: {  	_ =	shalt  }
0x52: {  	_ =	shalt  }
0x53: {  	_ =	shalt  }
0x54: {  	_ =	shalt  }
0x55: {  	_ =	shalt  }
0x56: {  	_ =	shalt  }
0x57: {  	_ =	shalt  }
0x58: {  	_ =	shalt  }
0x59: {  	_ =	shalt  }
0x5a: {  	_ =	shalt  }
0x5b: {  	_ =	shalt  }
0x5c: {  	_ =	shalt  }
0x5d: {  	_ =	shalt  }
0x5e: {  	_ =	shalt  }
0x5f: {  	_ =	shalt  }
0x60: {  	_ =	shalt  }
0x61: {  	_ =	shalt  }
0x62: {  	_ =	shalt  }
0x63: {  	_ =	shalt  }
0x64: {  	_ =	shalt  }
0x65: {  	_ =	shalt  }
0x66: {  	_ =	shalt  }
0x67: {  	_ =	shalt  }
0x68: {  	_ =	shalt  }
0x69: {  	_ =	shalt  }
0x6a: {  	_ =	shalt  }
0x6b: {  	_ =	shalt  }
0x6c: {  	_ =	shalt  }
0x6d: {  	_ =	shalt  }
0x6e: {  	_ =	shalt  }
0x6f: {  	_ =	shalt  }
0x70: {  	_ =	shalt  }
0x71: {  	_ =	shalt  }
0x72: {  	_ =	shalt  }
0x73: {  	_ =	shalt  }
0x74: {  	_ =	shalt  }
0x75: {  	_ =	shalt  }
0x76: {  	_ =	shalt  }
0x77: {  	_ =	shalt  }
0x78: {  	_ =	shalt  }
0x79: {  	_ =	shalt  }
0x7a: {  	_ =	shalt  }
0x7b: {  	_ =	shalt  }
0x7c: {  	_ =	shalt  }
0x7d: {  	_ =	shalt  }
0x7e: {  	_ =	shalt  }
0x7f: {  	_ =	shalt  }
0x80: {  	_ =	shalt  }
0x81: {  	_ =	shalt  }
0x82: {  	_ =	shalt  }
0x83: {  	_ =	shalt  }
0x84: {  	_ =	shalt  }
0x85: {  	_ =	shalt  }
0x86: {  	_ =	shalt  }
0x87: {  	_ =	shalt  }
.Lfunc_end0:
.L_simem_size_0:
called_computation.1_lowered:
.L_overlay_start_0:
0x88: {  	s2 =	sld [smem:$0x3FD9]  }
0x89: {  	s3 =	sld [smem:$0x3FFE];
	_ =	sdelay $0x1  }
0x8a: {  	s1 =	srdreg.scid  }
0x8b: {  	s0 =	sand.u32 $0x1, s1  }
0x8c: {  	s17 =	sshll.u32 s0, $0xA;
	s2 =	sadd.s32 s3, s2  }
0x8d: {  	s2 =	sadd.s32 s2, s17  }
0x8e: {  	[smem:$0x3FC2] =	sst s2  }
0x8f: {  	_ = 	snop  }
0x90: {  	s2 =	sld [smem:$0x3FD0];
	(tm) =	ssettm $0x1  }
0x91: {  	s18 =	sld [smem:$0x3FFB];
	_ =	sdelay $0x3  }
0x92: {  	_ =	strace s18  }
0x93: {  	s3 =	sld [smem:$0x3FFC];
	_ =	sdelay $0x3  }
0x94: {  	_ =	strace s3  }
0x95: {  	s3 =	sld [smem:$0x3FFD];
	_ =	sdelay $0x3  }
0x96: {  	_ =	strace s3  }
0x97: {  	_ =	strace $0x8FFFFFFF  }
0x98: {  	s19 =	sld [smem:$0x3FDB];
	_ =	sdelay $0x1  }
0x99: {  	s4 =	simm.s32 $_scs_section_size  }
0x9a: {  	s5 =	simm.s32 $_size__tile_overlayer_lowered;
	s6 =	simm.s32 $_tile_overlayer_lowered  }
0x9b: {  	s22 =	simm.s32 $0x1BFF;
	s21 =	sshll.u32 s6, $0x1;
	s3 =	sadd.s32 s4, s19  }
0x9c: {  	s7 =	simm.s32 $0x0;
	s20 =	sshll.u32 s5, $0x1;
	s5 =	sadd.s32 s21, s3  }
0x9d: {  	[timem:s7], [sflag:s22] =	dma.local [hbm:s5], s20  }
0x9e: {  	_ =	swait.ge [sflag:s22], s20  }
0x9f: {  	s4 =	ssub.s32 $0x0, s20;
	[sflag:s22] =	ssyncset.done $0x0  }
0xa0: {  	[sflag:s22] =	ssyncadd.s32 s4;
	_ =	sdelay $0x1  }
0xa1: {  	s23 =	simm.s32 $0x1B8B  }
0xa2: {  	_ =	swait.ge [sflag:s23], $0x1  }
0xa3: {  	[sflag:s23] =	ssyncset.done $0x0  }
0xa4: {  	s25 =	simm.s32 $0x1B8E;
	s24 =	sld [smem:$0x3FFE];
	[sflag:s23] =	ssyncadd.s32 $0xFFFFFFFF  }
0xa5: {  	s26 =	simm.s32 $execute0_lowered;
	[smem:$0x3FD2] =	sst s25  }
0xa6: {  	s5 =	sshll.u32 s26, $0x1;
	_ =	strace $0x80000049;
	[dreg:$0x1] =	wrdreg $0xFFFFFFFF  }
0xa7: {  	s28 =	simm.s32 $_size_execute0_lowered;
	s3 =	sadd.s32 s3, s5;
	[dreg:$0x0] =	wrdreg $0x0  }
0xa8: {  	s5 =	sshll.u32 s28, $0x1;
	[dreg:$0x2] =	wrdreg s3  }
0xa9: {  	[dreg:$0x3] =	wrdreg s5  }
0xaa: {  	[dreg:$0x4] =	wrdreg $0xC0  }
0xab: {  	_ =	task [dreg:s7], $0x5FFFF  }
0xac: {  	[dreg:$0x1] =	wrdreg $0xFFFFFFFF  }
0xad: {  	[dreg:$0x0] =	wrdreg $0x60  }
0xae: {  	[dreg:$0x2] =	wrdreg s2  }
0xaf: {  	[dreg:$0x3] =	wrdreg s24  }
0xb0: {  	[dreg:$0x4] =	wrdreg $0x98000  }
0xb1: {  	[dreg:$0x5] =	wrdreg $0x9  }
0xb2: {  	_ =	task.clear_ibuf [dreg:s7], $0x6FFFF;
	_ =	strace $0x90000049  }
0xb3: {  	s29 =	simm.s32 $0x9;
	_ =	strace $0x8000004B  }
0xb4: {  	_ =	swait.ge [sflag:s29], $0x1  }
0xb5: {  	[sflag:s29] =	ssyncadd.s32 $0xFFFFFFFF  }
0xb6: {  	_ =	strace $0x9000004B  }
0xb7: {  	_ =	sfence  }
0xb8: {  	s30 =	sld [smem:$0x0];
	_ =	sdelay $0x2  }
0xb9: {  	s31 =	sshll.u32 s1, $0xD;
	s1 =	sshrl.u32 s1, $0x2  }
0xba: {  	s3 =	sand.u32 $0x4000, s31;
	s1 =	sadd.s32 s1, s30  }
0xbb: {  	s0 =	sor.u32 s3, s0;
	s1 =	sshll.u32 s1, $0x11  }
0xbc: {  	s0 =	sor.u32 s1, s0  }
0xbd: {  	s0 =	sadd.s32 $0x8F2B, s0  }
0xbe: {  	[sflag:s0] =	ssyncadd.remote.s32 $0x1  }
0xbf: {  	_ =	sfence.sel $0xFFFF  }
0xc0: {  	[dreg:$0x0] =	wrdreg $0xFFFFFFFF;
	(pc) =	sbr.abs _section_cstart, $3  }
0xc1: {  	[dreg:$0x1] =	wrdreg $0xFFFFFFFF  }
0xc2: {  	_ =	task.clear_ibuf [dreg:s7], $0x2FFFF;
	_ =	strace $0x9FFFFFFF  }
0xc3: {  	(tm) =	ssettm $0x7FFFFFFF  }
tec
execute0_lowered:
.L_overlay_start_1:
0x0: {  	(tag) =	ssettag $0x1  }
0x1: {  	s0 =	srdreg.scid;
	s8 =	stileid.u32  }
0x2: {  	s0 =	sand.u32 $0x1, s0;
	s1 =	smul.u32 $0xA000, s8  }
0x3: {  	s2 =	rddreg [dreg:$0x0];
	s4 =	smul.u32 $0x5000, s0  }
0x4: {  	s5 =	rddreg [dreg:$0x1]  }
0x5: {  	s3 =	rddreg [dreg:$0x2];
	s1 =	sadd.s32 s4, s1;
	s4 =	simm.s32 $0x0  }
0x6: {  	s22 =	simm.s32 $0x80;
	[smem:$0x7FF] =	sst s4  }
0x7: {  	s23 =	simm.s32 $0x100;
	_ =	strace $0x8000004A;
	[dreg:$0x6] =	wrdreg s22  }
0x8: {  	s24 =	simm.s32 $0x180;
	[dreg:$0x7] =	wrdreg s23  }
0x9: {  	s25 =	simm.s32 $0x1080;
	[dreg:$0x8] =	wrdreg s24  }
0xa: {  	s9 =	simm.s32 $0x200;
	[dreg:$0x9] =	wrdreg s25  }
0xb: {  	s10 =	simm.s32 $0x1100;
	[dreg:$0xa] =	wrdreg s9  }
0xc: {  	s11 =	simm.s32 $0x280;
	[dreg:$0xb] =	wrdreg s10  }
0xd: {  	s12 =	simm.s32 $0x1180;
	[dreg:$0xc] =	wrdreg s11  }
0xe: {  	s13 =	simm.s32 $0x300;
	[dreg:$0xd] =	wrdreg s12  }
0xf: {  	s14 =	simm.s32 $0x1200;
	[dreg:$0xe] =	wrdreg s13  }
0x10: {  	s15 =	simm.s32 $0x380;
	[dreg:$0xf] =	wrdreg s14  }
0x11: {  	s17 =	simm.s32 $0x1280;
	s18 =	simm.s32 $0x400;
	[dreg:$0x10] =	wrdreg s15  }
0x12: {  	s26 =	smul.u32 $0x140000, s0;
	s0 =	ssub.s32 $0x2, s0;
	[dreg:$0x11] =	wrdreg s17  }
0x13: {  	s20 =	simm.s32 $0x1300;
	s16 =	sshrl.u32 s0, $0x1;
	[dreg:$0x12] =	wrdreg s18  }
0x14: {  	s21 =	simm.s32 $0x480;
	s0 =	ssub.s32 s0, s16;
	[dreg:$0x13] =	wrdreg s20  }
0x15: {  	s7 =	smul.u32 $0x14000, s8;
	s0 =	smax.u32 s0, $0x1;
	[dreg:$0x14] =	wrdreg s21  }
0x16: {  	s19 =	smul.u32 $0x50000, s8;
	s8 =	simm.s32 $0x1480;
	[smem:$0x7EE] =	sst s0  }
0x17: {  	s16 =	simm.s32 $0x1580;
	[dreg:$0x19] =	wrdreg s8  }
0x18: {  	s23 =	simm.s32 $0x1380;
	[dreg:$0x1d] =	wrdreg s16  }
0x19: {  	s28 =	simm.s32 $0xA00;
	s24 =	simm.s32 $0x500;
	[dreg:$0x15] =	wrdreg s23  }
0x1a: {  	s29 =	simm.s32 $0x1900;
	s25 =	simm.s32 $0x1400;
	[dreg:$0x16] =	wrdreg s24  }
0x1b: {  	s30 =	simm.s32 $0xA80;
	s10 =	simm.s32 $0x600;
	[dreg:$0x17] =	wrdreg s25  }
0x1c: {  	s31 =	simm.s32 $0x1980;
	s12 =	simm.s32 $0x1500;
	[dreg:$0x1a] =	wrdreg s10  }
0x1d: {  	s1 =	sshrl.u32 s1, $0x3;
	s14 =	simm.s32 $0x680;
	[dreg:$0x1b] =	wrdreg s12  }
0x1e: {  	s1 =	sadd.s32 s1, s5;
	s18 =	simm.s32 $0x700;
	[dreg:$0x1c] =	wrdreg s14  }
0x1f: {  	s22 =	sshrl.u32 s19, $0x2;
	s19 =	simm.s32 $0x1600;
	[dreg:$0x1e] =	wrdreg s18  }
0x20: {  	s16 =	simm.s32 $0x4;
	s20 =	simm.s32 $0x780;
	[dreg:$0x1f] =	wrdreg s19  }
0x21: {  	s21 =	simm.s32 $0x1680;
	s0 =	simm.s32 $0x1A00;
	[smem:$0x7F7] =	sst s20  }
0x22: {  	s8 =	simm.s32 $0xC00;
	s6 =	sadd.s32 $0x2800, s1;
	[smem:$0x7F8] =	sst s21  }
0x23: {  	s1 =	sadd.s32 $0x16800, s1;
	s18 =	simm.s32 $0x50;
	[dreg:$0x4] =	wrdreg s6  }
0x24: {  	s19 =	simm.s32 $0x4800;
	s23 =	simm.s32 $0x1700;
	[dreg:$0x5] =	wrdreg s1  }
0x25: {  	s24 =	simm.s32 $0x880;
	s6 =	sadd.s32 s7, s26;
	[smem:$0x7FA] =	sst s23  }
0x26: {  	s25 =	simm.s32 $0x1780;
	[smem:$0x7FB] =	sst s24;
	s6 =	sshrl.u32 s6, $0x3  }
0x27: {  	[smem:$0x7FC] =	sst s25;
	s5 =	sadd.s32 s6, s5;
	s6 =	simm.s32 $0x580  }
0x28: {  	s20 =	simm.s32 $0x1;
	s5 =	sadd.s32 $0x2A800, s5;
	[dreg:$0x18] =	wrdreg s6  }
0x29: {  	s21 =	simm.s32 $0x7000;
	[smem:$0x7ED] =	sst s5;
	s5 =	sadd.s32 s22, s3  }
0x2a: {  	s10 =	simm.s32 $0x1B80;
	s22 =	simm.s32 $0x800;
	[smem:$0x7F5] =	sst s5  }
0x2b: {  	s12 =	simm.s32 $0x0;
	s26 =	sadd.s32 $0x2800, s5;
	[smem:$0x7F9] =	sst s22  }
0x2c: {  	s23 =	simm.s32 $0x3;
	s7 =	sadd.s32 $0x5000, s5;
	[smem:$0x7EF] =	sst s26  }
0x2d: {  	s24 =	simm.s32 $0x1800;
	s9 =	sadd.s32 $0x7800, s5;
	[smem:$0x7F0] =	sst s7  }
0x2e: {  	s25 =	simm.s32 $0x980;
	s11 =	sadd.s32 $0xA000, s5;
	[smem:$0x7F1] =	sst s9  }
0x2f: {  	s1 =	simm.s32 $0xB00;
	s13 =	sadd.s32 $0xC800, s5;
	[smem:$0x7F2] =	sst s11  }
0x30: {  	s15 =	sadd.s32 $0xF000, s5;
	s17 =	sadd.s32 $0x11800, s5;
	[smem:$0x7F3] =	sst s13  }
0x31: {  	s22 =	simm.s32 $0x2;
	s5 =	simm.s32 $0xB80;
	[smem:$0x7F4] =	sst s15  }
0x32: {  	[smem:$0x7F6] =	sst s17;
	s15 =	simm.s32 $0x2000;
	s17 =	simm.s32 $0x1000  }
0x33: {  	s26 =	simm.s32 $0x900;
	s7 =	simm.s32 $0x1A80;
	s9 =	simm.s32 $0x1B00  }
0x34: {  	v0 =	vimm.f32 $0.0e+00;
	s11 =	simm.s32 $0x1C00;
	[smem:$0x7FD] =	sst s26;
	s26 =	simm.s32 $0x1880  }
.LBB2_1:
0x35: {  	s13 =	simm.s32 $0x0;
	s14 =	simm.s32 $0x200  }
.LBB2_2:
0x36: {  	p0 =	sne.s32 s14, $0x9E00;
	[tilespmem:s13+$0x2070] =	vst v0  }
0x37: {  	[tilespmem:s13+$0x2000] =	vst v0  }
0x38: {  	[tilespmem:s13+$0x2010] =	vst v0  }
.Ltmp0:
0x39: {  	[tilespmem:s13+$0x2020] =	vst v0;
	(pc) =	sbr.rel @p0 .LBB2_2-.Ltmp0, $4  }
0x3a: {  	[tilespmem:s13+$0x2030] =	vst v0  }
0x3b: {  	[tilespmem:s13+$0x2040] =	vst v0  }
0x3c: {  	[tilespmem:s13+$0x2050] =	vst v0  }
0x3d: {  	[tilespmem:s13+$0x2060] =	vst v0;
	s13 =	sshra.s32 s14, $0x2;
	s14 =	sadd.s32 $0x200, s14  }
0x3e: {  	[tilespmem:s13+$0x2070] =	vst v0  }
0x3f: {  	[tilespmem:s13+$0x2000] =	vst v0  }
0x40: {  	[tilespmem:s13+$0x2010] =	vst v0  }
0x41: {  	[tilespmem:s13+$0x2020] =	vst v0  }
0x42: {  	[tilespmem:s13+$0x2030] =	vst v0  }
0x43: {  	[tilespmem:s13+$0x2040] =	vst v0;
	s6 =	sld [smem:$0x7F5]  }
0x44: {  	[tilespmem:s13+$0x2050] =	vst v0  }
0x45: {  	[smem:$0x7EC] =	sst s12;
	[tilespmem:s13+$0x2060] =	vst v0  }
0x46: {  	[spmem:s6] =	stream.linear.scatter [tilespmem:s15], [sflag:$0x4], $0x2800, $0x38;
	[tilespmem:$0x1D800] =	vst v63  }
0x47: {  	_ =	swait.ge [sflag:s16], $0x2800  }
0x48: {  	s12 =	sld [smem:$0x7EF]  }
0x49: {  	[sflag:s16] =	ssyncset.done $0x0  }
0x4a: {  	[sflag:s16] =	ssyncadd.s32 $0xFFFFD800  }
0x4b: {  	[spmem:s12] =	stream.linear.scatter [tilespmem:s15], [sflag:$0x4], $0x2800, $0x38;
	[tilespmem:$0x1D800] =	vst v63  }
0x4c: {  	_ =	swait.ge [sflag:s16], $0x2800  }
0x4d: {  	s13 =	sld [smem:$0x7F0]  }
0x4e: {  	[sflag:s16] =	ssyncset.done $0x0  }
0x4f: {  	[sflag:s16] =	ssyncadd.s32 $0xFFFFD800  }
0x50: {  	[spmem:s13] =	stream.linear.scatter [tilespmem:s15], [sflag:$0x4], $0x2800, $0x38;
	[tilespmem:$0x1D800] =	vst v63  }
0x51: {  	_ =	swait.ge [sflag:s16], $0x2800  }
0x52: {  	s14 =	sld [smem:$0x7F1]  }
0x53: {  	[sflag:s16] =	ssyncset.done $0x0  }
0x54: {  	[sflag:s16] =	ssyncadd.s32 $0xFFFFD800  }
0x55: {  	[spmem:s14] =	stream.linear.scatter [tilespmem:s15], [sflag:$0x4], $0x2800, $0x38;
	[tilespmem:$0x1D800] =	vst v63  }
0x56: {  	_ =	swait.ge [sflag:s16], $0x2800  }
0x57: {  	s12 =	sld [smem:$0x7F2]  }
0x58: {  	[sflag:s16] =	ssyncset.done $0x0  }
0x59: {  	[sflag:s16] =	ssyncadd.s32 $0xFFFFD800  }
0x5a: {  	[spmem:s12] =	stream.linear.scatter [tilespmem:s15], [sflag:$0x4], $0x2800, $0x38;
	[tilespmem:$0x1D800] =	vst v63  }
0x5b: {  	_ =	swait.ge [sflag:s16], $0x2800  }
0x5c: {  	s13 =	sld [smem:$0x7F3]  }
0x5d: {  	[sflag:s16] =	ssyncset.done $0x0  }
0x5e: {  	[sflag:s16] =	ssyncadd.s32 $0xFFFFD800  }
0x5f: {  	[spmem:s13] =	stream.linear.scatter [tilespmem:s15], [sflag:$0x4], $0x2800, $0x38;
	[tilespmem:$0x1D800] =	vst v63  }
0x60: {  	_ =	swait.ge [sflag:s16], $0x2800  }
0x61: {  	s14 =	sld [smem:$0x7F4]  }
0x62: {  	[sflag:s16] =	ssyncset.done $0x0  }
0x63: {  	[sflag:s16] =	ssyncadd.s32 $0xFFFFD800  }
0x64: {  	[spmem:s14] =	stream.linear.scatter [tilespmem:s15], [sflag:$0x4], $0x2800, $0x38;
	[tilespmem:$0x1D800] =	vst v63  }
0x65: {  	_ =	swait.ge [sflag:s16], $0x2800  }
0x66: {  	s12 =	sld [smem:$0x7F6]  }
0x67: {  	[sflag:s16] =	ssyncset.done $0x0  }
0x68: {  	[sflag:s16] =	ssyncadd.s32 $0xFFFFD800  }
0x69: {  	[spmem:s12] =	stream.linear.scatter [tilespmem:s15], [sflag:$0x4], $0x2800, $0x38;
	[tilespmem:$0x1D800] =	vst v63  }
0x6a: {  	_ =	swait.ge [sflag:s16], $0x2800  }
0x6b: {  	[sflag:s16] =	ssyncset.done $0x0  }
0x6c: {  	[sflag:s16] =	ssyncadd.s32 $0xFFFFD800  }
0x6d: {  	[bflag:$0x0] =	sbarrier.arrive $0xFFFF  }
0x6e: {  	s13 =	rddreg [dreg:$0x5]  }
0x6f: {  	s6 =	sadd.s32 $0x0, s13  }
0x70: {  	[tilespmem:s4], [sflag:$0x4] =	stream.linear.gather [hbm4b:s6+s4], $0xC80, $0x38;
	[tilespmem:$0x1D800] =	vst v63  }
0x71: {  	_ =	swait.ge [sflag:s16], $0xC80  }
0x72: {  	s14 =	rddreg [dreg:$0x4];
	[sflag:s16] =	ssyncset.done $0x0  }
0x73: {  	[sflag:s16] =	ssyncadd.s32 $0xFFFFF380;
	s6 =	sadd.s32 $0x0, s14  }
0x74: {  	[tilespmem:s17], [sflag:$0x4] =	stream.linear.gather [hbm4b:s6+s4], $0xC80, $0x38;
	[tilespmem:$0x1D800] =	vst v63  }
0x75: {  	_ =	swait.ge [sflag:s16], $0xC80  }
0x76: {  	[sflag:s16] =	ssyncset.done $0x0  }
0x77: {  	[sflag:s16] =	ssyncadd.s32 $0xFFFFF380  }
0x78: {  	[tilespmem:s15], [sflag:$0x1] =	stream.indirect.gather [hbm4b:s2+s18], $0x80, s4, s18, $0xb8;
	[tilespmem:$0x1D800] =	vst v63  }
0x79: {  	s12 =	rddreg [dreg:$0x6]  }
0x7a: {  	[tilespmem:s19], [sflag:$0x2] =	stream.indirect.gather [hbm4b:s2+s18], $0x80, s12, s18, $0xb8;
	[tilespmem:$0x1D800] =	vst v63  }
0x7b: {  	_ =	swait.ge [sflag:s20], $0x2800  }
0x7c: {  	[sflag:s20] =	ssyncset.done $0x0  }
0x7d: {  	s13 =	rddreg [dreg:$0x7];
	[sflag:s20] =	ssyncadd.s32 $0xFFFFD800  }
0x7e: {  	[tilespmem:s21], [sflag:$0x3] =	stream.indirect.gather [hbm4b:s2+s18], $0x80, s13, s18, $0xb8;
	[tilespmem:$0x1D800] =	vst v63  }
0x7f: {  	_ = 	snop  }
0x80: {  	[spmem:s3] =	stream.indirect.scatter.add.f32 [tilespmem:s15], [sflag:$0x4], $0x80, s17, s18, $0xb8;
	[tilespmem:$0x1D800] =	vst v63  }
0x81: {  	_ =	swait.ge [sflag:s16], $0x2800  }
0x82: {  	[sflag:s16] =	ssyncset.done $0x0  }
0x83: {  	[sflag:s16] =	ssyncadd.s32 $0xFFFFD800  }
0x84: {  	_ =	swait.ge [sflag:s22], $0x2800  }
0x85: {  	[sflag:s22] =	ssyncset.done $0x0  }
0x86: {  	s14 =	rddreg [dreg:$0x8];
	[sflag:s22] =	ssyncadd.s32 $0xFFFFD800  }
0x87: {  	[tilespmem:s15], [sflag:$0x1] =	stream.indirect.gather [hbm4b:s2+s18], $0x80, s14, s18, $0xb8;
	[tilespmem:$0x1D800] =	vst v63  }
0x88: {  	s12 =	rddreg [dreg:$0x9]  }
0x89: {  	[spmem:s3] =	stream.indirect.scatter.add.f32 [tilespmem:s19], [sflag:$0x4], $0x80, s12, s18, $0xb8;
	[tilespmem:$0x1D800] =	vst v63  }
0x8a: {  	_ =	swait.ge [sflag:s16], $0x2800  }
0x8b: {  	[sflag:s16] =	ssyncset.done $0x0  }
0x8c: {  	[sflag:s16] =	ssyncadd.s32 $0xFFFFD800  }
0x8d: {  	_ =	swait.ge [sflag:s23], $0x2800  }
0x8e: {  	[sflag:s23] =	ssyncset.done $0x0  }
0x8f: {  	s14 =	rddreg [dreg:$0xa];
	[sflag:s23] =	ssyncadd.s32 $0xFFFFD800  }
0x90: {  	[tilespmem:s19], [sflag:$0x2] =	stream.indirect.gather [hbm4b:s2+s18], $0x80, s14, s18, $0xb8;
	[tilespmem:$0x1D800] =	vst v63  }
0x91: {  	s12 =	rddreg [dreg:$0xb]  }
0x92: {  	[spmem:s3] =	stream.indirect.scatter.add.f32 [tilespmem:s21], [sflag:$0x4], $0x80, s12, s18, $0xb8;
	[tilespmem:$0x1D800] =	vst v63  }
0x93: {  	_ =	swait.ge [sflag:s16], $0x2800  }
0x94: {  	[sflag:s16] =	ssyncset.done $0x0  }
0x95: {  	[sflag:s16] =	ssyncadd.s32 $0xFFFFD800  }
0x96: {  	_ =	swait.ge [sflag:s20], $0x2800  }
0x97: {  	[sflag:s20] =	ssyncset.done $0x0  }
0x98: {  	s14 =	rddreg [dreg:$0xc];
	[sflag:s20] =	ssyncadd.s32 $0xFFFFD800  }
0x99: {  	[tilespmem:s21], [sflag:$0x3] =	stream.indirect.gather [hbm4b:s2+s18], $0x80, s14, s18, $0xb8;
	[tilespmem:$0x1D800] =	vst v63  }
0x9a: {  	s12 =	rddreg [dreg:$0xd]  }
0x9b: {  	[spmem:s3] =	stream.indirect.scatter.add.f32 [tilespmem:s15], [sflag:$0x4], $0x80, s12, s18, $0xb8;
	[tilespmem:$0x1D800] =	vst v63  }
0x9c: {  	_ =	swait.ge [sflag:s16], $0x2800  }
0x9d: {  	[sflag:s16] =	ssyncset.done $0x0  }
0x9e: {  	[sflag:s16] =	ssyncadd.s32 $0xFFFFD800  }
0x9f: {  	_ =	swait.ge [sflag:s22], $0x2800  }
0xa0: {  	[sflag:s22] =	ssyncset.done $0x0  }
0xa1: {  	s14 =	rddreg [dreg:$0xe];
	[sflag:s22] =	ssyncadd.s32 $0xFFFFD800  }
0xa2: {  	[tilespmem:s15], [sflag:$0x1] =	stream.indirect.gather [hbm4b:s2+s18], $0x80, s14, s18, $0xb8;
	[tilespmem:$0x1D800] =	vst v63  }
0xa3: {  	s12 =	rddreg [dreg:$0xf]  }
0xa4: {  	[spmem:s3] =	stream.indirect.scatter.add.f32 [tilespmem:s19], [sflag:$0x4], $0x80, s12, s18, $0xb8;
	[tilespmem:$0x1D800] =	vst v63  }
0xa5: {  	_ =	swait.ge [sflag:s16], $0x2800  }
0xa6: {  	[sflag:s16] =	ssyncset.done $0x0  }
0xa7: {  	[sflag:s16] =	ssyncadd.s32 $0xFFFFD800  }
0xa8: {  	_ =	swait.ge [sflag:s23], $0x2800  }
0xa9: {  	[sflag:s23] =	ssyncset.done $0x0  }
0xaa: {  	s14 =	rddreg [dreg:$0x10];
	[sflag:s23] =	ssyncadd.s32 $0xFFFFD800  }
0xab: {  	[tilespmem:s19], [sflag:$0x2] =	stream.indirect.gather [hbm4b:s2+s18], $0x80, s14, s18, $0xb8;
	[tilespmem:$0x1D800] =	vst v63  }
0xac: {  	s12 =	rddreg [dreg:$0x11]  }
0xad: {  	[spmem:s3] =	stream.indirect.scatter.add.f32 [tilespmem:s21], [sflag:$0x4], $0x80, s12, s18, $0xb8;
	[tilespmem:$0x1D800] =	vst v63  }
0xae: {  	_ =	swait.ge [sflag:s16], $0x2800  }
0xaf: {  	[sflag:s16] =	ssyncset.done $0x0  }
0xb0: {  	[sflag:s16] =	ssyncadd.s32 $0xFFFFD800  }
0xb1: {  	_ =	swait.ge [sflag:s20], $0x2800  }
0xb2: {  	[sflag:s20] =	ssyncset.done $0x0  }
0xb3: {  	s14 =	rddreg [dreg:$0x12];
	[sflag:s20] =	ssyncadd.s32 $0xFFFFD800  }
0xb4: {  	[tilespmem:s21], [sflag:$0x3] =	stream.indirect.gather [hbm4b:s2+s18], $0x80, s14, s18, $0xb8;
	[tilespmem:$0x1D800] =	vst v63  }
0xb5: {  	s12 =	rddreg [dreg:$0x13]  }
0xb6: {  	[spmem:s3] =	stream.indirect.scatter.add.f32 [tilespmem:s15], [sflag:$0x4], $0x80, s12, s18, $0xb8;
	[tilespmem:$0x1D800] =	vst v63  }
0xb7: {  	_ =	swait.ge [sflag:s16], $0x2800  }
0xb8: {  	[sflag:s16] =	ssyncset.done $0x0  }
0xb9: {  	[sflag:s16] =	ssyncadd.s32 $0xFFFFD800  }
0xba: {  	_ =	swait.ge [sflag:s22], $0x2800  }
0xbb: {  	[sflag:s22] =	ssyncset.done $0x0  }
0xbc: {  	s14 =	rddreg [dreg:$0x14];
	[sflag:s22] =	ssyncadd.s32 $0xFFFFD800  }
0xbd: {  	[tilespmem:s15], [sflag:$0x1] =	stream.indirect.gather [hbm4b:s2+s18], $0x80, s14, s18, $0xb8;
	[tilespmem:$0x1D800] =	vst v63  }
0xbe: {  	s12 =	rddreg [dreg:$0x15]  }
0xbf: {  	[spmem:s3] =	stream.indirect.scatter.add.f32 [tilespmem:s19], [sflag:$0x4], $0x80, s12, s18, $0xb8;
	[tilespmem:$0x1D800] =	vst v63  }
0xc0: {  	_ =	swait.ge [sflag:s16], $0x2800  }
0xc1: {  	[sflag:s16] =	ssyncset.done $0x0  }
0xc2: {  	[sflag:s16] =	ssyncadd.s32 $0xFFFFD800  }
0xc3: {  	_ =	swait.ge [sflag:s23], $0x2800  }
0xc4: {  	[sflag:s23] =	ssyncset.done $0x0  }
0xc5: {  	s14 =	rddreg [dreg:$0x16];
	[sflag:s23] =	ssyncadd.s32 $0xFFFFD800  }
0xc6: {  	[tilespmem:s19], [sflag:$0x2] =	stream.indirect.gather [hbm4b:s2+s18], $0x80, s14, s18, $0xb8;
	[tilespmem:$0x1D800] =	vst v63  }
0xc7: {  	s12 =	rddreg [dreg:$0x17]  }
0xc8: {  	[spmem:s3] =	stream.indirect.scatter.add.f32 [tilespmem:s21], [sflag:$0x4], $0x80, s12, s18, $0xb8;
	[tilespmem:$0x1D800] =	vst v63  }
0xc9: {  	_ =	swait.ge [sflag:s16], $0x2800  }
0xca: {  	[sflag:s16] =	ssyncset.done $0x0  }
0xcb: {  	[sflag:s16] =	ssyncadd.s32 $0xFFFFD800  }
0xcc: {  	_ =	swait.ge [sflag:s20], $0x2800  }
0xcd: {  	[sflag:s20] =	ssyncset.done $0x0  }
0xce: {  	s14 =	rddreg [dreg:$0x18];
	[sflag:s20] =	ssyncadd.s32 $0xFFFFD800  }
0xcf: {  	[tilespmem:s21], [sflag:$0x3] =	stream.indirect.gather [hbm4b:s2+s18], $0x80, s14, s18, $0xb8;
	[tilespmem:$0x1D800] =	vst v63  }
0xd0: {  	s12 =	rddreg [dreg:$0x19]  }
0xd1: {  	[spmem:s3] =	stream.indirect.scatter.add.f32 [tilespmem:s15], [sflag:$0x4], $0x80, s12, s18, $0xb8;
	[tilespmem:$0x1D800] =	vst v63  }
0xd2: {  	_ =	swait.ge [sflag:s16], $0x2800  }
0xd3: {  	[sflag:s16] =	ssyncset.done $0x0  }
0xd4: {  	[sflag:s16] =	ssyncadd.s32 $0xFFFFD800  }
0xd5: {  	_ =	swait.ge [sflag:s22], $0x2800  }
0xd6: {  	[sflag:s22] =	ssyncset.done $0x0  }
0xd7: {  	s14 =	rddreg [dreg:$0x1a];
	[sflag:s22] =	ssyncadd.s32 $0xFFFFD800  }
0xd8: {  	[tilespmem:s15], [sflag:$0x1] =	stream.indirect.gather [hbm4b:s2+s18], $0x80, s14, s18, $0xb8;
	[tilespmem:$0x1D800] =	vst v63  }
0xd9: {  	s12 =	rddreg [dreg:$0x1b]  }
0xda: {  	[spmem:s3] =	stream.indirect.scatter.add.f32 [tilespmem:s19], [sflag:$0x4], $0x80, s12, s18, $0xb8;
	[tilespmem:$0x1D800] =	vst v63  }
0xdb: {  	_ =	swait.ge [sflag:s16], $0x2800  }
0xdc: {  	[sflag:s16] =	ssyncset.done $0x0  }
0xdd: {  	[sflag:s16] =	ssyncadd.s32 $0xFFFFD800  }
0xde: {  	_ =	swait.ge [sflag:s23], $0x2800  }
0xdf: {  	[sflag:s23] =	ssyncset.done $0x0  }
0xe0: {  	s14 =	rddreg [dreg:$0x1c];
	[sflag:s23] =	ssyncadd.s32 $0xFFFFD800  }
0xe1: {  	[tilespmem:s19], [sflag:$0x2] =	stream.indirect.gather [hbm4b:s2+s18], $0x80, s14, s18, $0xb8;
	[tilespmem:$0x1D800] =	vst v63  }
0xe2: {  	s12 =	rddreg [dreg:$0x1d]  }
0xe3: {  	[spmem:s3] =	stream.indirect.scatter.add.f32 [tilespmem:s21], [sflag:$0x4], $0x80, s12, s18, $0xb8;
	[tilespmem:$0x1D800] =	vst v63  }
0xe4: {  	_ =	swait.ge [sflag:s16], $0x2800  }
0xe5: {  	[sflag:s16] =	ssyncset.done $0x0  }
0xe6: {  	[sflag:s16] =	ssyncadd.s32 $0xFFFFD800  }
0xe7: {  	_ =	swait.ge [sflag:s20], $0x2800  }
0xe8: {  	[sflag:s20] =	ssyncset.done $0x0  }
0xe9: {  	s14 =	rddreg [dreg:$0x1e];
	[sflag:s20] =	ssyncadd.s32 $0xFFFFD800  }
0xea: {  	[tilespmem:s21], [sflag:$0x3] =	stream.indirect.gather [hbm4b:s2+s18], $0x80, s14, s18, $0xb8;
	[tilespmem:$0x1D800] =	vst v63  }
0xeb: {  	s12 =	rddreg [dreg:$0x1f]  }
0xec: {  	[spmem:s3] =	stream.indirect.scatter.add.f32 [tilespmem:s15], [sflag:$0x4], $0x80, s12, s18, $0xb8;
	[tilespmem:$0x1D800] =	vst v63  }
0xed: {  	_ =	swait.ge [sflag:s16], $0x2800  }
0xee: {  	[sflag:s16] =	ssyncset.done $0x0  }
0xef: {  	[sflag:s16] =	ssyncadd.s32 $0xFFFFD800  }
0xf0: {  	_ =	swait.ge [sflag:s22], $0x2800  }
0xf1: {  	s14 =	sld [smem:$0x7F7]  }
0xf2: {  	[sflag:s22] =	ssyncset.done $0x0  }
0xf3: {  	s12 =	sld [smem:$0x7F8];
	[sflag:s22] =	ssyncadd.s32 $0xFFFFD800  }
0xf4: {  	[tilespmem:s15], [sflag:$0x1] =	stream.indirect.gather [hbm4b:s2+s18], $0x80, s14, s18, $0xb8;
	[tilespmem:$0x1D800] =	vst v63  }
0xf5: {  	_ = 	snop  }
0xf6: {  	[spmem:s3] =	stream.indirect.scatter.add.f32 [tilespmem:s19], [sflag:$0x4], $0x80, s12, s18, $0xb8;
	[tilespmem:$0x1D800] =	vst v63  }
0xf7: {  	_ =	swait.ge [sflag:s16], $0x2800  }
0xf8: {  	[sflag:s16] =	ssyncset.done $0x0  }
0xf9: {  	[sflag:s16] =	ssyncadd.s32 $0xFFFFD800  }
0xfa: {  	_ =	swait.ge [sflag:s23], $0x2800  }
0xfb: {  	s14 =	sld [smem:$0x7F9]  }
0xfc: {  	[sflag:s23] =	ssyncset.done $0x0  }
0xfd: {  	s12 =	sld [smem:$0x7FA];
	[sflag:s23] =	ssyncadd.s32 $0xFFFFD800  }
0xfe: {  	[tilespmem:s19], [sflag:$0x2] =	stream.indirect.gather [hbm4b:s2+s18], $0x80, s14, s18, $0xb8;
	[tilespmem:$0x1D800] =	vst v63  }
0xff: {  	_ = 	snop  }
0x100: {  	[spmem:s3] =	stream.indirect.scatter.add.f32 [tilespmem:s21], [sflag:$0x4], $0x80, s12, s18, $0xb8;
	[tilespmem:$0x1D800] =	vst v63  }
0x101: {  	_ =	swait.ge [sflag:s16], $0x2800  }
0x102: {  	[sflag:s16] =	ssyncset.done $0x0  }
0x103: {  	[sflag:s16] =	ssyncadd.s32 $0xFFFFD800  }
0x104: {  	_ =	swait.ge [sflag:s20], $0x2800  }
0x105: {  	s14 =	sld [smem:$0x7FB]  }
0x106: {  	[sflag:s20] =	ssyncset.done $0x0  }
0x107: {  	s12 =	sld [smem:$0x7FC];
	[sflag:s20] =	ssyncadd.s32 $0xFFFFD800  }
0x108: {  	[tilespmem:s21], [sflag:$0x3] =	stream.indirect.gather [hbm4b:s2+s18], $0x80, s14, s18, $0xb8;
	[tilespmem:$0x1D800] =	vst v63  }
0x109: {  	_ = 	snop  }
0x10a: {  	[spmem:s3] =	stream.indirect.scatter.add.f32 [tilespmem:s15], [sflag:$0x4], $0x80, s12, s18, $0xb8;
	[tilespmem:$0x1D800] =	vst v63  }
0x10b: {  	_ =	swait.ge [sflag:s16], $0x2800  }
0x10c: {  	[sflag:s16] =	ssyncset.done $0x0  }
0x10d: {  	[sflag:s16] =	ssyncadd.s32 $0xFFFFD800  }
0x10e: {  	_ =	swait.ge [sflag:s22], $0x2800  }
0x10f: {  	s14 =	sld [smem:$0x7FD]  }
0x110: {  	[sflag:s22] =	ssyncset.done $0x0  }
0x111: {  	[sflag:s22] =	ssyncadd.s32 $0xFFFFD800  }
0x112: {  	[tilespmem:s15], [sflag:$0x1] =	stream.indirect.gather [hbm4b:s2+s18], $0x80, s14, s18, $0xb8;
	[tilespmem:$0x1D800] =	vst v63  }
0x113: {  	_ = 	snop  }
0x114: {  	[spmem:s3] =	stream.indirect.scatter.add.f32 [tilespmem:s19], [sflag:$0x4], $0x80, s24, s18, $0xb8;
	[tilespmem:$0x1D800] =	vst v63  }
0x115: {  	_ =	swait.ge [sflag:s16], $0x2800  }
0x116: {  	[sflag:s16] =	ssyncset.done $0x0  }
0x117: {  	[sflag:s16] =	ssyncadd.s32 $0xFFFFD800  }
0x118: {  	_ =	swait.ge [sflag:s23], $0x2800  }
0x119: {  	[sflag:s23] =	ssyncset.done $0x0  }
0x11a: {  	[sflag:s23] =	ssyncadd.s32 $0xFFFFD800  }
0x11b: {  	[tilespmem:s19], [sflag:$0x2] =	stream.indirect.gather [hbm4b:s2+s18], $0x80, s25, s18, $0xb8;
	[tilespmem:$0x1D800] =	vst v63  }
0x11c: {  	_ = 	snop  }
0x11d: {  	[spmem:s3] =	stream.indirect.scatter.add.f32 [tilespmem:s21], [sflag:$0x4], $0x80, s26, s18, $0xb8;
	[tilespmem:$0x1D800] =	vst v63  }
0x11e: {  	_ =	swait.ge [sflag:s16], $0x2800  }
0x11f: {  	[sflag:s16] =	ssyncset.done $0x0  }
0x120: {  	[sflag:s16] =	ssyncadd.s32 $0xFFFFD800  }
0x121: {  	_ =	swait.ge [sflag:s20], $0x2800  }
0x122: {  	[sflag:s20] =	ssyncset.done $0x0  }
0x123: {  	[sflag:s20] =	ssyncadd.s32 $0xFFFFD800  }
0x124: {  	[tilespmem:s21], [sflag:$0x3] =	stream.indirect.gather [hbm4b:s2+s18], $0x80, s28, s18, $0xb8;
	[tilespmem:$0x1D800] =	vst v63  }
0x125: {  	_ = 	snop  }
0x126: {  	[spmem:s3] =	stream.indirect.scatter.add.f32 [tilespmem:s15], [sflag:$0x4], $0x80, s29, s18, $0xb8;
	[tilespmem:$0x1D800] =	vst v63  }
0x127: {  	_ =	swait.ge [sflag:s16], $0x2800  }
0x128: {  	[sflag:s16] =	ssyncset.done $0x0  }
0x129: {  	[sflag:s16] =	ssyncadd.s32 $0xFFFFD800  }
0x12a: {  	_ =	swait.ge [sflag:s22], $0x2800  }
0x12b: {  	[sflag:s22] =	ssyncset.done $0x0  }
0x12c: {  	[sflag:s22] =	ssyncadd.s32 $0xFFFFD800  }
0x12d: {  	[tilespmem:s15], [sflag:$0x1] =	stream.indirect.gather [hbm4b:s2+s18], $0x80, s30, s18, $0xb8;
	[tilespmem:$0x1D800] =	vst v63  }
0x12e: {  	_ = 	snop  }
0x12f: {  	[spmem:s3] =	stream.indirect.scatter.add.f32 [tilespmem:s19], [sflag:$0x4], $0x80, s31, s18, $0xb8;
	[tilespmem:$0x1D800] =	vst v63  }
0x130: {  	_ =	swait.ge [sflag:s16], $0x2800  }
0x131: {  	[sflag:s16] =	ssyncset.done $0x0  }
0x132: {  	[sflag:s16] =	ssyncadd.s32 $0xFFFFD800  }
0x133: {  	_ =	swait.ge [sflag:s23], $0x2800  }
0x134: {  	[sflag:s23] =	ssyncset.done $0x0  }
0x135: {  	[sflag:s23] =	ssyncadd.s32 $0xFFFFD800  }
0x136: {  	[tilespmem:s19], [sflag:$0x2] =	stream.indirect.gather [hbm4b:s2+s18], $0x80, s1, s18, $0xb8;
	[tilespmem:$0x1D800] =	vst v63  }
0x137: {  	_ = 	snop  }
0x138: {  	[spmem:s3] =	stream.indirect.scatter.add.f32 [tilespmem:s21], [sflag:$0x4], $0x80, s0, s18, $0xb8;
	[tilespmem:$0x1D800] =	vst v63  }
0x139: {  	_ =	swait.ge [sflag:s16], $0x2800  }
0x13a: {  	[sflag:s16] =	ssyncset.done $0x0  }
0x13b: {  	[sflag:s16] =	ssyncadd.s32 $0xFFFFD800  }
0x13c: {  	_ =	swait.ge [sflag:s20], $0x2800  }
0x13d: {  	[sflag:s20] =	ssyncset.done $0x0  }
0x13e: {  	[sflag:s20] =	ssyncadd.s32 $0xFFFFD800  }
0x13f: {  	[tilespmem:s21], [sflag:$0x3] =	stream.indirect.gather [hbm4b:s2+s18], $0x80, s5, s18, $0xb8;
	[tilespmem:$0x1D800] =	vst v63  }
0x140: {  	_ = 	snop  }
0x141: {  	[spmem:s3] =	stream.indirect.scatter.add.f32 [tilespmem:s15], [sflag:$0x4], $0x80, s7, s18, $0xb8;
	[tilespmem:$0x1D800] =	vst v63  }
0x142: {  	_ =	swait.ge [sflag:s16], $0x2800  }
0x143: {  	[sflag:s16] =	ssyncset.done $0x0  }
0x144: {  	[sflag:s16] =	ssyncadd.s32 $0xFFFFD800  }
0x145: {  	_ =	swait.ge [sflag:s22], $0x2800  }
0x146: {  	[sflag:s22] =	ssyncset.done $0x0  }
0x147: {  	[sflag:s22] =	ssyncadd.s32 $0xFFFFD800  }
0x148: {  	[tilespmem:s15], [sflag:$0x1] =	stream.indirect.gather [hbm4b:s2+s18], $0x80, s8, s18, $0xb8;
	[tilespmem:$0x1D800] =	vst v63  }
0x149: {  	_ = 	snop  }
0x14a: {  	[spmem:s3] =	stream.indirect.scatter.add.f32 [tilespmem:s19], [sflag:$0x4], $0x80, s9, s18, $0xb8;
	[tilespmem:$0x1D800] =	vst v63  }
0x14b: {  	_ =	swait.ge [sflag:s16], $0x2800  }
0x14c: {  	[sflag:s16] =	ssyncset.done $0x0  }
0x14d: {  	[sflag:s16] =	ssyncadd.s32 $0xFFFFD800  }
0x14e: {  	_ =	swait.ge [sflag:s23], $0x2800  }
0x14f: {  	[sflag:s23] =	ssyncset.done $0x0  }
0x150: {  	[sflag:s23] =	ssyncadd.s32 $0xFFFFD800  }
0x151: {  	[spmem:s3] =	stream.indirect.scatter.add.f32 [tilespmem:s21], [sflag:$0x4], $0x80, s10, s18, $0xb8;
	[tilespmem:$0x1D800] =	vst v63  }
0x152: {  	_ =	swait.ge [sflag:s16], $0x2800  }
0x153: {  	[sflag:s16] =	ssyncset.done $0x0  }
0x154: {  	[sflag:s16] =	ssyncadd.s32 $0xFFFFD800  }
0x155: {  	_ =	swait.ge [sflag:s20], $0x2800  }
0x156: {  	[sflag:s20] =	ssyncset.done $0x0  }
0x157: {  	[sflag:s20] =	ssyncadd.s32 $0xFFFFD800  }
0x158: {  	[spmem:s3] =	stream.indirect.scatter.add.f32 [tilespmem:s15], [sflag:$0x4], $0x80, s11, s18, $0xb8;
	[tilespmem:$0x1D800] =	vst v63  }
0x159: {  	s13 =	simm.s32 $0x200;
	_ =	swait.ge [sflag:s16], $0x2800  }
0x15a: {  	s14 =	simm.s32 $0x400;
	s6 =	rddreg [dreg:$0x5];
	[sflag:s16] =	ssyncset.done $0x0  }
.LBB2_4:
0x15b: {  	[sflag:s16] =	ssyncadd.s32 $0xFFFFD800;
	s6 =	sadd.s32 s13, s6  }
0x15c: {  	[tilespmem:s4], [sflag:$0x4] =	stream.linear.gather [hbm4b:s6+s4], $0xC80, $0x38;
	[tilespmem:$0x1D800] =	vst v63  }
0x15d: {  	_ =	swait.ge [sflag:s16], $0xC80  }
0x15e: {  	s6 =	rddreg [dreg:$0x4];
	[sflag:s16] =	ssyncset.done $0x0  }
0x15f: {  	[sflag:s16] =	ssyncadd.s32 $0xFFFFF380;
	s6 =	sadd.s32 s13, s6  }
0x160: {  	[tilespmem:s17], [sflag:$0x4] =	stream.linear.gather [hbm4b:s6+s4], $0xC80, $0x38;
	[tilespmem:$0x1D800] =	vst v63  }
0x161: {  	_ =	swait.ge [sflag:s16], $0xC80  }
0x162: {  	[sflag:s16] =	ssyncset.done $0x0  }
0x163: {  	s12 =	smov.u32 s14;
	[sflag:s16] =	ssyncadd.s32 $0xFFFFF380  }
0x164: {  	[tilespmem:s15], [sflag:$0x1] =	stream.indirect.gather [hbm4b:s2+s18], $0x80, s4, s18, $0xb8;
	[tilespmem:$0x1D800] =	vst v63  }
0x165: {  	s13 =	smov.u32 s12;
	s12 =	rddreg [dreg:$0x6]  }
0x166: {  	[tilespmem:s19], [sflag:$0x2] =	stream.indirect.gather [hbm4b:s2+s18], $0x80, s12, s18, $0xb8;
	[tilespmem:$0x1D800] =	vst v63  }
0x167: {  	_ =	swait.ge [sflag:s20], $0x2800  }
0x168: {  	[sflag:s20] =	ssyncset.done $0x0  }
0x169: {  	s12 =	rddreg [dreg:$0x7];
	[sflag:s20] =	ssyncadd.s32 $0xFFFFD800  }
0x16a: {  	[tilespmem:s21], [sflag:$0x3] =	stream.indirect.gather [hbm4b:s2+s18], $0x80, s12, s18, $0xb8;
	[tilespmem:$0x1D800] =	vst v63  }
0x16b: {  	_ = 	snop  }
0x16c: {  	[spmem:s3] =	stream.indirect.scatter.add.f32 [tilespmem:s15], [sflag:$0x4], $0x80, s17, s18, $0xb8;
	[tilespmem:$0x1D800] =	vst v63  }
0x16d: {  	_ =	swait.ge [sflag:s16], $0x2800  }
0x16e: {  	[sflag:s16] =	ssyncset.done $0x0  }
0x16f: {  	[sflag:s16] =	ssyncadd.s32 $0xFFFFD800  }
0x170: {  	_ =	swait.ge [sflag:s22], $0x2800  }
0x171: {  	[sflag:s22] =	ssyncset.done $0x0  }
0x172: {  	s6 =	rddreg [dreg:$0x8];
	[sflag:s22] =	ssyncadd.s32 $0xFFFFD800  }
0x173: {  	[tilespmem:s15], [sflag:$0x1] =	stream.indirect.gather [hbm4b:s2+s18], $0x80, s6, s18, $0xb8;
	[tilespmem:$0x1D800] =	vst v63  }
0x174: {  	s12 =	rddreg [dreg:$0x9]  }
0x175: {  	[spmem:s3] =	stream.indirect.scatter.add.f32 [tilespmem:s19], [sflag:$0x4], $0x80, s12, s18, $0xb8;
	[tilespmem:$0x1D800] =	vst v63  }
0x176: {  	_ =	swait.ge [sflag:s16], $0x2800  }
0x177: {  	[sflag:s16] =	ssyncset.done $0x0  }
0x178: {  	[sflag:s16] =	ssyncadd.s32 $0xFFFFD800  }
0x179: {  	_ =	swait.ge [sflag:s23], $0x2800  }
0x17a: {  	[sflag:s23] =	ssyncset.done $0x0  }
0x17b: {  	s6 =	rddreg [dreg:$0xa];
	[sflag:s23] =	ssyncadd.s32 $0xFFFFD800  }
0x17c: {  	[tilespmem:s19], [sflag:$0x2] =	stream.indirect.gather [hbm4b:s2+s18], $0x80, s6, s18, $0xb8;
	[tilespmem:$0x1D800] =	vst v63  }
0x17d: {  	s12 =	rddreg [dreg:$0xb]  }
0x17e: {  	[spmem:s3] =	stream.indirect.scatter.add.f32 [tilespmem:s21], [sflag:$0x4], $0x80, s12, s18, $0xb8;
	[tilespmem:$0x1D800] =	vst v63  }
0x17f: {  	_ =	swait.ge [sflag:s16], $0x2800  }
0x180: {  	[sflag:s16] =	ssyncset.done $0x0  }
0x181: {  	[sflag:s16] =	ssyncadd.s32 $0xFFFFD800  }
0x182: {  	_ =	swait.ge [sflag:s20], $0x2800  }
0x183: {  	[sflag:s20] =	ssyncset.done $0x0  }
0x184: {  	s6 =	rddreg [dreg:$0xc];
	[sflag:s20] =	ssyncadd.s32 $0xFFFFD800  }
0x185: {  	[tilespmem:s21], [sflag:$0x3] =	stream.indirect.gather [hbm4b:s2+s18], $0x80, s6, s18, $0xb8;
	[tilespmem:$0x1D800] =	vst v63  }
0x186: {  	s12 =	rddreg [dreg:$0xd]  }
0x187: {  	[spmem:s3] =	stream.indirect.scatter.add.f32 [tilespmem:s15], [sflag:$0x4], $0x80, s12, s18, $0xb8;
	[tilespmem:$0x1D800] =	vst v63  }
0x188: {  	_ =	swait.ge [sflag:s16], $0x2800  }
0x189: {  	[sflag:s16] =	ssyncset.done $0x0  }
0x18a: {  	[sflag:s16] =	ssyncadd.s32 $0xFFFFD800  }
0x18b: {  	_ =	swait.ge [sflag:s22], $0x2800  }
0x18c: {  	[sflag:s22] =	ssyncset.done $0x0  }
0x18d: {  	s6 =	rddreg [dreg:$0xe];
	[sflag:s22] =	ssyncadd.s32 $0xFFFFD800  }
0x18e: {  	[tilespmem:s15], [sflag:$0x1] =	stream.indirect.gather [hbm4b:s2+s18], $0x80, s6, s18, $0xb8;
	[tilespmem:$0x1D800] =	vst v63  }
0x18f: {  	s12 =	rddreg [dreg:$0xf]  }
0x190: {  	[spmem:s3] =	stream.indirect.scatter.add.f32 [tilespmem:s19], [sflag:$0x4], $0x80, s12, s18, $0xb8;
	[tilespmem:$0x1D800] =	vst v63  }
0x191: {  	_ =	swait.ge [sflag:s16], $0x2800  }
0x192: {  	[sflag:s16] =	ssyncset.done $0x0  }
0x193: {  	[sflag:s16] =	ssyncadd.s32 $0xFFFFD800  }
0x194: {  	_ =	swait.ge [sflag:s23], $0x2800  }
0x195: {  	[sflag:s23] =	ssyncset.done $0x0  }
0x196: {  	s6 =	rddreg [dreg:$0x10];
	[sflag:s23] =	ssyncadd.s32 $0xFFFFD800  }
0x197: {  	[tilespmem:s19], [sflag:$0x2] =	stream.indirect.gather [hbm4b:s2+s18], $0x80, s6, s18, $0xb8;
	[tilespmem:$0x1D800] =	vst v63  }
0x198: {  	s12 =	rddreg [dreg:$0x11]  }
0x199: {  	[spmem:s3] =	stream.indirect.scatter.add.f32 [tilespmem:s21], [sflag:$0x4], $0x80, s12, s18, $0xb8;
	[tilespmem:$0x1D800] =	vst v63  }
0x19a: {  	_ =	swait.ge [sflag:s16], $0x2800  }
0x19b: {  	[sflag:s16] =	ssyncset.done $0x0  }
0x19c: {  	[sflag:s16] =	ssyncadd.s32 $0xFFFFD800  }
0x19d: {  	_ =	swait.ge [sflag:s20], $0x2800  }
0x19e: {  	[sflag:s20] =	ssyncset.done $0x0  }
0x19f: {  	s6 =	rddreg [dreg:$0x12];
	[sflag:s20] =	ssyncadd.s32 $0xFFFFD800  }
0x1a0: {  	[tilespmem:s21], [sflag:$0x3] =	stream.indirect.gather [hbm4b:s2+s18], $0x80, s6, s18, $0xb8;
	[tilespmem:$0x1D800] =	vst v63  }
0x1a1: {  	s12 =	rddreg [dreg:$0x13]  }
0x1a2: {  	[spmem:s3] =	stream.indirect.scatter.add.f32 [tilespmem:s15], [sflag:$0x4], $0x80, s12, s18, $0xb8;
	[tilespmem:$0x1D800] =	vst v63  }
0x1a3: {  	_ =	swait.ge [sflag:s16], $0x2800  }
0x1a4: {  	[sflag:s16] =	ssyncset.done $0x0  }
0x1a5: {  	[sflag:s16] =	ssyncadd.s32 $0xFFFFD800  }
0x1a6: {  	_ =	swait.ge [sflag:s22], $0x2800  }
0x1a7: {  	[sflag:s22] =	ssyncset.done $0x0  }
0x1a8: {  	s6 =	rddreg [dreg:$0x14];
	[sflag:s22] =	ssyncadd.s32 $0xFFFFD800  }
0x1a9: {  	[tilespmem:s15], [sflag:$0x1] =	stream.indirect.gather [hbm4b:s2+s18], $0x80, s6, s18, $0xb8;
	[tilespmem:$0x1D800] =	vst v63  }
0x1aa: {  	s12 =	rddreg [dreg:$0x15]  }
0x1ab: {  	[spmem:s3] =	stream.indirect.scatter.add.f32 [tilespmem:s19], [sflag:$0x4], $0x80, s12, s18, $0xb8;
	[tilespmem:$0x1D800] =	vst v63  }
0x1ac: {  	_ =	swait.ge [sflag:s16], $0x2800  }
0x1ad: {  	[sflag:s16] =	ssyncset.done $0x0  }
0x1ae: {  	[sflag:s16] =	ssyncadd.s32 $0xFFFFD800  }
0x1af: {  	_ =	swait.ge [sflag:s23], $0x2800  }
0x1b0: {  	[sflag:s23] =	ssyncset.done $0x0  }
0x1b1: {  	s6 =	rddreg [dreg:$0x16];
	[sflag:s23] =	ssyncadd.s32 $0xFFFFD800  }
0x1b2: {  	[tilespmem:s19], [sflag:$0x2] =	stream.indirect.gather [hbm4b:s2+s18], $0x80, s6, s18, $0xb8;
	[tilespmem:$0x1D800] =	vst v63  }
0x1b3: {  	s12 =	rddreg [dreg:$0x17]  }
0x1b4: {  	[spmem:s3] =	stream.indirect.scatter.add.f32 [tilespmem:s21], [sflag:$0x4], $0x80, s12, s18, $0xb8;
	[tilespmem:$0x1D800] =	vst v63  }
0x1b5: {  	_ =	swait.ge [sflag:s16], $0x2800  }
0x1b6: {  	[sflag:s16] =	ssyncset.done $0x0  }
0x1b7: {  	[sflag:s16] =	ssyncadd.s32 $0xFFFFD800  }
0x1b8: {  	_ =	swait.ge [sflag:s20], $0x2800  }
0x1b9: {  	[sflag:s20] =	ssyncset.done $0x0  }
0x1ba: {  	s6 =	rddreg [dreg:$0x18];
	[sflag:s20] =	ssyncadd.s32 $0xFFFFD800  }
0x1bb: {  	[tilespmem:s21], [sflag:$0x3] =	stream.indirect.gather [hbm4b:s2+s18], $0x80, s6, s18, $0xb8;
	[tilespmem:$0x1D800] =	vst v63  }
0x1bc: {  	s12 =	rddreg [dreg:$0x19]  }
0x1bd: {  	[spmem:s3] =	stream.indirect.scatter.add.f32 [tilespmem:s15], [sflag:$0x4], $0x80, s12, s18, $0xb8;
	[tilespmem:$0x1D800] =	vst v63  }
0x1be: {  	_ =	swait.ge [sflag:s16], $0x2800  }
0x1bf: {  	[sflag:s16] =	ssyncset.done $0x0  }
0x1c0: {  	[sflag:s16] =	ssyncadd.s32 $0xFFFFD800  }
0x1c1: {  	_ =	swait.ge [sflag:s22], $0x2800  }
0x1c2: {  	[sflag:s22] =	ssyncset.done $0x0  }
0x1c3: {  	s6 =	rddreg [dreg:$0x1a];
	[sflag:s22] =	ssyncadd.s32 $0xFFFFD800  }
0x1c4: {  	[tilespmem:s15], [sflag:$0x1] =	stream.indirect.gather [hbm4b:s2+s18], $0x80, s6, s18, $0xb8;
	[tilespmem:$0x1D800] =	vst v63  }
0x1c5: {  	s12 =	rddreg [dreg:$0x1b]  }
0x1c6: {  	[spmem:s3] =	stream.indirect.scatter.add.f32 [tilespmem:s19], [sflag:$0x4], $0x80, s12, s18, $0xb8;
	[tilespmem:$0x1D800] =	vst v63  }
0x1c7: {  	_ =	swait.ge [sflag:s16], $0x2800  }
0x1c8: {  	[sflag:s16] =	ssyncset.done $0x0  }
0x1c9: {  	[sflag:s16] =	ssyncadd.s32 $0xFFFFD800  }
0x1ca: {  	_ =	swait.ge [sflag:s23], $0x2800  }
0x1cb: {  	[sflag:s23] =	ssyncset.done $0x0  }
0x1cc: {  	s6 =	rddreg [dreg:$0x1c];
	[sflag:s23] =	ssyncadd.s32 $0xFFFFD800  }
0x1cd: {  	[tilespmem:s19], [sflag:$0x2] =	stream.indirect.gather [hbm4b:s2+s18], $0x80, s6, s18, $0xb8;
	[tilespmem:$0x1D800] =	vst v63  }
0x1ce: {  	s12 =	rddreg [dreg:$0x1d]  }
0x1cf: {  	[spmem:s3] =	stream.indirect.scatter.add.f32 [tilespmem:s21], [sflag:$0x4], $0x80, s12, s18, $0xb8;
	[tilespmem:$0x1D800] =	vst v63  }
0x1d0: {  	_ =	swait.ge [sflag:s16], $0x2800  }
0x1d1: {  	[sflag:s16] =	ssyncset.done $0x0  }
0x1d2: {  	[sflag:s16] =	ssyncadd.s32 $0xFFFFD800  }
0x1d3: {  	_ =	swait.ge [sflag:s20], $0x2800  }
0x1d4: {  	[sflag:s20] =	ssyncset.done $0x0  }
0x1d5: {  	s6 =	rddreg [dreg:$0x1e];
	[sflag:s20] =	ssyncadd.s32 $0xFFFFD800  }
0x1d6: {  	[tilespmem:s21], [sflag:$0x3] =	stream.indirect.gather [hbm4b:s2+s18], $0x80, s6, s18, $0xb8;
	[tilespmem:$0x1D800] =	vst v63  }
0x1d7: {  	s12 =	rddreg [dreg:$0x1f]  }
0x1d8: {  	[spmem:s3] =	stream.indirect.scatter.add.f32 [tilespmem:s15], [sflag:$0x4], $0x80, s12, s18, $0xb8;
	[tilespmem:$0x1D800] =	vst v63  }
0x1d9: {  	_ =	swait.ge [sflag:s16], $0x2800  }
0x1da: {  	[sflag:s16] =	ssyncset.done $0x0  }
0x1db: {  	[sflag:s16] =	ssyncadd.s32 $0xFFFFD800  }
0x1dc: {  	_ =	swait.ge [sflag:s22], $0x2800  }
0x1dd: {  	s6 =	sld [smem:$0x7F7]  }
0x1de: {  	[sflag:s22] =	ssyncset.done $0x0  }
0x1df: {  	s12 =	sld [smem:$0x7F8];
	[sflag:s22] =	ssyncadd.s32 $0xFFFFD800  }
0x1e0: {  	[tilespmem:s15], [sflag:$0x1] =	stream.indirect.gather [hbm4b:s2+s18], $0x80, s6, s18, $0xb8;
	[tilespmem:$0x1D800] =	vst v63  }
0x1e1: {  	_ = 	snop  }
0x1e2: {  	[spmem:s3] =	stream.indirect.scatter.add.f32 [tilespmem:s19], [sflag:$0x4], $0x80, s12, s18, $0xb8;
	[tilespmem:$0x1D800] =	vst v63  }
0x1e3: {  	_ =	swait.ge [sflag:s16], $0x2800  }
0x1e4: {  	[sflag:s16] =	ssyncset.done $0x0  }
0x1e5: {  	[sflag:s16] =	ssyncadd.s32 $0xFFFFD800  }
0x1e6: {  	_ =	swait.ge [sflag:s23], $0x2800  }
0x1e7: {  	s6 =	sld [smem:$0x7F9]  }
0x1e8: {  	[sflag:s23] =	ssyncset.done $0x0  }
0x1e9: {  	s12 =	sld [smem:$0x7FA];
	[sflag:s23] =	ssyncadd.s32 $0xFFFFD800  }
0x1ea: {  	[tilespmem:s19], [sflag:$0x2] =	stream.indirect.gather [hbm4b:s2+s18], $0x80, s6, s18, $0xb8;
	[tilespmem:$0x1D800] =	vst v63  }
0x1eb: {  	_ = 	snop  }
0x1ec: {  	[spmem:s3] =	stream.indirect.scatter.add.f32 [tilespmem:s21], [sflag:$0x4], $0x80, s12, s18, $0xb8;
	[tilespmem:$0x1D800] =	vst v63  }
0x1ed: {  	_ =	swait.ge [sflag:s16], $0x2800  }
0x1ee: {  	[sflag:s16] =	ssyncset.done $0x0  }
0x1ef: {  	[sflag:s16] =	ssyncadd.s32 $0xFFFFD800  }
0x1f0: {  	_ =	swait.ge [sflag:s20], $0x2800  }
0x1f1: {  	s6 =	sld [smem:$0x7FB]  }
0x1f2: {  	[sflag:s20] =	ssyncset.done $0x0  }
0x1f3: {  	s12 =	sld [smem:$0x7FC];
	[sflag:s20] =	ssyncadd.s32 $0xFFFFD800  }
0x1f4: {  	[tilespmem:s21], [sflag:$0x3] =	stream.indirect.gather [hbm4b:s2+s18], $0x80, s6, s18, $0xb8;
	[tilespmem:$0x1D800] =	vst v63  }
0x1f5: {  	_ = 	snop  }
0x1f6: {  	[spmem:s3] =	stream.indirect.scatter.add.f32 [tilespmem:s15], [sflag:$0x4], $0x80, s12, s18, $0xb8;
	[tilespmem:$0x1D800] =	vst v63  }
0x1f7: {  	_ =	swait.ge [sflag:s16], $0x2800  }
0x1f8: {  	[sflag:s16] =	ssyncset.done $0x0  }
0x1f9: {  	[sflag:s16] =	ssyncadd.s32 $0xFFFFD800  }
0x1fa: {  	_ =	swait.ge [sflag:s22], $0x2800  }
0x1fb: {  	s12 =	sld [smem:$0x7FD]  }
0x1fc: {  	[sflag:s22] =	ssyncset.done $0x0  }
0x1fd: {  	[sflag:s22] =	ssyncadd.s32 $0xFFFFD800  }
0x1fe: {  	[tilespmem:s15], [sflag:$0x1] =	stream.indirect.gather [hbm4b:s2+s18], $0x80, s12, s18, $0xb8;
	[tilespmem:$0x1D800] =	vst v63  }
0x1ff: {  	_ = 	snop  }
0x200: {  	[spmem:s3] =	stream.indirect.scatter.add.f32 [tilespmem:s19], [sflag:$0x4], $0x80, s24, s18, $0xb8;
	[tilespmem:$0x1D800] =	vst v63  }
0x201: {  	_ =	swait.ge [sflag:s16], $0x2800  }
0x202: {  	[sflag:s16] =	ssyncset.done $0x0  }
0x203: {  	[sflag:s16] =	ssyncadd.s32 $0xFFFFD800  }
0x204: {  	_ =	swait.ge [sflag:s23], $0x2800  }
0x205: {  	[sflag:s23] =	ssyncset.done $0x0  }
0x206: {  	[sflag:s23] =	ssyncadd.s32 $0xFFFFD800  }
0x207: {  	[tilespmem:s19], [sflag:$0x2] =	stream.indirect.gather [hbm4b:s2+s18], $0x80, s25, s18, $0xb8;
	[tilespmem:$0x1D800] =	vst v63  }
0x208: {  	_ = 	snop  }
0x209: {  	[spmem:s3] =	stream.indirect.scatter.add.f32 [tilespmem:s21], [sflag:$0x4], $0x80, s26, s18, $0xb8;
	[tilespmem:$0x1D800] =	vst v63  }
0x20a: {  	_ =	swait.ge [sflag:s16], $0x2800  }
0x20b: {  	[sflag:s16] =	ssyncset.done $0x0  }
0x20c: {  	[sflag:s16] =	ssyncadd.s32 $0xFFFFD800  }
0x20d: {  	_ =	swait.ge [sflag:s20], $0x2800  }
0x20e: {  	[sflag:s20] =	ssyncset.done $0x0  }
0x20f: {  	[sflag:s20] =	ssyncadd.s32 $0xFFFFD800  }
0x210: {  	[tilespmem:s21], [sflag:$0x3] =	stream.indirect.gather [hbm4b:s2+s18], $0x80, s28, s18, $0xb8;
	[tilespmem:$0x1D800] =	vst v63  }
0x211: {  	_ = 	snop  }
0x212: {  	[spmem:s3] =	stream.indirect.scatter.add.f32 [tilespmem:s15], [sflag:$0x4], $0x80, s29, s18, $0xb8;
	[tilespmem:$0x1D800] =	vst v63  }
0x213: {  	_ =	swait.ge [sflag:s16], $0x2800  }
0x214: {  	[sflag:s16] =	ssyncset.done $0x0  }
0x215: {  	[sflag:s16] =	ssyncadd.s32 $0xFFFFD800  }
0x216: {  	_ =	swait.ge [sflag:s22], $0x2800  }
0x217: {  	[sflag:s22] =	ssyncset.done $0x0  }
0x218: {  	[sflag:s22] =	ssyncadd.s32 $0xFFFFD800  }
0x219: {  	[tilespmem:s15], [sflag:$0x1] =	stream.indirect.gather [hbm4b:s2+s18], $0x80, s30, s18, $0xb8;
	[tilespmem:$0x1D800] =	vst v63  }
0x21a: {  	_ = 	snop  }
0x21b: {  	[spmem:s3] =	stream.indirect.scatter.add.f32 [tilespmem:s19], [sflag:$0x4], $0x80, s31, s18, $0xb8;
	[tilespmem:$0x1D800] =	vst v63  }
0x21c: {  	_ =	swait.ge [sflag:s16], $0x2800  }
0x21d: {  	[sflag:s16] =	ssyncset.done $0x0  }
0x21e: {  	[sflag:s16] =	ssyncadd.s32 $0xFFFFD800  }
0x21f: {  	_ =	swait.ge [sflag:s23], $0x2800  }
0x220: {  	[sflag:s23] =	ssyncset.done $0x0  }
0x221: {  	[sflag:s23] =	ssyncadd.s32 $0xFFFFD800  }
0x222: {  	[tilespmem:s19], [sflag:$0x2] =	stream.indirect.gather [hbm4b:s2+s18], $0x80, s1, s18, $0xb8;
	[tilespmem:$0x1D800] =	vst v63  }
0x223: {  	_ = 	snop  }
0x224: {  	[spmem:s3] =	stream.indirect.scatter.add.f32 [tilespmem:s21], [sflag:$0x4], $0x80, s0, s18, $0xb8;
	[tilespmem:$0x1D800] =	vst v63  }
0x225: {  	_ =	swait.ge [sflag:s16], $0x2800  }
0x226: {  	[sflag:s16] =	ssyncset.done $0x0  }
0x227: {  	[sflag:s16] =	ssyncadd.s32 $0xFFFFD800  }
0x228: {  	_ =	swait.ge [sflag:s20], $0x2800  }
0x229: {  	[sflag:s20] =	ssyncset.done $0x0  }
0x22a: {  	[sflag:s20] =	ssyncadd.s32 $0xFFFFD800  }
0x22b: {  	[tilespmem:s21], [sflag:$0x3] =	stream.indirect.gather [hbm4b:s2+s18], $0x80, s5, s18, $0xb8;
	[tilespmem:$0x1D800] =	vst v63  }
0x22c: {  	_ = 	snop  }
0x22d: {  	[spmem:s3] =	stream.indirect.scatter.add.f32 [tilespmem:s15], [sflag:$0x4], $0x80, s7, s18, $0xb8;
	[tilespmem:$0x1D800] =	vst v63  }
0x22e: {  	_ =	swait.ge [sflag:s16], $0x2800  }
0x22f: {  	[sflag:s16] =	ssyncset.done $0x0  }
0x230: {  	[sflag:s16] =	ssyncadd.s32 $0xFFFFD800  }
0x231: {  	_ =	swait.ge [sflag:s22], $0x2800  }
0x232: {  	[sflag:s22] =	ssyncset.done $0x0  }
0x233: {  	[sflag:s22] =	ssyncadd.s32 $0xFFFFD800  }
0x234: {  	[tilespmem:s15], [sflag:$0x1] =	stream.indirect.gather [hbm4b:s2+s18], $0x80, s8, s18, $0xb8;
	[tilespmem:$0x1D800] =	vst v63  }
0x235: {  	_ = 	snop  }
0x236: {  	[spmem:s3] =	stream.indirect.scatter.add.f32 [tilespmem:s19], [sflag:$0x4], $0x80, s9, s18, $0xb8;
	[tilespmem:$0x1D800] =	vst v63  }
0x237: {  	_ =	swait.ge [sflag:s16], $0x2800  }
0x238: {  	[sflag:s16] =	ssyncset.done $0x0  }
0x239: {  	[sflag:s16] =	ssyncadd.s32 $0xFFFFD800  }
0x23a: {  	_ =	swait.ge [sflag:s23], $0x2800  }
0x23b: {  	[sflag:s23] =	ssyncset.done $0x0  }
0x23c: {  	[sflag:s23] =	ssyncadd.s32 $0xFFFFD800  }
0x23d: {  	[spmem:s3] =	stream.indirect.scatter.add.f32 [tilespmem:s21], [sflag:$0x4], $0x80, s10, s18, $0xb8;
	[tilespmem:$0x1D800] =	vst v63  }
0x23e: {  	_ =	swait.ge [sflag:s16], $0x2800  }
0x23f: {  	[sflag:s16] =	ssyncset.done $0x0  }
0x240: {  	[sflag:s16] =	ssyncadd.s32 $0xFFFFD800  }
0x241: {  	p0 =	sne.s32 s14, $0x800;
	_ =	swait.ge [sflag:s20], $0x2800  }
.Ltmp1:
0x242: {  	[sflag:s20] =	ssyncset.done $0x0;
	(pc) =	sbr.rel @p0 .LBB2_4-.Ltmp1, $4  }
0x243: {  	[sflag:s20] =	ssyncadd.s32 $0xFFFFD800  }
0x244: {  	[spmem:s3] =	stream.indirect.scatter.add.f32 [tilespmem:s15], [sflag:$0x4], $0x80, s11, s18, $0xb8;
	[tilespmem:$0x1D800] =	vst v63  }
0x245: {  	_ =	swait.ge [sflag:s16], $0x2800  }
0x246: {  	s14 =	sadd.s32 $0x200, s14;
	s6 =	rddreg [dreg:$0x5];
	[sflag:s16] =	ssyncset.done $0x0  }
0x247: {  	[sflag:s16] =	ssyncadd.s32 $0xFFFFD800;
	s6 =	sadd.s32 s13, s6  }
0x248: {  	[tilespmem:s4], [sflag:$0x4] =	stream.linear.gather [hbm4b:s6+s4], $0xC80, $0x38;
	[tilespmem:$0x1D800] =	vst v63  }
0x249: {  	_ =	swait.ge [sflag:s16], $0xC80  }
0x24a: {  	s14 =	rddreg [dreg:$0x4];
	[sflag:s16] =	ssyncset.done $0x0  }
0x24b: {  	[sflag:s16] =	ssyncadd.s32 $0xFFFFF380;
	s6 =	sadd.s32 s13, s14  }
0x24c: {  	[tilespmem:s17], [sflag:$0x4] =	stream.linear.gather [hbm4b:s6+s4], $0xC80, $0x38;
	[tilespmem:$0x1D800] =	vst v63  }
0x24d: {  	_ =	swait.ge [sflag:s16], $0xC80  }
0x24e: {  	[sflag:s16] =	ssyncset.done $0x0  }
0x24f: {  	[sflag:s16] =	ssyncadd.s32 $0xFFFFF380  }
0x250: {  	[tilespmem:s15], [sflag:$0x1] =	stream.indirect.gather [hbm4b:s2+s18], $0x80, s4, s18, $0xb8;
	[tilespmem:$0x1D800] =	vst v63  }
0x251: {  	s12 =	rddreg [dreg:$0x6]  }
0x252: {  	[tilespmem:s19], [sflag:$0x2] =	stream.indirect.gather [hbm4b:s2+s18], $0x80, s12, s18, $0xb8;
	[tilespmem:$0x1D800] =	vst v63  }
0x253: {  	_ =	swait.ge [sflag:s20], $0x2800  }
0x254: {  	[sflag:s20] =	ssyncset.done $0x0  }
0x255: {  	s13 =	rddreg [dreg:$0x7];
	[sflag:s20] =	ssyncadd.s32 $0xFFFFD800  }
0x256: {  	[tilespmem:s21], [sflag:$0x3] =	stream.indirect.gather [hbm4b:s2+s18], $0x80, s13, s18, $0xb8;
	[tilespmem:$0x1D800] =	vst v63  }
0x257: {  	_ = 	snop  }
0x258: {  	[spmem:s3] =	stream.indirect.scatter.add.f32 [tilespmem:s15], [sflag:$0x4], $0x80, s17, s18, $0xb8;
	[tilespmem:$0x1D800] =	vst v63  }
0x259: {  	_ =	swait.ge [sflag:s16], $0x2800  }
0x25a: {  	[sflag:s16] =	ssyncset.done $0x0  }
0x25b: {  	[sflag:s16] =	ssyncadd.s32 $0xFFFFD800  }
0x25c: {  	_ =	swait.ge [sflag:s22], $0x2800  }
0x25d: {  	[sflag:s22] =	ssyncset.done $0x0  }
0x25e: {  	s14 =	rddreg [dreg:$0x8];
	[sflag:s22] =	ssyncadd.s32 $0xFFFFD800  }
0x25f: {  	[tilespmem:s15], [sflag:$0x1] =	stream.indirect.gather [hbm4b:s2+s18], $0x80, s14, s18, $0xb8;
	[tilespmem:$0x1D800] =	vst v63  }
0x260: {  	s12 =	rddreg [dreg:$0x9]  }
0x261: {  	[spmem:s3] =	stream.indirect.scatter.add.f32 [tilespmem:s19], [sflag:$0x4], $0x80, s12, s18, $0xb8;
	[tilespmem:$0x1D800] =	vst v63  }
0x262: {  	_ =	swait.ge [sflag:s16], $0x2800  }
0x263: {  	[sflag:s16] =	ssyncset.done $0x0  }
0x264: {  	[sflag:s16] =	ssyncadd.s32 $0xFFFFD800  }
0x265: {  	_ =	swait.ge [sflag:s23], $0x2800  }
0x266: {  	[sflag:s23] =	ssyncset.done $0x0  }
0x267: {  	s13 =	rddreg [dreg:$0xa];
	[sflag:s23] =	ssyncadd.s32 $0xFFFFD800  }
0x268: {  	[tilespmem:s19], [sflag:$0x2] =	stream.indirect.gather [hbm4b:s2+s18], $0x80, s13, s18, $0xb8;
	[tilespmem:$0x1D800] =	vst v63  }
0x269: {  	s14 =	rddreg [dreg:$0xb]  }
0x26a: {  	[spmem:s3] =	stream.indirect.scatter.add.f32 [tilespmem:s21], [sflag:$0x4], $0x80, s14, s18, $0xb8;
	[tilespmem:$0x1D800] =	vst v63  }
0x26b: {  	_ =	swait.ge [sflag:s16], $0x2800  }
0x26c: {  	[sflag:s16] =	ssyncset.done $0x0  }
0x26d: {  	[sflag:s16] =	ssyncadd.s32 $0xFFFFD800  }
0x26e: {  	_ =	swait.ge [sflag:s20], $0x2800  }
0x26f: {  	[sflag:s20] =	ssyncset.done $0x0  }
0x270: {  	s13 =	rddreg [dreg:$0xc];
	[sflag:s20] =	ssyncadd.s32 $0xFFFFD800  }
0x271: {  	[tilespmem:s21], [sflag:$0x3] =	stream.indirect.gather [hbm4b:s2+s18], $0x80, s13, s18, $0xb8;
	[tilespmem:$0x1D800] =	vst v63  }
0x272: {  	s14 =	rddreg [dreg:$0xd]  }
0x273: {  	[spmem:s3] =	stream.indirect.scatter.add.f32 [tilespmem:s15], [sflag:$0x4], $0x80, s14, s18, $0xb8;
	[tilespmem:$0x1D800] =	vst v63  }
0x274: {  	_ =	swait.ge [sflag:s16], $0x2800  }
0x275: {  	[sflag:s16] =	ssyncset.done $0x0  }
0x276: {  	[sflag:s16] =	ssyncadd.s32 $0xFFFFD800  }
0x277: {  	_ =	swait.ge [sflag:s22], $0x2800  }
0x278: {  	[sflag:s22] =	ssyncset.done $0x0  }
0x279: {  	s13 =	rddreg [dreg:$0xe];
	[sflag:s22] =	ssyncadd.s32 $0xFFFFD800  }
0x27a: {  	[tilespmem:s15], [sflag:$0x1] =	stream.indirect.gather [hbm4b:s2+s18], $0x80, s13, s18, $0xb8;
	[tilespmem:$0x1D800] =	vst v63  }
0x27b: {  	s14 =	rddreg [dreg:$0xf]  }
0x27c: {  	[spmem:s3] =	stream.indirect.scatter.add.f32 [tilespmem:s19], [sflag:$0x4], $0x80, s14, s18, $0xb8;
	[tilespmem:$0x1D800] =	vst v63  }
0x27d: {  	_ =	swait.ge [sflag:s16], $0x2800  }
0x27e: {  	[sflag:s16] =	ssyncset.done $0x0  }
0x27f: {  	[sflag:s16] =	ssyncadd.s32 $0xFFFFD800  }
0x280: {  	_ =	swait.ge [sflag:s23], $0x2800  }
0x281: {  	[sflag:s23] =	ssyncset.done $0x0  }
0x282: {  	s13 =	rddreg [dreg:$0x10];
	[sflag:s23] =	ssyncadd.s32 $0xFFFFD800  }
0x283: {  	[tilespmem:s19], [sflag:$0x2] =	stream.indirect.gather [hbm4b:s2+s18], $0x80, s13, s18, $0xb8;
	[tilespmem:$0x1D800] =	vst v63  }
0x284: {  	s14 =	rddreg [dreg:$0x11]  }
0x285: {  	[spmem:s3] =	stream.indirect.scatter.add.f32 [tilespmem:s21], [sflag:$0x4], $0x80, s14, s18, $0xb8;
	[tilespmem:$0x1D800] =	vst v63  }
0x286: {  	_ =	swait.ge [sflag:s16], $0x2800  }
0x287: {  	[sflag:s16] =	ssyncset.done $0x0  }
0x288: {  	[sflag:s16] =	ssyncadd.s32 $0xFFFFD800  }
0x289: {  	_ =	swait.ge [sflag:s20], $0x2800  }
0x28a: {  	[sflag:s20] =	ssyncset.done $0x0  }
0x28b: {  	s13 =	rddreg [dreg:$0x12];
	[sflag:s20] =	ssyncadd.s32 $0xFFFFD800  }
0x28c: {  	[tilespmem:s21], [sflag:$0x3] =	stream.indirect.gather [hbm4b:s2+s18], $0x80, s13, s18, $0xb8;
	[tilespmem:$0x1D800] =	vst v63  }
0x28d: {  	s14 =	rddreg [dreg:$0x13]  }
0x28e: {  	[spmem:s3] =	stream.indirect.scatter.add.f32 [tilespmem:s15], [sflag:$0x4], $0x80, s14, s18, $0xb8;
	[tilespmem:$0x1D800] =	vst v63  }
0x28f: {  	_ =	swait.ge [sflag:s16], $0x2800  }
0x290: {  	[sflag:s16] =	ssyncset.done $0x0  }
0x291: {  	[sflag:s16] =	ssyncadd.s32 $0xFFFFD800  }
0x292: {  	_ =	swait.ge [sflag:s22], $0x2800  }
0x293: {  	[sflag:s22] =	ssyncset.done $0x0  }
0x294: {  	s13 =	rddreg [dreg:$0x14];
	[sflag:s22] =	ssyncadd.s32 $0xFFFFD800  }
0x295: {  	[tilespmem:s15], [sflag:$0x1] =	stream.indirect.gather [hbm4b:s2+s18], $0x80, s13, s18, $0xb8;
	[tilespmem:$0x1D800] =	vst v63  }
0x296: {  	s14 =	rddreg [dreg:$0x15]  }
0x297: {  	[spmem:s3] =	stream.indirect.scatter.add.f32 [tilespmem:s19], [sflag:$0x4], $0x80, s14, s18, $0xb8;
	[tilespmem:$0x1D800] =	vst v63  }
0x298: {  	_ =	swait.ge [sflag:s16], $0x2800  }
0x299: {  	[sflag:s16] =	ssyncset.done $0x0  }
0x29a: {  	[sflag:s16] =	ssyncadd.s32 $0xFFFFD800  }
0x29b: {  	_ =	swait.ge [sflag:s23], $0x2800  }
0x29c: {  	[sflag:s23] =	ssyncset.done $0x0  }
0x29d: {  	s13 =	rddreg [dreg:$0x16];
	[sflag:s23] =	ssyncadd.s32 $0xFFFFD800  }
0x29e: {  	[tilespmem:s19], [sflag:$0x2] =	stream.indirect.gather [hbm4b:s2+s18], $0x80, s13, s18, $0xb8;
	[tilespmem:$0x1D800] =	vst v63  }
0x29f: {  	s14 =	rddreg [dreg:$0x17]  }
0x2a0: {  	[spmem:s3] =	stream.indirect.scatter.add.f32 [tilespmem:s21], [sflag:$0x4], $0x80, s14, s18, $0xb8;
	[tilespmem:$0x1D800] =	vst v63  }
0x2a1: {  	_ =	swait.ge [sflag:s16], $0x2800  }
0x2a2: {  	[sflag:s16] =	ssyncset.done $0x0  }
0x2a3: {  	[sflag:s16] =	ssyncadd.s32 $0xFFFFD800  }
0x2a4: {  	_ =	swait.ge [sflag:s20], $0x2800  }
0x2a5: {  	[sflag:s20] =	ssyncset.done $0x0  }
0x2a6: {  	s13 =	rddreg [dreg:$0x18];
	[sflag:s20] =	ssyncadd.s32 $0xFFFFD800  }
0x2a7: {  	[tilespmem:s21], [sflag:$0x3] =	stream.indirect.gather [hbm4b:s2+s18], $0x80, s13, s18, $0xb8;
	[tilespmem:$0x1D800] =	vst v63  }
0x2a8: {  	s14 =	rddreg [dreg:$0x19]  }
0x2a9: {  	[spmem:s3] =	stream.indirect.scatter.add.f32 [tilespmem:s15], [sflag:$0x4], $0x80, s14, s18, $0xb8;
	[tilespmem:$0x1D800] =	vst v63  }
0x2aa: {  	_ =	swait.ge [sflag:s16], $0x2800  }
0x2ab: {  	[sflag:s16] =	ssyncset.done $0x0  }
0x2ac: {  	[sflag:s16] =	ssyncadd.s32 $0xFFFFD800  }
0x2ad: {  	_ =	swait.ge [sflag:s22], $0x2800  }
0x2ae: {  	[sflag:s22] =	ssyncset.done $0x0  }
0x2af: {  	s13 =	rddreg [dreg:$0x1a];
	[sflag:s22] =	ssyncadd.s32 $0xFFFFD800  }
0x2b0: {  	[tilespmem:s15], [sflag:$0x1] =	stream.indirect.gather [hbm4b:s2+s18], $0x80, s13, s18, $0xb8;
	[tilespmem:$0x1D800] =	vst v63  }
0x2b1: {  	s14 =	rddreg [dreg:$0x1b]  }
0x2b2: {  	[spmem:s3] =	stream.indirect.scatter.add.f32 [tilespmem:s19], [sflag:$0x4], $0x80, s14, s18, $0xb8;
	[tilespmem:$0x1D800] =	vst v63  }
0x2b3: {  	_ =	swait.ge [sflag:s16], $0x2800  }
0x2b4: {  	[sflag:s16] =	ssyncset.done $0x0  }
0x2b5: {  	[sflag:s16] =	ssyncadd.s32 $0xFFFFD800  }
0x2b6: {  	_ =	swait.ge [sflag:s23], $0x2800  }
0x2b7: {  	[sflag:s23] =	ssyncset.done $0x0  }
0x2b8: {  	s13 =	rddreg [dreg:$0x1c];
	[sflag:s23] =	ssyncadd.s32 $0xFFFFD800  }
0x2b9: {  	[tilespmem:s19], [sflag:$0x2] =	stream.indirect.gather [hbm4b:s2+s18], $0x80, s13, s18, $0xb8;
	[tilespmem:$0x1D800] =	vst v63  }
0x2ba: {  	s14 =	rddreg [dreg:$0x1d]  }
0x2bb: {  	[spmem:s3] =	stream.indirect.scatter.add.f32 [tilespmem:s21], [sflag:$0x4], $0x80, s14, s18, $0xb8;
	[tilespmem:$0x1D800] =	vst v63  }
0x2bc: {  	_ =	swait.ge [sflag:s16], $0x2800  }
0x2bd: {  	[sflag:s16] =	ssyncset.done $0x0  }
0x2be: {  	[sflag:s16] =	ssyncadd.s32 $0xFFFFD800  }
0x2bf: {  	_ =	swait.ge [sflag:s20], $0x2800  }
0x2c0: {  	[sflag:s20] =	ssyncset.done $0x0  }
0x2c1: {  	s13 =	rddreg [dreg:$0x1e];
	[sflag:s20] =	ssyncadd.s32 $0xFFFFD800  }
0x2c2: {  	[tilespmem:s21], [sflag:$0x3] =	stream.indirect.gather [hbm4b:s2+s18], $0x80, s13, s18, $0xb8;
	[tilespmem:$0x1D800] =	vst v63  }
0x2c3: {  	s14 =	rddreg [dreg:$0x1f]  }
0x2c4: {  	[spmem:s3] =	stream.indirect.scatter.add.f32 [tilespmem:s15], [sflag:$0x4], $0x80, s14, s18, $0xb8;
	[tilespmem:$0x1D800] =	vst v63  }
0x2c5: {  	_ =	swait.ge [sflag:s16], $0x2800  }
0x2c6: {  	[sflag:s16] =	ssyncset.done $0x0  }
0x2c7: {  	[sflag:s16] =	ssyncadd.s32 $0xFFFFD800  }
0x2c8: {  	_ =	swait.ge [sflag:s22], $0x2800  }
0x2c9: {  	s13 =	sld [smem:$0x7F7]  }
0x2ca: {  	[sflag:s22] =	ssyncset.done $0x0  }
0x2cb: {  	s14 =	sld [smem:$0x7F8];
	[sflag:s22] =	ssyncadd.s32 $0xFFFFD800  }
0x2cc: {  	[tilespmem:s15], [sflag:$0x1] =	stream.indirect.gather [hbm4b:s2+s18], $0x80, s13, s18, $0xb8;
	[tilespmem:$0x1D800] =	vst v63  }
0x2cd: {  	_ = 	snop  }
0x2ce: {  	[spmem:s3] =	stream.indirect.scatter.add.f32 [tilespmem:s19], [sflag:$0x4], $0x80, s14, s18, $0xb8;
	[tilespmem:$0x1D800] =	vst v63  }
0x2cf: {  	_ =	swait.ge [sflag:s16], $0x2800  }
0x2d0: {  	[sflag:s16] =	ssyncset.done $0x0  }
0x2d1: {  	[sflag:s16] =	ssyncadd.s32 $0xFFFFD800  }
0x2d2: {  	_ =	swait.ge [sflag:s23], $0x2800  }
0x2d3: {  	s13 =	sld [smem:$0x7F9]  }
0x2d4: {  	[sflag:s23] =	ssyncset.done $0x0  }
0x2d5: {  	s14 =	sld [smem:$0x7FA];
	[sflag:s23] =	ssyncadd.s32 $0xFFFFD800  }
0x2d6: {  	[tilespmem:s19], [sflag:$0x2] =	stream.indirect.gather [hbm4b:s2+s18], $0x80, s13, s18, $0xb8;
	[tilespmem:$0x1D800] =	vst v63  }
0x2d7: {  	_ = 	snop  }
0x2d8: {  	[spmem:s3] =	stream.indirect.scatter.add.f32 [tilespmem:s21], [sflag:$0x4], $0x80, s14, s18, $0xb8;
	[tilespmem:$0x1D800] =	vst v63  }
0x2d9: {  	_ =	swait.ge [sflag:s16], $0x2800  }
0x2da: {  	[sflag:s16] =	ssyncset.done $0x0  }
0x2db: {  	[sflag:s16] =	ssyncadd.s32 $0xFFFFD800  }
0x2dc: {  	_ =	swait.ge [sflag:s20], $0x2800  }
0x2dd: {  	s12 =	sld [smem:$0x7FB]  }
0x2de: {  	[sflag:s20] =	ssyncset.done $0x0  }
0x2df: {  	s13 =	sld [smem:$0x7FC];
	[sflag:s20] =	ssyncadd.s32 $0xFFFFD800  }
0x2e0: {  	[tilespmem:s21], [sflag:$0x3] =	stream.indirect.gather [hbm4b:s2+s18], $0x80, s12, s18, $0xb8;
	[tilespmem:$0x1D800] =	vst v63  }
0x2e1: {  	_ = 	snop  }
0x2e2: {  	[spmem:s3] =	stream.indirect.scatter.add.f32 [tilespmem:s15], [sflag:$0x4], $0x80, s13, s18, $0xb8;
	[tilespmem:$0x1D800] =	vst v63  }
0x2e3: {  	_ =	swait.ge [sflag:s16], $0x2800  }
0x2e4: {  	[sflag:s16] =	ssyncset.done $0x0  }
0x2e5: {  	[sflag:s16] =	ssyncadd.s32 $0xFFFFD800  }
0x2e6: {  	_ =	swait.ge [sflag:s22], $0x2800  }
0x2e7: {  	s14 =	sld [smem:$0x7FD]  }
0x2e8: {  	[sflag:s22] =	ssyncset.done $0x0  }
0x2e9: {  	[sflag:s22] =	ssyncadd.s32 $0xFFFFD800  }
0x2ea: {  	[tilespmem:s15], [sflag:$0x1] =	stream.indirect.gather [hbm4b:s2+s18], $0x80, s14, s18, $0xb8;
	[tilespmem:$0x1D800] =	vst v63  }
0x2eb: {  	_ = 	snop  }
0x2ec: {  	[spmem:s3] =	stream.indirect.scatter.add.f32 [tilespmem:s19], [sflag:$0x4], $0x80, s24, s18, $0xb8;
	[tilespmem:$0x1D800] =	vst v63  }
0x2ed: {  	_ =	swait.ge [sflag:s16], $0x2800  }
0x2ee: {  	[sflag:s16] =	ssyncset.done $0x0  }
0x2ef: {  	[sflag:s16] =	ssyncadd.s32 $0xFFFFD800  }
0x2f0: {  	_ =	swait.ge [sflag:s23], $0x2800  }
0x2f1: {  	[sflag:s23] =	ssyncset.done $0x0  }
0x2f2: {  	[sflag:s23] =	ssyncadd.s32 $0xFFFFD800  }
0x2f3: {  	[tilespmem:s19], [sflag:$0x2] =	stream.indirect.gather [hbm4b:s2+s18], $0x80, s25, s18, $0xb8;
	[tilespmem:$0x1D800] =	vst v63  }
0x2f4: {  	_ = 	snop  }
0x2f5: {  	[spmem:s3] =	stream.indirect.scatter.add.f32 [tilespmem:s21], [sflag:$0x4], $0x80, s26, s18, $0xb8;
	[tilespmem:$0x1D800] =	vst v63  }
0x2f6: {  	_ =	swait.ge [sflag:s16], $0x2800  }
0x2f7: {  	[sflag:s16] =	ssyncset.done $0x0  }
0x2f8: {  	[sflag:s16] =	ssyncadd.s32 $0xFFFFD800  }
0x2f9: {  	_ =	swait.ge [sflag:s20], $0x2800  }
0x2fa: {  	[sflag:s20] =	ssyncset.done $0x0  }
0x2fb: {  	[sflag:s20] =	ssyncadd.s32 $0xFFFFD800  }
0x2fc: {  	[tilespmem:s21], [sflag:$0x3] =	stream.indirect.gather [hbm4b:s2+s18], $0x80, s28, s18, $0xb8;
	[tilespmem:$0x1D800] =	vst v63  }
0x2fd: {  	_ = 	snop  }
0x2fe: {  	[spmem:s3] =	stream.indirect.scatter.add.f32 [tilespmem:s15], [sflag:$0x4], $0x80, s29, s18, $0xb8;
	[tilespmem:$0x1D800] =	vst v63  }
0x2ff: {  	_ =	swait.ge [sflag:s16], $0x2800  }
0x300: {  	[sflag:s16] =	ssyncset.done $0x0  }
0x301: {  	[sflag:s16] =	ssyncadd.s32 $0xFFFFD800  }
0x302: {  	_ =	swait.ge [sflag:s22], $0x2800  }
0x303: {  	[sflag:s22] =	ssyncset.done $0x0  }
0x304: {  	[sflag:s22] =	ssyncadd.s32 $0xFFFFD800  }
0x305: {  	[tilespmem:s15], [sflag:$0x1] =	stream.indirect.gather [hbm4b:s2+s18], $0x80, s30, s18, $0xb8;
	[tilespmem:$0x1D800] =	vst v63  }
0x306: {  	_ = 	snop  }
0x307: {  	[spmem:s3] =	stream.indirect.scatter.add.f32 [tilespmem:s19], [sflag:$0x4], $0x80, s31, s18, $0xb8;
	[tilespmem:$0x1D800] =	vst v63  }
0x308: {  	_ =	swait.ge [sflag:s16], $0x2800  }
0x309: {  	[sflag:s16] =	ssyncset.done $0x0  }
0x30a: {  	[sflag:s16] =	ssyncadd.s32 $0xFFFFD800  }
0x30b: {  	_ =	swait.ge [sflag:s23], $0x2800  }
0x30c: {  	[sflag:s23] =	ssyncset.done $0x0  }
0x30d: {  	[sflag:s23] =	ssyncadd.s32 $0xFFFFD800  }
0x30e: {  	[tilespmem:s19], [sflag:$0x2] =	stream.indirect.gather [hbm4b:s2+s18], $0x80, s1, s18, $0xb8;
	[tilespmem:$0x1D800] =	vst v63  }
0x30f: {  	_ = 	snop  }
0x310: {  	[spmem:s3] =	stream.indirect.scatter.add.f32 [tilespmem:s21], [sflag:$0x4], $0x80, s0, s18, $0xb8;
	[tilespmem:$0x1D800] =	vst v63  }
0x311: {  	_ =	swait.ge [sflag:s16], $0x2800  }
0x312: {  	[sflag:s16] =	ssyncset.done $0x0  }
0x313: {  	[sflag:s16] =	ssyncadd.s32 $0xFFFFD800  }
0x314: {  	_ =	swait.ge [sflag:s20], $0x2800  }
0x315: {  	[sflag:s20] =	ssyncset.done $0x0  }
0x316: {  	[sflag:s20] =	ssyncadd.s32 $0xFFFFD800  }
0x317: {  	[tilespmem:s21], [sflag:$0x3] =	stream.indirect.gather [hbm4b:s2+s18], $0x80, s5, s18, $0xb8;
	[tilespmem:$0x1D800] =	vst v63  }
0x318: {  	_ = 	snop  }
0x319: {  	[spmem:s3] =	stream.indirect.scatter.add.f32 [tilespmem:s15], [sflag:$0x4], $0x80, s7, s18, $0xb8;
	[tilespmem:$0x1D800] =	vst v63  }
0x31a: {  	_ =	swait.ge [sflag:s16], $0x2800  }
0x31b: {  	[sflag:s16] =	ssyncset.done $0x0  }
0x31c: {  	[sflag:s16] =	ssyncadd.s32 $0xFFFFD800  }
0x31d: {  	_ =	swait.ge [sflag:s22], $0x2800  }
0x31e: {  	[sflag:s22] =	ssyncset.done $0x0  }
0x31f: {  	[sflag:s22] =	ssyncadd.s32 $0xFFFFD800  }
0x320: {  	[tilespmem:s15], [sflag:$0x1] =	stream.indirect.gather [hbm4b:s2+s18], $0x80, s8, s18, $0xb8;
	[tilespmem:$0x1D800] =	vst v63  }
0x321: {  	_ = 	snop  }
0x322: {  	[spmem:s3] =	stream.indirect.scatter.add.f32 [tilespmem:s19], [sflag:$0x4], $0x80, s9, s18, $0xb8;
	[tilespmem:$0x1D800] =	vst v63  }
0x323: {  	_ =	swait.ge [sflag:s16], $0x2800  }
0x324: {  	[sflag:s16] =	ssyncset.done $0x0  }
0x325: {  	[sflag:s16] =	ssyncadd.s32 $0xFFFFD800  }
0x326: {  	_ =	swait.ge [sflag:s23], $0x2800  }
0x327: {  	[sflag:s23] =	ssyncset.done $0x0  }
0x328: {  	[sflag:s23] =	ssyncadd.s32 $0xFFFFD800  }
0x329: {  	[spmem:s3] =	stream.indirect.scatter.add.f32 [tilespmem:s21], [sflag:$0x4], $0x80, s10, s18, $0xb8;
	[tilespmem:$0x1D800] =	vst v63  }
0x32a: {  	_ =	swait.ge [sflag:s16], $0x2800  }
0x32b: {  	[sflag:s16] =	ssyncset.done $0x0  }
0x32c: {  	[sflag:s16] =	ssyncadd.s32 $0xFFFFD800  }
0x32d: {  	_ =	swait.ge [sflag:s20], $0x2800  }
0x32e: {  	[sflag:s20] =	ssyncset.done $0x0  }
0x32f: {  	[sflag:s20] =	ssyncadd.s32 $0xFFFFD800  }
0x330: {  	[spmem:s3] =	stream.indirect.scatter.add.f32 [tilespmem:s15], [sflag:$0x4], $0x80, s11, s18, $0xb8;
	[tilespmem:$0x1D800] =	vst v63  }
0x331: {  	_ =	swait.ge [sflag:s16], $0x2800  }
0x332: {  	[sflag:s16] =	ssyncset.done $0x0  }
0x333: {  	[sflag:s16] =	ssyncadd.s32 $0xFFFFD800  }
0x334: {  	[bflag:$0x0] =	sbarrier.arrive $0xFFFF  }
0x335: {  	s13 =	sld [smem:$0x7F5]  }
0x336: {  	s12 =	stileid.u32;
	s14 =	sld [smem:$0x7ED]  }
0x337: {  	s6 =	sshll.u32 s12, $0x6  }
0x338: {  	s6 =	sor.u32 $0x1C04, s6;
	s12 =	sshrl.u32 s13, $0x3  }
0x339: {  	[hbm:s14], [sflag:s6] =	dma.local [spmem:s12], $0x2800  }
0x33a: {  	_ =	swait.ge [sflag:s16], $0x2800  }
0x33b: {  	s13 =	sld [smem:$0x7EC]  }
0x33c: {  	s14 =	sld [smem:$0x7EE];
	_ =	sdelay $0x1  }
0x33d: {  	s12 =	sadd.s32 $0x1, s13  }
0x33e: {  	p0 =	sne.s32 s12, s14  }
.Ltmp2:
0x33f: {  	_ = 	snop;
	(pc) =	sbr.rel @p0 .LBB2_1-.Ltmp2, $3  }
0x340: {  	_ =	sdelay $0x1  }
0x341: {  	[sflag:s16] =	ssyncset.done $0x0  }
0x342: {  	[sflag:s16] =	ssyncadd.s32 $0xFFFFD800  }
0x343: {  	_ =	sfence.sel $0x180000  }
0x344: {  	[bflag:$0x0] =	sbarrier.arrive $0xFFFF  }
0x345: {  	_ =	strace $0x9000004A  }
0x346: {  	s0 =	stileid.u32;
	[bflag:$0x2] =	sbarrier.arrive $0xFFFF  }
0x347: {  	p0 =	sne.s32 s0, $0x0;
	s0 =	rddreg [dreg:$0x3]  }
0x348: {  	s0 =	sadd.s32 @!p0 $0x100000, s0  }
0x349: {  	[sflag:s0] =	ssyncadd.tile.s32 @!p0 $0x1;
	_ =	shalt  }
.Lfunc_end2:
_tile_overlayer_lowered:
.L_overlay_start_2:
0x34a: {  	(tag) =	ssettag $0x2  }
0x34b: {  	s0 =	rddreg [dreg:$0x0];
	s2 =	stileid.u32  }
0x34c: {  	s1 =	rddreg [dreg:$0x1];
	p0 =	sne.s32 s2, $0x0  }
0x34d: {  	s3 =	rddreg [dreg:$0x2];
	[bflag:$0x3] =	sbarrier.arrive $0xFFFF;
	s2 =	simm.s32 @!p0 $0x1C04  }
0x34e: {  	[timem:s3], [sflag:s2] =	dma.local @!p0 [hbm:s0], s1  }
0x34f: {  	s0 =	simm.s32 @!p0 $0x4  }
0x350: {  	_ =	swait.ge @!p0 [sflag:s0], s1  }
0x351: {  	s1 =	ssub.s32 @!p0 $0x0, s1;
	[sflag:s0] =	ssyncset.done @!p0 $0x0  }
0x352: {  	[sflag:s0] =	ssyncadd.s32 @!p0 s1  }
0x353: {  	[bflag:$0x3] =	sbarrier.arrive $0xFFFF  }
0x354: {  	_ =	shalt  }

// kernel: kernel.14.cloned.1.call-start
scs
__scs_entry_jumppad:
0x0: {  	(pc) =	sbr.rel $0x88, $3  }
0x1: {  	(tag) =	ssettag $0x0;
	lr =	simm.s32 $0x1  }
0x2: {  	[smem:$0x3F9B] =	sst lr;
	_ =	strace $0xD0000000  }
0x3: {  	_ = 	snop  }
0x4: {  	_ = 	snop  }
0x5: {  	_ = 	snop  }
0x6: {  	_ = 	snop  }
0x7: {  	_ = 	snop  }
__scs_overlays_trampoline_lowered:
0x8: {  	[smem:$0x3FAA] =	sst s0  }
0x9: {  	[smem:$0x3FAB] =	sst s1  }
0xa: {  	[smem:$0x3FAC] =	sst s2  }
0xb: {  	[smem:$0x3FAD] =	sst s3  }
0xc: {  	[smem:$0x3FAE] =	sst s4  }
0xd: {  	[smem:$0x3FAF] =	sst s5  }
0xe: {  	[smem:$0x3FB0] =	sst s6  }
0xf: {  	[smem:$0x3FB1] =	sst s7  }
0x10: {  	[smem:$0x3FB2] =	sst s8  }
0x11: {  	[smem:$0x3FB3] =	sst s9;
	s0 =	simm.s32 @!p0 $0x0  }
0x12: {  	s1 =	sld [smem:$0x3F99];
	s0 =	simm.s32 @p0 $0x1  }
0x13: {  	[smem:$0x3FB4] =	sst s0;
	s0 =	simm.s32 @!p1 $0x0  }
0x14: {  	s2 =	sld [smem:$0x3F98];
	s0 =	simm.s32 @p1 $0x1  }
0x15: {  	[smem:$0x3FB5] =	sst s0;
	s0 =	simm.s32 @!p2 $0x0  }
0x16: {  	s3 =	sld [smem:$0x3FDB];
	s0 =	simm.s32 @p2 $0x1  }
0x17: {  	s4 =	simm.s32 $0x1BF5;
	[smem:$0x3FB7] =	sst s0  }
0x18: {  	s0 =	sld [smem:$0x3F9A];
	_ =	swait.ge [sflag:s4], $0x0  }
0x19: {  	s7 =	sld [smem:$0x3F9B]  }
0x1a: {  	s8 =	sadd.s32 $0xFFFFE003, lr  }
0x1b: {  	s9 =	sadd.s32 $0xFFFFFEF7, lr;
	s5 =	simm.s32 $0xFFFFFFFF;
	p2 =	slt.u32 s8, $0xFFFFF086  }
0x1c: {  	p1 =	slt.u32 s9, $0xF7A;
	s5 =	simm.s32 @!p2 $0x0  }
0x1d: {  	s5 =	simm.s32 @p1 $0x1;
	p0 =	seq.s32 s7, s2  }
0x1e: {  	s7 =	smul.u32 @!p0 $0xF7A, s2;
	p2 =	seq.s32 @!p0 s5, $0x0  }
0x1f: {  	s9 =	smul.u32 $0xF7A, s1;
	s8 =	simm.s32 @!p0 $0x1BF5;
	p2 =	por !p2, p0  }
0x20: {  	[sflag:s8] =	ssyncset.s32 @!p0 $0xFFFFF086;
	s6 =	sadd.s32 @!p0 s3, s7;
	s7 =	simm.s32 @!p0 $0x108  }
0x21: {  	s3 =	sadd.s32 s3, s9;
	s6 =	sadd.s32 @!p0 $0x88, s6;
	s7 =	simm.s32 @p2 $0x1082  }
0x22: {  	[simem:s7], [sflag:s8] =	dma.local @!p0 [hbm:s6], $0xF7A  }
0x23: {  	s9 =	sor.u32 $0xD0000000, s2;
	s6 =	simm.s32 $0x108;
	_ =	swait.ge @!p0 [sflag:s8], $0x0  }
0x24: {  	s3 =	sadd.s32 $0x88, s3;
	s6 =	simm.s32 @!p1 $0x1082;
	[sflag:s4] =	ssyncset.s32 $0xFFFFF086  }
0x25: {  	[simem:s6], [sflag:s4] =	dma.local [hbm:s3], $0xF7A  }
0x26: {  	[smem:$0x3F9B] =	sst s1;
	(tag) =	ssettag s2;
	_ =	strace s9  }
0x27: {  	s1 =	sld [smem:$0x3FAB]  }
0x28: {  	s2 =	sld [smem:$0x3FAC]  }
0x29: {  	s4 =	sld [smem:$0x3FAE]  }
0x2a: {  	p0 =	seq.s32 s5, $0x0;
	s5 =	sld [smem:$0x3FAF]  }
0x2b: {  	s6 =	sld [smem:$0x3FB0]  }
0x2c: {  	s7 =	sld [smem:$0x3FB1]  }
0x2d: {  	s3 =	simm.s32 $0x108;
	s8 =	sld [smem:$0x3FB2]  }
0x2e: {  	s3 =	simm.s32 @!p0 $0x1082;
	s9 =	sld [smem:$0x3FB3]  }
0x2f: {  	lr =	sadd.s32 s0, s3;
	s0 =	sld [smem:$0x3FAA]  }
0x30: {  	s3 =	sld [smem:$0x3FAD]  }
0x31: {  	[smem:$0x3FB6] =	sst s10  }
0x32: {  	s10 =	sld [smem:$0x3FB4];
	_ =	sdelay $0x3  }
0x33: {  	p0 =	seq.s32 s10, $0x1;
	s10 =	sld [smem:$0x3FB6];
	_ =	sdelay $0x3  }
0x34: {  	[smem:$0x3FB6] =	sst s10  }
0x35: {  	s10 =	sld [smem:$0x3FB5];
	_ =	sdelay $0x3  }
0x36: {  	p1 =	seq.s32 s10, $0x1;
	s10 =	sld [smem:$0x3FB6];
	_ =	sdelay $0x3  }
0x37: {  	[smem:$0x3FB6] =	sst s10  }
0x38: {  	s10 =	sld [smem:$0x3FB7]  }
0x39: {  	_ = 	snop;
	(pc) =	sbr.ind lr, $3  }
0x3a: {  	_ = 	snop  }
0x3b: {  	_ = 	snop  }
0x3c: {  	p2 =	seq.s32 s10, $0x1;
	s10 =	sld [smem:$0x3FB6]  }
0x3d: {  	_ =	shalt  }
0x3e: {  	_ =	shalt  }
0x3f: {  	_ =	shalt  }
0x40: {  	_ =	shalt  }
0x41: {  	_ =	shalt  }
0x42: {  	_ =	shalt  }
0x43: {  	_ =	shalt  }
0x44: {  	_ =	shalt  }
0x45: {  	_ =	shalt  }
0x46: {  	_ =	shalt  }
0x47: {  	_ =	shalt  }
0x48: {  	_ =	shalt  }
0x49: {  	_ =	shalt  }
0x4a: {  	_ =	shalt  }
0x4b: {  	_ =	shalt  }
0x4c: {  	_ =	shalt  }
0x4d: {  	_ =	shalt  }
0x4e: {  	_ =	shalt  }
0x4f: {  	_ =	shalt  }
0x50: {  	_ =	shalt  }
0x51: {  	_ =	shalt  }
0x52: {  	_ =	shalt  }
0x53: {  	_ =	shalt  }
0x54: {  	_ =	shalt  }
0x55: {  	_ =	shalt  }
0x56: {  	_ =	shalt  }
0x57: {  	_ =	shalt  }
0x58: {  	_ =	shalt  }
0x59: {  	_ =	shalt  }
0x5a: {  	_ =	shalt  }
0x5b: {  	_ =	shalt  }
0x5c: {  	_ =	shalt  }
0x5d: {  	_ =	shalt  }
0x5e: {  	_ =	shalt  }
0x5f: {  	_ =	shalt  }
0x60: {  	_ =	shalt  }
0x61: {  	_ =	shalt  }
0x62: {  	_ =	shalt  }
0x63: {  	_ =	shalt  }
0x64: {  	_ =	shalt  }
0x65: {  	_ =	shalt  }
0x66: {  	_ =	shalt  }
0x67: {  	_ =	shalt  }
0x68: {  	_ =	shalt  }
0x69: {  	_ =	shalt  }
0x6a: {  	_ =	shalt  }
0x6b: {  	_ =	shalt  }
0x6c: {  	_ =	shalt  }
0x6d: {  	_ =	shalt  }
0x6e: {  	_ =	shalt  }
0x6f: {  	_ =	shalt  }
0x70: {  	_ =	shalt  }
0x71: {  	_ =	shalt  }
0x72: {  	_ =	shalt  }
0x73: {  	_ =	shalt  }
0x74: {  	_ =	shalt  }
0x75: {  	_ =	shalt  }
0x76: {  	_ =	shalt  }
0x77: {  	_ =	shalt  }
0x78: {  	_ =	shalt  }
0x79: {  	_ =	shalt  }
0x7a: {  	_ =	shalt  }
0x7b: {  	_ =	shalt  }
0x7c: {  	_ =	shalt  }
0x7d: {  	_ =	shalt  }
0x7e: {  	_ =	shalt  }
0x7f: {  	_ =	shalt  }
0x80: {  	_ =	shalt  }
0x81: {  	_ =	shalt  }
0x82: {  	_ =	shalt  }
0x83: {  	_ =	shalt  }
0x84: {  	_ =	shalt  }
0x85: {  	_ =	shalt  }
0x86: {  	_ =	shalt  }
0x87: {  	_ =	shalt  }
.Lfunc_end0:
.L_simem_size_0:
called_computation.2_lowered:
.L_overlay_start_0:
0x88: {  	s2 =	sld [smem:$0x3FD9]  }
0x89: {  	s3 =	sld [smem:$0x3FFE];
	_ =	sdelay $0x1  }
0x8a: {  	s1 =	srdreg.scid  }
0x8b: {  	s0 =	sand.u32 $0x1, s1  }
0x8c: {  	s17 =	sshll.u32 s0, $0xA;
	s2 =	sadd.s32 s3, s2  }
0x8d: {  	s2 =	sadd.s32 s2, s17  }
0x8e: {  	[smem:$0x3FC2] =	sst s2  }
0x8f: {  	_ = 	snop  }
0x90: {  	s2 =	sld [smem:$0x3FD0];
	(tm) =	ssettm $0x1  }
0x91: {  	s18 =	sld [smem:$0x3FFB];
	_ =	sdelay $0x3  }
0x92: {  	_ =	strace s18  }
0x93: {  	s3 =	sld [smem:$0x3FFC];
	_ =	sdelay $0x3  }
0x94: {  	_ =	strace s3  }
0x95: {  	s3 =	sld [smem:$0x3FFD];
	_ =	sdelay $0x3  }
0x96: {  	_ =	strace s3  }
0x97: {  	_ =	strace $0x8FFFFFFF  }
0x98: {  	s19 =	sld [smem:$0x3FDB];
	_ =	sdelay $0x1  }
0x99: {  	s4 =	simm.s32 $_scs_section_size  }
0x9a: {  	s5 =	simm.s32 $_size__tile_overlayer_lowered;
	s6 =	simm.s32 $_tile_overlayer_lowered  }
0x9b: {  	s22 =	simm.s32 $0x1BFF;
	s21 =	sshll.u32 s6, $0x1;
	s3 =	sadd.s32 s4, s19  }
0x9c: {  	s7 =	simm.s32 $0x0;
	s20 =	sshll.u32 s5, $0x1;
	s5 =	sadd.s32 s21, s3  }
0x9d: {  	[timem:s7], [sflag:s22] =	dma.local [hbm:s5], s20  }
0x9e: {  	_ =	swait.ge [sflag:s22], s20  }
0x9f: {  	s4 =	ssub.s32 $0x0, s20;
	[sflag:s22] =	ssyncset.done $0x0  }
0xa0: {  	[sflag:s22] =	ssyncadd.s32 s4;
	_ =	sdelay $0x1  }
0xa1: {  	s23 =	simm.s32 $0x1B8B  }
0xa2: {  	_ =	swait.ge [sflag:s23], $0x1  }
0xa3: {  	[sflag:s23] =	ssyncset.done $0x0  }
0xa4: {  	s25 =	simm.s32 $0x1B8E;
	s24 =	sld [smem:$0x3FFE];
	[sflag:s23] =	ssyncadd.s32 $0xFFFFFFFF  }
0xa5: {  	s26 =	simm.s32 $execute0_lowered;
	[smem:$0x3FD2] =	sst s25  }
0xa6: {  	s5 =	sshll.u32 s26, $0x1;
	_ =	strace $0x8000004C;
	[dreg:$0x1] =	wrdreg $0xFFFFFFFF  }
0xa7: {  	s28 =	simm.s32 $_size_execute0_lowered;
	s3 =	sadd.s32 s3, s5;
	[dreg:$0x0] =	wrdreg $0x0  }
0xa8: {  	s5 =	sshll.u32 s28, $0x1;
	[dreg:$0x2] =	wrdreg s3  }
0xa9: {  	[dreg:$0x3] =	wrdreg s5  }
0xaa: {  	[dreg:$0x4] =	wrdreg $0xC0  }
0xab: {  	_ =	task [dreg:s7], $0x5FFFF  }
0xac: {  	[dreg:$0x1] =	wrdreg $0xFFFFFFFF  }
0xad: {  	[dreg:$0x0] =	wrdreg $0x60  }
0xae: {  	[dreg:$0x2] =	wrdreg s2  }
0xaf: {  	[dreg:$0x3] =	wrdreg s24  }
0xb0: {  	[dreg:$0x4] =	wrdreg $0x98000  }
0xb1: {  	[dreg:$0x5] =	wrdreg $0x9  }
0xb2: {  	_ =	task.clear_ibuf [dreg:s7], $0x6FFFF;
	_ =	strace $0x9000004C  }
0xb3: {  	s29 =	simm.s32 $0x9;
	_ =	strace $0x8000004E  }
0xb4: {  	_ =	swait.ge [sflag:s29], $0x1  }
0xb5: {  	[sflag:s29] =	ssyncadd.s32 $0xFFFFFFFF  }
0xb6: {  	_ =	strace $0x9000004E  }
0xb7: {  	_ =	sfence  }
0xb8: {  	s30 =	sld [smem:$0x0];
	_ =	sdelay $0x2  }
0xb9: {  	s31 =	sshll.u32 s1, $0xD;
	s1 =	sshrl.u32 s1, $0x2  }
0xba: {  	s3 =	sand.u32 $0x4000, s31;
	s1 =	sadd.s32 s1, s30  }
0xbb: {  	s0 =	sor.u32 s3, s0;
	s1 =	sshll.u32 s1, $0x11  }
0xbc: {  	s0 =	sor.u32 s1, s0  }
0xbd: {  	s0 =	sadd.s32 $0x8F2B, s0  }
0xbe: {  	[sflag:s0] =	ssyncadd.remote.s32 $0x1  }
0xbf: {  	_ =	sfence.sel $0xFFFF  }
0xc0: {  	[dreg:$0x0] =	wrdreg $0xFFFFFFFF;
	(pc) =	sbr.abs _section_cstart, $3  }
0xc1: {  	[dreg:$0x1] =	wrdreg $0xFFFFFFFF  }
0xc2: {  	_ =	task.clear_ibuf [dreg:s7], $0x2FFFF;
	_ =	strace $0x9FFFFFFF  }
0xc3: {  	(tm) =	ssettm $0x7FFFFFFF  }
tec
execute0_lowered:
.L_overlay_start_1:
0x0: {  	(tag) =	ssettag $0x1  }
0x1: {  	s0 =	srdreg.scid;
	s8 =	stileid.u32  }
0x2: {  	s0 =	sand.u32 $0x1, s0;
	s1 =	smul.u32 $0xA000, s8  }
0x3: {  	s2 =	rddreg [dreg:$0x0];
	s4 =	smul.u32 $0x5000, s0  }
0x4: {  	s5 =	rddreg [dreg:$0x1]  }
0x5: {  	s3 =	rddreg [dreg:$0x2];
	s1 =	sadd.s32 s4, s1;
	s4 =	simm.s32 $0x0  }
0x6: {  	s22 =	simm.s32 $0x80;
	[smem:$0x7FF] =	sst s4  }
0x7: {  	s23 =	simm.s32 $0x100;
	_ =	strace $0x8000004D;
	[dreg:$0x6] =	wrdreg s22  }
0x8: {  	s24 =	simm.s32 $0x180;
	[dreg:$0x7] =	wrdreg s23  }
0x9: {  	s25 =	simm.s32 $0x1080;
	[dreg:$0x8] =	wrdreg s24  }
0xa: {  	s9 =	simm.s32 $0x200;
	[dreg:$0x9] =	wrdreg s25  }
0xb: {  	s10 =	simm.s32 $0x1100;
	[dreg:$0xa] =	wrdreg s9  }
0xc: {  	s11 =	simm.s32 $0x280;
	[dreg:$0xb] =	wrdreg s10  }
0xd: {  	s12 =	simm.s32 $0x1180;
	[dreg:$0xc] =	wrdreg s11  }
0xe: {  	s13 =	simm.s32 $0x300;
	[dreg:$0xd] =	wrdreg s12  }
0xf: {  	s14 =	simm.s32 $0x1200;
	[dreg:$0xe] =	wrdreg s13  }
0x10: {  	s15 =	simm.s32 $0x380;
	[dreg:$0xf] =	wrdreg s14  }
0x11: {  	s17 =	simm.s32 $0x1280;
	s18 =	simm.s32 $0x400;
	[dreg:$0x10] =	wrdreg s15  }
0x12: {  	s26 =	smul.u32 $0x140000, s0;
	s0 =	ssub.s32 $0x2, s0;
	[dreg:$0x11] =	wrdreg s17  }
0x13: {  	s20 =	simm.s32 $0x1300;
	s16 =	sshrl.u32 s0, $0x1;
	[dreg:$0x12] =	wrdreg s18  }
0x14: {  	s21 =	simm.s32 $0x480;
	s0 =	ssub.s32 s0, s16;
	[dreg:$0x13] =	wrdreg s20  }
0x15: {  	s7 =	smul.u32 $0x14000, s8;
	s0 =	smax.u32 s0, $0x1;
	[dreg:$0x14] =	wrdreg s21  }
0x16: {  	s19 =	smul.u32 $0x50000, s8;
	s8 =	simm.s32 $0x1480;
	[smem:$0x7EE] =	sst s0  }
0x17: {  	s16 =	simm.s32 $0x1580;
	[dreg:$0x19] =	wrdreg s8  }
0x18: {  	s23 =	simm.s32 $0x1380;
	[dreg:$0x1d] =	wrdreg s16  }
0x19: {  	s28 =	simm.s32 $0xA00;
	s24 =	simm.s32 $0x500;
	[dreg:$0x15] =	wrdreg s23  }
0x1a: {  	s29 =	simm.s32 $0x1900;
	s25 =	simm.s32 $0x1400;
	[dreg:$0x16] =	wrdreg s24  }
0x1b: {  	s30 =	simm.s32 $0xA80;
	s10 =	simm.s32 $0x600;
	[dreg:$0x17] =	wrdreg s25  }
0x1c: {  	s31 =	simm.s32 $0x1980;
	s12 =	simm.s32 $0x1500;
	[dreg:$0x1a] =	wrdreg s10  }
0x1d: {  	s1 =	sshrl.u32 s1, $0x3;
	s14 =	simm.s32 $0x680;
	[dreg:$0x1b] =	wrdreg s12  }
0x1e: {  	s1 =	sadd.s32 s1, s5;
	s18 =	simm.s32 $0x700;
	[dreg:$0x1c] =	wrdreg s14  }
0x1f: {  	s22 =	sshrl.u32 s19, $0x2;
	s19 =	simm.s32 $0x1600;
	[dreg:$0x1e] =	wrdreg s18  }
0x20: {  	s16 =	simm.s32 $0x4;
	s20 =	simm.s32 $0x780;
	[dreg:$0x1f] =	wrdreg s19  }
0x21: {  	s21 =	simm.s32 $0x1680;
	s0 =	simm.s32 $0x1A00;
	[smem:$0x7F7] =	sst s20  }
0x22: {  	s8 =	simm.s32 $0xC00;
	s6 =	sadd.s32 $0x2800, s1;
	[smem:$0x7F8] =	sst s21  }
0x23: {  	s1 =	sadd.s32 $0x16800, s1;
	s18 =	simm.s32 $0x50;
	[dreg:$0x4] =	wrdreg s6  }
0x24: {  	s19 =	simm.s32 $0x4800;
	s23 =	simm.s32 $0x1700;
	[dreg:$0x5] =	wrdreg s1  }
0x25: {  	s24 =	simm.s32 $0x880;
	s6 =	sadd.s32 s7, s26;
	[smem:$0x7FA] =	sst s23  }
0x26: {  	s25 =	simm.s32 $0x1780;
	[smem:$0x7FB] =	sst s24;
	s6 =	sshrl.u32 s6, $0x3  }
0x27: {  	[smem:$0x7FC] =	sst s25;
	s5 =	sadd.s32 s6, s5;
	s6 =	simm.s32 $0x580  }
0x28: {  	s20 =	simm.s32 $0x1;
	s5 =	sadd.s32 $0x2A800, s5;
	[dreg:$0x18] =	wrdreg s6  }
0x29: {  	s21 =	simm.s32 $0x7000;
	[smem:$0x7ED] =	sst s5;
	s5 =	sadd.s32 s22, s3  }
0x2a: {  	s10 =	simm.s32 $0x1B80;
	s22 =	simm.s32 $0x800;
	[smem:$0x7F5] =	sst s5  }
0x2b: {  	s12 =	simm.s32 $0x0;
	s26 =	sadd.s32 $0x2800, s5;
	[smem:$0x7F9] =	sst s22  }
0x2c: {  	s23 =	simm.s32 $0x3;
	s7 =	sadd.s32 $0x5000, s5;
	[smem:$0x7EF] =	sst s26  }
0x2d: {  	s24 =	simm.s32 $0x1800;
	s9 =	sadd.s32 $0x7800, s5;
	[smem:$0x7F0] =	sst s7  }
0x2e: {  	s25 =	simm.s32 $0x980;
	s11 =	sadd.s32 $0xA000, s5;
	[smem:$0x7F1] =	sst s9  }
0x2f: {  	s1 =	simm.s32 $0xB00;
	s13 =	sadd.s32 $0xC800, s5;
	[smem:$0x7F2] =	sst s11  }
0x30: {  	s15 =	sadd.s32 $0xF000, s5;
	s17 =	sadd.s32 $0x11800, s5;
	[smem:$0x7F3] =	sst s13  }
0x31: {  	s22 =	simm.s32 $0x2;
	s5 =	simm.s32 $0xB80;
	[smem:$0x7F4] =	sst s15  }
0x32: {  	[smem:$0x7F6] =	sst s17;
	s15 =	simm.s32 $0x2000;
	s17 =	simm.s32 $0x1000  }
0x33: {  	s26 =	simm.s32 $0x900;
	s7 =	simm.s32 $0x1A80;
	s9 =	simm.s32 $0x1B00  }
0x34: {  	v0 =	vimm.f32 $0.0e+00;
	s11 =	simm.s32 $0x1C00;
	[smem:$0x7FD] =	sst s26;
	s26 =	simm.s32 $0x1880  }
.LBB2_1:
0x35: {  	s13 =	simm.s32 $0x0;
	s14 =	simm.s32 $0x200  }
.LBB2_2:
0x36: {  	p0 =	sne.s32 s14, $0x9E00;
	[tilespmem:s13+$0x2070] =	vst v0  }
0x37: {  	[tilespmem:s13+$0x2000] =	vst v0  }
0x38: {  	[tilespmem:s13+$0x2010] =	vst v0  }
.Ltmp0:
0x39: {  	[tilespmem:s13+$0x2020] =	vst v0;
	(pc) =	sbr.rel @p0 .LBB2_2-.Ltmp0, $4  }
0x3a: {  	[tilespmem:s13+$0x2030] =	vst v0  }
0x3b: {  	[tilespmem:s13+$0x2040] =	vst v0  }
0x3c: {  	[tilespmem:s13+$0x2050] =	vst v0  }
0x3d: {  	[tilespmem:s13+$0x2060] =	vst v0;
	s13 =	sshra.s32 s14, $0x2;
	s14 =	sadd.s32 $0x200, s14  }
0x3e: {  	[tilespmem:s13+$0x2070] =	vst v0  }
0x3f: {  	[tilespmem:s13+$0x2000] =	vst v0  }
0x40: {  	[tilespmem:s13+$0x2010] =	vst v0  }
0x41: {  	[tilespmem:s13+$0x2020] =	vst v0  }
0x42: {  	[tilespmem:s13+$0x2030] =	vst v0  }
0x43: {  	[tilespmem:s13+$0x2040] =	vst v0;
	s6 =	sld [smem:$0x7F5]  }
0x44: {  	[tilespmem:s13+$0x2050] =	vst v0  }
0x45: {  	[smem:$0x7EC] =	sst s12;
	[tilespmem:s13+$0x2060] =	vst v0  }
0x46: {  	[spmem:s6] =	stream.linear.scatter [tilespmem:s15], [sflag:$0x4], $0x2800, $0x38;
	[tilespmem:$0x1D800] =	vst v63  }
0x47: {  	_ =	swait.ge [sflag:s16], $0x2800  }
0x48: {  	s12 =	sld [smem:$0x7EF]  }
0x49: {  	[sflag:s16] =	ssyncset.done $0x0  }
0x4a: {  	[sflag:s16] =	ssyncadd.s32 $0xFFFFD800  }
0x4b: {  	[spmem:s12] =	stream.linear.scatter [tilespmem:s15], [sflag:$0x4], $0x2800, $0x38;
	[tilespmem:$0x1D800] =	vst v63  }
0x4c: {  	_ =	swait.ge [sflag:s16], $0x2800  }
0x4d: {  	s13 =	sld [smem:$0x7F0]  }
0x4e: {  	[sflag:s16] =	ssyncset.done $0x0  }
0x4f: {  	[sflag:s16] =	ssyncadd.s32 $0xFFFFD800  }
0x50: {  	[spmem:s13] =	stream.linear.scatter [tilespmem:s15], [sflag:$0x4], $0x2800, $0x38;
	[tilespmem:$0x1D800] =	vst v63  }
0x51: {  	_ =	swait.ge [sflag:s16], $0x2800  }
0x52: {  	s14 =	sld [smem:$0x7F1]  }
0x53: {  	[sflag:s16] =	ssyncset.done $0x0  }
0x54: {  	[sflag:s16] =	ssyncadd.s32 $0xFFFFD800  }
0x55: {  	[spmem:s14] =	stream.linear.scatter [tilespmem:s15], [sflag:$0x4], $0x2800, $0x38;
	[tilespmem:$0x1D800] =	vst v63  }
0x56: {  	_ =	swait.ge [sflag:s16], $0x2800  }
0x57: {  	s12 =	sld [smem:$0x7F2]  }
0x58: {  	[sflag:s16] =	ssyncset.done $0x0  }
0x59: {  	[sflag:s16] =	ssyncadd.s32 $0xFFFFD800  }
0x5a: {  	[spmem:s12] =	stream.linear.scatter [tilespmem:s15], [sflag:$0x4], $0x2800, $0x38;
	[tilespmem:$0x1D800] =	vst v63  }
0x5b: {  	_ =	swait.ge [sflag:s16], $0x2800  }
0x5c: {  	s13 =	sld [smem:$0x7F3]  }
0x5d: {  	[sflag:s16] =	ssyncset.done $0x0  }
0x5e: {  	[sflag:s16] =	ssyncadd.s32 $0xFFFFD800  }
0x5f: {  	[spmem:s13] =	stream.linear.scatter [tilespmem:s15], [sflag:$0x4], $0x2800, $0x38;
	[tilespmem:$0x1D800] =	vst v63  }
0x60: {  	_ =	swait.ge [sflag:s16], $0x2800  }
0x61: {  	s14 =	sld [smem:$0x7F4]  }
0x62: {  	[sflag:s16] =	ssyncset.done $0x0  }
0x63: {  	[sflag:s16] =	ssyncadd.s32 $0xFFFFD800  }
0x64: {  	[spmem:s14] =	stream.linear.scatter [tilespmem:s15], [sflag:$0x4], $0x2800, $0x38;
	[tilespmem:$0x1D800] =	vst v63  }
0x65: {  	_ =	swait.ge [sflag:s16], $0x2800  }
0x66: {  	s12 =	sld [smem:$0x7F6]  }
0x67: {  	[sflag:s16] =	ssyncset.done $0x0  }
0x68: {  	[sflag:s16] =	ssyncadd.s32 $0xFFFFD800  }
0x69: {  	[spmem:s12] =	stream.linear.scatter [tilespmem:s15], [sflag:$0x4], $0x2800, $0x38;
	[tilespmem:$0x1D800] =	vst v63  }
0x6a: {  	_ =	swait.ge [sflag:s16], $0x2800  }
0x6b: {  	[sflag:s16] =	ssyncset.done $0x0  }
0x6c: {  	[sflag:s16] =	ssyncadd.s32 $0xFFFFD800  }
0x6d: {  	[bflag:$0x0] =	sbarrier.arrive $0xFFFF  }
0x6e: {  	s13 =	rddreg [dreg:$0x5]  }
0x6f: {  	s6 =	sadd.s32 $0x0, s13  }
0x70: {  	[tilespmem:s4], [sflag:$0x4] =	stream.linear.gather [hbm4b:s6+s4], $0xC80, $0x38;
	[tilespmem:$0x1D800] =	vst v63  }
0x71: {  	_ =	swait.ge [sflag:s16], $0xC80  }
0x72: {  	s14 =	rddreg [dreg:$0x4];
	[sflag:s16] =	ssyncset.done $0x0  }
0x73: {  	[sflag:s16] =	ssyncadd.s32 $0xFFFFF380;
	s6 =	sadd.s32 $0x0, s14  }
0x74: {  	[tilespmem:s17], [sflag:$0x4] =	stream.linear.gather [hbm4b:s6+s4], $0xC80, $0x38;
	[tilespmem:$0x1D800] =	vst v63  }
0x75: {  	_ =	swait.ge [sflag:s16], $0xC80  }
0x76: {  	[sflag:s16] =	ssyncset.done $0x0  }
0x77: {  	[sflag:s16] =	ssyncadd.s32 $0xFFFFF380  }
0x78: {  	[tilespmem:s15], [sflag:$0x1] =	stream.indirect.gather [hbm4b:s2+s18], $0x80, s4, s18, $0xb8;
	[tilespmem:$0x1D800] =	vst v63  }
0x79: {  	s12 =	rddreg [dreg:$0x6]  }
0x7a: {  	[tilespmem:s19], [sflag:$0x2] =	stream.indirect.gather [hbm4b:s2+s18], $0x80, s12, s18, $0xb8;
	[tilespmem:$0x1D800] =	vst v63  }
0x7b: {  	_ =	swait.ge [sflag:s20], $0x2800  }
0x7c: {  	[sflag:s20] =	ssyncset.done $0x0  }
0x7d: {  	s13 =	rddreg [dreg:$0x7];
	[sflag:s20] =	ssyncadd.s32 $0xFFFFD800  }
0x7e: {  	[tilespmem:s21], [sflag:$0x3] =	stream.indirect.gather [hbm4b:s2+s18], $0x80, s13, s18, $0xb8;
	[tilespmem:$0x1D800] =	vst v63  }
0x7f: {  	_ = 	snop  }
0x80: {  	[spmem:s3] =	stream.indirect.scatter.add.f32 [tilespmem:s15], [sflag:$0x4], $0x80, s17, s18, $0xb8;
	[tilespmem:$0x1D800] =	vst v63  }
0x81: {  	_ =	swait.ge [sflag:s16], $0x2800  }
0x82: {  	[sflag:s16] =	ssyncset.done $0x0  }
0x83: {  	[sflag:s16] =	ssyncadd.s32 $0xFFFFD800  }
0x84: {  	_ =	swait.ge [sflag:s22], $0x2800  }
0x85: {  	[sflag:s22] =	ssyncset.done $0x0  }
0x86: {  	s14 =	rddreg [dreg:$0x8];
	[sflag:s22] =	ssyncadd.s32 $0xFFFFD800  }
0x87: {  	[tilespmem:s15], [sflag:$0x1] =	stream.indirect.gather [hbm4b:s2+s18], $0x80, s14, s18, $0xb8;
	[tilespmem:$0x1D800] =	vst v63  }
0x88: {  	s12 =	rddreg [dreg:$0x9]  }
0x89: {  	[spmem:s3] =	stream.indirect.scatter.add.f32 [tilespmem:s19], [sflag:$0x4], $0x80, s12, s18, $0xb8;
	[tilespmem:$0x1D800] =	vst v63  }
0x8a: {  	_ =	swait.ge [sflag:s16], $0x2800  }
0x8b: {  	[sflag:s16] =	ssyncset.done $0x0  }
0x8c: {  	[sflag:s16] =	ssyncadd.s32 $0xFFFFD800  }
0x8d: {  	_ =	swait.ge [sflag:s23], $0x2800  }
0x8e: {  	[sflag:s23] =	ssyncset.done $0x0  }
0x8f: {  	s14 =	rddreg [dreg:$0xa];
	[sflag:s23] =	ssyncadd.s32 $0xFFFFD800  }
0x90: {  	[tilespmem:s19], [sflag:$0x2] =	stream.indirect.gather [hbm4b:s2+s18], $0x80, s14, s18, $0xb8;
	[tilespmem:$0x1D800] =	vst v63  }
0x91: {  	s12 =	rddreg [dreg:$0xb]  }
0x92: {  	[spmem:s3] =	stream.indirect.scatter.add.f32 [tilespmem:s21], [sflag:$0x4], $0x80, s12, s18, $0xb8;
	[tilespmem:$0x1D800] =	vst v63  }
0x93: {  	_ =	swait.ge [sflag:s16], $0x2800  }
0x94: {  	[sflag:s16] =	ssyncset.done $0x0  }
0x95: {  	[sflag:s16] =	ssyncadd.s32 $0xFFFFD800  }
0x96: {  	_ =	swait.ge [sflag:s20], $0x2800  }
0x97: {  	[sflag:s20] =	ssyncset.done $0x0  }
0x98: {  	s14 =	rddreg [dreg:$0xc];
	[sflag:s20] =	ssyncadd.s32 $0xFFFFD800  }
0x99: {  	[tilespmem:s21], [sflag:$0x3] =	stream.indirect.gather [hbm4b:s2+s18], $0x80, s14, s18, $0xb8;
	[tilespmem:$0x1D800] =	vst v63  }
0x9a: {  	s12 =	rddreg [dreg:$0xd]  }
0x9b: {  	[spmem:s3] =	stream.indirect.scatter.add.f32 [tilespmem:s15], [sflag:$0x4], $0x80, s12, s18, $0xb8;
	[tilespmem:$0x1D800] =	vst v63  }
0x9c: {  	_ =	swait.ge [sflag:s16], $0x2800  }
0x9d: {  	[sflag:s16] =	ssyncset.done $0x0  }
0x9e: {  	[sflag:s16] =	ssyncadd.s32 $0xFFFFD800  }
0x9f: {  	_ =	swait.ge [sflag:s22], $0x2800  }
0xa0: {  	[sflag:s22] =	ssyncset.done $0x0  }
0xa1: {  	s14 =	rddreg [dreg:$0xe];
	[sflag:s22] =	ssyncadd.s32 $0xFFFFD800  }
0xa2: {  	[tilespmem:s15], [sflag:$0x1] =	stream.indirect.gather [hbm4b:s2+s18], $0x80, s14, s18, $0xb8;
	[tilespmem:$0x1D800] =	vst v63  }
0xa3: {  	s12 =	rddreg [dreg:$0xf]  }
0xa4: {  	[spmem:s3] =	stream.indirect.scatter.add.f32 [tilespmem:s19], [sflag:$0x4], $0x80, s12, s18, $0xb8;
	[tilespmem:$0x1D800] =	vst v63  }
0xa5: {  	_ =	swait.ge [sflag:s16], $0x2800  }
0xa6: {  	[sflag:s16] =	ssyncset.done $0x0  }
0xa7: {  	[sflag:s16] =	ssyncadd.s32 $0xFFFFD800  }
0xa8: {  	_ =	swait.ge [sflag:s23], $0x2800  }
0xa9: {  	[sflag:s23] =	ssyncset.done $0x0  }
0xaa: {  	s14 =	rddreg [dreg:$0x10];
	[sflag:s23] =	ssyncadd.s32 $0xFFFFD800  }
0xab: {  	[tilespmem:s19], [sflag:$0x2] =	stream.indirect.gather [hbm4b:s2+s18], $0x80, s14, s18, $0xb8;
	[tilespmem:$0x1D800] =	vst v63  }
0xac: {  	s12 =	rddreg [dreg:$0x11]  }
0xad: {  	[spmem:s3] =	stream.indirect.scatter.add.f32 [tilespmem:s21], [sflag:$0x4], $0x80, s12, s18, $0xb8;
	[tilespmem:$0x1D800] =	vst v63  }
0xae: {  	_ =	swait.ge [sflag:s16], $0x2800  }
0xaf: {  	[sflag:s16] =	ssyncset.done $0x0  }
0xb0: {  	[sflag:s16] =	ssyncadd.s32 $0xFFFFD800  }
0xb1: {  	_ =	swait.ge [sflag:s20], $0x2800  }
0xb2: {  	[sflag:s20] =	ssyncset.done $0x0  }
0xb3: {  	s14 =	rddreg [dreg:$0x12];
	[sflag:s20] =	ssyncadd.s32 $0xFFFFD800  }
0xb4: {  	[tilespmem:s21], [sflag:$0x3] =	stream.indirect.gather [hbm4b:s2+s18], $0x80, s14, s18, $0xb8;
	[tilespmem:$0x1D800] =	vst v63  }
0xb5: {  	s12 =	rddreg [dreg:$0x13]  }
0xb6: {  	[spmem:s3] =	stream.indirect.scatter.add.f32 [tilespmem:s15], [sflag:$0x4], $0x80, s12, s18, $0xb8;
	[tilespmem:$0x1D800] =	vst v63  }
0xb7: {  	_ =	swait.ge [sflag:s16], $0x2800  }
0xb8: {  	[sflag:s16] =	ssyncset.done $0x0  }
0xb9: {  	[sflag:s16] =	ssyncadd.s32 $0xFFFFD800  }
0xba: {  	_ =	swait.ge [sflag:s22], $0x2800  }
0xbb: {  	[sflag:s22] =	ssyncset.done $0x0  }
0xbc: {  	s14 =	rddreg [dreg:$0x14];
	[sflag:s22] =	ssyncadd.s32 $0xFFFFD800  }
0xbd: {  	[tilespmem:s15], [sflag:$0x1] =	stream.indirect.gather [hbm4b:s2+s18], $0x80, s14, s18, $0xb8;
	[tilespmem:$0x1D800] =	vst v63  }
0xbe: {  	s12 =	rddreg [dreg:$0x15]  }
0xbf: {  	[spmem:s3] =	stream.indirect.scatter.add.f32 [tilespmem:s19], [sflag:$0x4], $0x80, s12, s18, $0xb8;
	[tilespmem:$0x1D800] =	vst v63  }
0xc0: {  	_ =	swait.ge [sflag:s16], $0x2800  }
0xc1: {  	[sflag:s16] =	ssyncset.done $0x0  }
0xc2: {  	[sflag:s16] =	ssyncadd.s32 $0xFFFFD800  }
0xc3: {  	_ =	swait.ge [sflag:s23], $0x2800  }
0xc4: {  	[sflag:s23] =	ssyncset.done $0x0  }
0xc5: {  	s14 =	rddreg [dreg:$0x16];
	[sflag:s23] =	ssyncadd.s32 $0xFFFFD800  }
0xc6: {  	[tilespmem:s19], [sflag:$0x2] =	stream.indirect.gather [hbm4b:s2+s18], $0x80, s14, s18, $0xb8;
	[tilespmem:$0x1D800] =	vst v63  }
0xc7: {  	s12 =	rddreg [dreg:$0x17]  }
0xc8: {  	[spmem:s3] =	stream.indirect.scatter.add.f32 [tilespmem:s21], [sflag:$0x4], $0x80, s12, s18, $0xb8;
	[tilespmem:$0x1D800] =	vst v63  }
0xc9: {  	_ =	swait.ge [sflag:s16], $0x2800  }
0xca: {  	[sflag:s16] =	ssyncset.done $0x0  }
0xcb: {  	[sflag:s16] =	ssyncadd.s32 $0xFFFFD800  }
0xcc: {  	_ =	swait.ge [sflag:s20], $0x2800  }
0xcd: {  	[sflag:s20] =	ssyncset.done $0x0  }
0xce: {  	s14 =	rddreg [dreg:$0x18];
	[sflag:s20] =	ssyncadd.s32 $0xFFFFD800  }
0xcf: {  	[tilespmem:s21], [sflag:$0x3] =	stream.indirect.gather [hbm4b:s2+s18], $0x80, s14, s18, $0xb8;
	[tilespmem:$0x1D800] =	vst v63  }
0xd0: {  	s12 =	rddreg [dreg:$0x19]  }
0xd1: {  	[spmem:s3] =	stream.indirect.scatter.add.f32 [tilespmem:s15], [sflag:$0x4], $0x80, s12, s18, $0xb8;
	[tilespmem:$0x1D800] =	vst v63  }
0xd2: {  	_ =	swait.ge [sflag:s16], $0x2800  }
0xd3: {  	[sflag:s16] =	ssyncset.done $0x0  }
0xd4: {  	[sflag:s16] =	ssyncadd.s32 $0xFFFFD800  }
0xd5: {  	_ =	swait.ge [sflag:s22], $0x2800  }
0xd6: {  	[sflag:s22] =	ssyncset.done $0x0  }
0xd7: {  	s14 =	rddreg [dreg:$0x1a];
	[sflag:s22] =	ssyncadd.s32 $0xFFFFD800  }
0xd8: {  	[tilespmem:s15], [sflag:$0x1] =	stream.indirect.gather [hbm4b:s2+s18], $0x80, s14, s18, $0xb8;
	[tilespmem:$0x1D800] =	vst v63  }
0xd9: {  	s12 =	rddreg [dreg:$0x1b]  }
0xda: {  	[spmem:s3] =	stream.indirect.scatter.add.f32 [tilespmem:s19], [sflag:$0x4], $0x80, s12, s18, $0xb8;
	[tilespmem:$0x1D800] =	vst v63  }
0xdb: {  	_ =	swait.ge [sflag:s16], $0x2800  }
0xdc: {  	[sflag:s16] =	ssyncset.done $0x0  }
0xdd: {  	[sflag:s16] =	ssyncadd.s32 $0xFFFFD800  }
0xde: {  	_ =	swait.ge [sflag:s23], $0x2800  }
0xdf: {  	[sflag:s23] =	ssyncset.done $0x0  }
0xe0: {  	s14 =	rddreg [dreg:$0x1c];
	[sflag:s23] =	ssyncadd.s32 $0xFFFFD800  }
0xe1: {  	[tilespmem:s19], [sflag:$0x2] =	stream.indirect.gather [hbm4b:s2+s18], $0x80, s14, s18, $0xb8;
	[tilespmem:$0x1D800] =	vst v63  }
0xe2: {  	s12 =	rddreg [dreg:$0x1d]  }
0xe3: {  	[spmem:s3] =	stream.indirect.scatter.add.f32 [tilespmem:s21], [sflag:$0x4], $0x80, s12, s18, $0xb8;
	[tilespmem:$0x1D800] =	vst v63  }
0xe4: {  	_ =	swait.ge [sflag:s16], $0x2800  }
0xe5: {  	[sflag:s16] =	ssyncset.done $0x0  }
0xe6: {  	[sflag:s16] =	ssyncadd.s32 $0xFFFFD800  }
0xe7: {  	_ =	swait.ge [sflag:s20], $0x2800  }
0xe8: {  	[sflag:s20] =	ssyncset.done $0x0  }
0xe9: {  	s14 =	rddreg [dreg:$0x1e];
	[sflag:s20] =	ssyncadd.s32 $0xFFFFD800  }
0xea: {  	[tilespmem:s21], [sflag:$0x3] =	stream.indirect.gather [hbm4b:s2+s18], $0x80, s14, s18, $0xb8;
	[tilespmem:$0x1D800] =	vst v63  }
0xeb: {  	s12 =	rddreg [dreg:$0x1f]  }
0xec: {  	[spmem:s3] =	stream.indirect.scatter.add.f32 [tilespmem:s15], [sflag:$0x4], $0x80, s12, s18, $0xb8;
	[tilespmem:$0x1D800] =	vst v63  }
0xed: {  	_ =	swait.ge [sflag:s16], $0x2800  }
0xee: {  	[sflag:s16] =	ssyncset.done $0x0  }
0xef: {  	[sflag:s16] =	ssyncadd.s32 $0xFFFFD800  }
0xf0: {  	_ =	swait.ge [sflag:s22], $0x2800  }
0xf1: {  	s14 =	sld [smem:$0x7F7]  }
0xf2: {  	[sflag:s22] =	ssyncset.done $0x0  }
0xf3: {  	s12 =	sld [smem:$0x7F8];
	[sflag:s22] =	ssyncadd.s32 $0xFFFFD800  }
0xf4: {  	[tilespmem:s15], [sflag:$0x1] =	stream.indirect.gather [hbm4b:s2+s18], $0x80, s14, s18, $0xb8;
	[tilespmem:$0x1D800] =	vst v63  }
0xf5: {  	_ = 	snop  }
0xf6: {  	[spmem:s3] =	stream.indirect.scatter.add.f32 [tilespmem:s19], [sflag:$0x4], $0x80, s12, s18, $0xb8;
	[tilespmem:$0x1D800] =	vst v63  }
0xf7: {  	_ =	swait.ge [sflag:s16], $0x2800  }
0xf8: {  	[sflag:s16] =	ssyncset.done $0x0  }
0xf9: {  	[sflag:s16] =	ssyncadd.s32 $0xFFFFD800  }
0xfa: {  	_ =	swait.ge [sflag:s23], $0x2800  }
0xfb: {  	s14 =	sld [smem:$0x7F9]  }
0xfc: {  	[sflag:s23] =	ssyncset.done $0x0  }
0xfd: {  	s12 =	sld [smem:$0x7FA];
	[sflag:s23] =	ssyncadd.s32 $0xFFFFD800  }
0xfe: {  	[tilespmem:s19], [sflag:$0x2] =	stream.indirect.gather [hbm4b:s2+s18], $0x80, s14, s18, $0xb8;
	[tilespmem:$0x1D800] =	vst v63  }
0xff: {  	_ = 	snop  }
0x100: {  	[spmem:s3] =	stream.indirect.scatter.add.f32 [tilespmem:s21], [sflag:$0x4], $0x80, s12, s18, $0xb8;
	[tilespmem:$0x1D800] =	vst v63  }
0x101: {  	_ =	swait.ge [sflag:s16], $0x2800  }
0x102: {  	[sflag:s16] =	ssyncset.done $0x0  }
0x103: {  	[sflag:s16] =	ssyncadd.s32 $0xFFFFD800  }
0x104: {  	_ =	swait.ge [sflag:s20], $0x2800  }
0x105: {  	s14 =	sld [smem:$0x7FB]  }
0x106: {  	[sflag:s20] =	ssyncset.done $0x0  }
0x107: {  	s12 =	sld [smem:$0x7FC];
	[sflag:s20] =	ssyncadd.s32 $0xFFFFD800  }
0x108: {  	[tilespmem:s21], [sflag:$0x3] =	stream.indirect.gather [hbm4b:s2+s18], $0x80, s14, s18, $0xb8;
	[tilespmem:$0x1D800] =	vst v63  }
0x109: {  	_ = 	snop  }
0x10a: {  	[spmem:s3] =	stream.indirect.scatter.add.f32 [tilespmem:s15], [sflag:$0x4], $0x80, s12, s18, $0xb8;
	[tilespmem:$0x1D800] =	vst v63  }
0x10b: {  	_ =	swait.ge [sflag:s16], $0x2800  }
0x10c: {  	[sflag:s16] =	ssyncset.done $0x0  }
0x10d: {  	[sflag:s16] =	ssyncadd.s32 $0xFFFFD800  }
0x10e: {  	_ =	swait.ge [sflag:s22], $0x2800  }
0x10f: {  	s14 =	sld [smem:$0x7FD]  }
0x110: {  	[sflag:s22] =	ssyncset.done $0x0  }
0x111: {  	[sflag:s22] =	ssyncadd.s32 $0xFFFFD800  }
0x112: {  	[tilespmem:s15], [sflag:$0x1] =	stream.indirect.gather [hbm4b:s2+s18], $0x80, s14, s18, $0xb8;
	[tilespmem:$0x1D800] =	vst v63  }
0x113: {  	_ = 	snop  }
0x114: {  	[spmem:s3] =	stream.indirect.scatter.add.f32 [tilespmem:s19], [sflag:$0x4], $0x80, s24, s18, $0xb8;
	[tilespmem:$0x1D800] =	vst v63  }
0x115: {  	_ =	swait.ge [sflag:s16], $0x2800  }
0x116: {  	[sflag:s16] =	ssyncset.done $0x0  }
0x117: {  	[sflag:s16] =	ssyncadd.s32 $0xFFFFD800  }
0x118: {  	_ =	swait.ge [sflag:s23], $0x2800  }
0x119: {  	[sflag:s23] =	ssyncset.done $0x0  }
0x11a: {  	[sflag:s23] =	ssyncadd.s32 $0xFFFFD800  }
0x11b: {  	[tilespmem:s19], [sflag:$0x2] =	stream.indirect.gather [hbm4b:s2+s18], $0x80, s25, s18, $0xb8;
	[tilespmem:$0x1D800] =	vst v63  }
0x11c: {  	_ = 	snop  }
0x11d: {  	[spmem:s3] =	stream.indirect.scatter.add.f32 [tilespmem:s21], [sflag:$0x4], $0x80, s26, s18, $0xb8;
	[tilespmem:$0x1D800] =	vst v63  }
0x11e: {  	_ =	swait.ge [sflag:s16], $0x2800  }
0x11f: {  	[sflag:s16] =	ssyncset.done $0x0  }
0x120: {  	[sflag:s16] =	ssyncadd.s32 $0xFFFFD800  }
0x121: {  	_ =	swait.ge [sflag:s20], $0x2800  }
0x122: {  	[sflag:s20] =	ssyncset.done $0x0  }
0x123: {  	[sflag:s20] =	ssyncadd.s32 $0xFFFFD800  }
0x124: {  	[tilespmem:s21], [sflag:$0x3] =	stream.indirect.gather [hbm4b:s2+s18], $0x80, s28, s18, $0xb8;
	[tilespmem:$0x1D800] =	vst v63  }
0x125: {  	_ = 	snop  }
0x126: {  	[spmem:s3] =	stream.indirect.scatter.add.f32 [tilespmem:s15], [sflag:$0x4], $0x80, s29, s18, $0xb8;
	[tilespmem:$0x1D800] =	vst v63  }
0x127: {  	_ =	swait.ge [sflag:s16], $0x2800  }
0x128: {  	[sflag:s16] =	ssyncset.done $0x0  }
0x129: {  	[sflag:s16] =	ssyncadd.s32 $0xFFFFD800  }
0x12a: {  	_ =	swait.ge [sflag:s22], $0x2800  }
0x12b: {  	[sflag:s22] =	ssyncset.done $0x0  }
0x12c: {  	[sflag:s22] =	ssyncadd.s32 $0xFFFFD800  }
0x12d: {  	[tilespmem:s15], [sflag:$0x1] =	stream.indirect.gather [hbm4b:s2+s18], $0x80, s30, s18, $0xb8;
	[tilespmem:$0x1D800] =	vst v63  }
0x12e: {  	_ = 	snop  }
0x12f: {  	[spmem:s3] =	stream.indirect.scatter.add.f32 [tilespmem:s19], [sflag:$0x4], $0x80, s31, s18, $0xb8;
	[tilespmem:$0x1D800] =	vst v63  }
0x130: {  	_ =	swait.ge [sflag:s16], $0x2800  }
0x131: {  	[sflag:s16] =	ssyncset.done $0x0  }
0x132: {  	[sflag:s16] =	ssyncadd.s32 $0xFFFFD800  }
0x133: {  	_ =	swait.ge [sflag:s23], $0x2800  }
0x134: {  	[sflag:s23] =	ssyncset.done $0x0  }
0x135: {  	[sflag:s23] =	ssyncadd.s32 $0xFFFFD800  }
0x136: {  	[tilespmem:s19], [sflag:$0x2] =	stream.indirect.gather [hbm4b:s2+s18], $0x80, s1, s18, $0xb8;
	[tilespmem:$0x1D800] =	vst v63  }
0x137: {  	_ = 	snop  }
0x138: {  	[spmem:s3] =	stream.indirect.scatter.add.f32 [tilespmem:s21], [sflag:$0x4], $0x80, s0, s18, $0xb8;
	[tilespmem:$0x1D800] =	vst v63  }
0x139: {  	_ =	swait.ge [sflag:s16], $0x2800  }
0x13a: {  	[sflag:s16] =	ssyncset.done $0x0  }
0x13b: {  	[sflag:s16] =	ssyncadd.s32 $0xFFFFD800  }
0x13c: {  	_ =	swait.ge [sflag:s20], $0x2800  }
0x13d: {  	[sflag:s20] =	ssyncset.done $0x0  }
0x13e: {  	[sflag:s20] =	ssyncadd.s32 $0xFFFFD800  }
0x13f: {  	[tilespmem:s21], [sflag:$0x3] =	stream.indirect.gather [hbm4b:s2+s18], $0x80, s5, s18, $0xb8;
	[tilespmem:$0x1D800] =	vst v63  }
0x140: {  	_ = 	snop  }
0x141: {  	[spmem:s3] =	stream.indirect.scatter.add.f32 [tilespmem:s15], [sflag:$0x4], $0x80, s7, s18, $0xb8;
	[tilespmem:$0x1D800] =	vst v63  }
0x142: {  	_ =	swait.ge [sflag:s16], $0x2800  }
0x143: {  	[sflag:s16] =	ssyncset.done $0x0  }
0x144: {  	[sflag:s16] =	ssyncadd.s32 $0xFFFFD800  }
0x145: {  	_ =	swait.ge [sflag:s22], $0x2800  }
0x146: {  	[sflag:s22] =	ssyncset.done $0x0  }
0x147: {  	[sflag:s22] =	ssyncadd.s32 $0xFFFFD800  }
0x148: {  	[tilespmem:s15], [sflag:$0x1] =	stream.indirect.gather [hbm4b:s2+s18], $0x80, s8, s18, $0xb8;
	[tilespmem:$0x1D800] =	vst v63  }
0x149: {  	_ = 	snop  }
0x14a: {  	[spmem:s3] =	stream.indirect.scatter.add.f32 [tilespmem:s19], [sflag:$0x4], $0x80, s9, s18, $0xb8;
	[tilespmem:$0x1D800] =	vst v63  }
0x14b: {  	_ =	swait.ge [sflag:s16], $0x2800  }
0x14c: {  	[sflag:s16] =	ssyncset.done $0x0  }
0x14d: {  	[sflag:s16] =	ssyncadd.s32 $0xFFFFD800  }
0x14e: {  	_ =	swait.ge [sflag:s23], $0x2800  }
0x14f: {  	[sflag:s23] =	ssyncset.done $0x0  }
0x150: {  	[sflag:s23] =	ssyncadd.s32 $0xFFFFD800  }
0x151: {  	[spmem:s3] =	stream.indirect.scatter.add.f32 [tilespmem:s21], [sflag:$0x4], $0x80, s10, s18, $0xb8;
	[tilespmem:$0x1D800] =	vst v63  }
0x152: {  	_ =	swait.ge [sflag:s16], $0x2800  }
0x153: {  	[sflag:s16] =	ssyncset.done $0x0  }
0x154: {  	[sflag:s16] =	ssyncadd.s32 $0xFFFFD800  }
0x155: {  	_ =	swait.ge [sflag:s20], $0x2800  }
0x156: {  	[sflag:s20] =	ssyncset.done $0x0  }
0x157: {  	[sflag:s20] =	ssyncadd.s32 $0xFFFFD800  }
0x158: {  	[spmem:s3] =	stream.indirect.scatter.add.f32 [tilespmem:s15], [sflag:$0x4], $0x80, s11, s18, $0xb8;
	[tilespmem:$0x1D800] =	vst v63  }
0x159: {  	s13 =	simm.s32 $0x200;
	_ =	swait.ge [sflag:s16], $0x2800  }
0x15a: {  	s14 =	simm.s32 $0x400;
	s6 =	rddreg [dreg:$0x5];
	[sflag:s16] =	ssyncset.done $0x0  }
.LBB2_4:
0x15b: {  	[sflag:s16] =	ssyncadd.s32 $0xFFFFD800;
	s6 =	sadd.s32 s13, s6  }
0x15c: {  	[tilespmem:s4], [sflag:$0x4] =	stream.linear.gather [hbm4b:s6+s4], $0xC80, $0x38;
	[tilespmem:$0x1D800] =	vst v63  }
0x15d: {  	_ =	swait.ge [sflag:s16], $0xC80  }
0x15e: {  	s6 =	rddreg [dreg:$0x4];
	[sflag:s16] =	ssyncset.done $0x0  }
0x15f: {  	[sflag:s16] =	ssyncadd.s32 $0xFFFFF380;
	s6 =	sadd.s32 s13, s6  }
0x160: {  	[tilespmem:s17], [sflag:$0x4] =	stream.linear.gather [hbm4b:s6+s4], $0xC80, $0x38;
	[tilespmem:$0x1D800] =	vst v63  }
0x161: {  	_ =	swait.ge [sflag:s16], $0xC80  }
0x162: {  	[sflag:s16] =	ssyncset.done $0x0  }
0x163: {  	s12 =	smov.u32 s14;
	[sflag:s16] =	ssyncadd.s32 $0xFFFFF380  }
0x164: {  	[tilespmem:s15], [sflag:$0x1] =	stream.indirect.gather [hbm4b:s2+s18], $0x80, s4, s18, $0xb8;
	[tilespmem:$0x1D800] =	vst v63  }
0x165: {  	s13 =	smov.u32 s12;
	s12 =	rddreg [dreg:$0x6]  }
0x166: {  	[tilespmem:s19], [sflag:$0x2] =	stream.indirect.gather [hbm4b:s2+s18], $0x80, s12, s18, $0xb8;
	[tilespmem:$0x1D800] =	vst v63  }
0x167: {  	_ =	swait.ge [sflag:s20], $0x2800  }
0x168: {  	[sflag:s20] =	ssyncset.done $0x0  }
0x169: {  	s12 =	rddreg [dreg:$0x7];
	[sflag:s20] =	ssyncadd.s32 $0xFFFFD800  }
0x16a: {  	[tilespmem:s21], [sflag:$0x3] =	stream.indirect.gather [hbm4b:s2+s18], $0x80, s12, s18, $0xb8;
	[tilespmem:$0x1D800] =	vst v63  }
0x16b: {  	_ = 	snop  }
0x16c: {  	[spmem:s3] =	stream.indirect.scatter.add.f32 [tilespmem:s15], [sflag:$0x4], $0x80, s17, s18, $0xb8;
	[tilespmem:$0x1D800] =	vst v63  }
0x16d: {  	_ =	swait.ge [sflag:s16], $0x2800  }
0x16e: {  	[sflag:s16] =	ssyncset.done $0x0  }
0x16f: {  	[sflag:s16] =	ssyncadd.s32 $0xFFFFD800  }
0x170: {  	_ =	swait.ge [sflag:s22], $0x2800  }
0x171: {  	[sflag:s22] =	ssyncset.done $0x0  }
0x172: {  	s6 =	rddreg [dreg:$0x8];
	[sflag:s22] =	ssyncadd.s32 $0xFFFFD800  }
0x173: {  	[tilespmem:s15], [sflag:$0x1] =	stream.indirect.gather [hbm4b:s2+s18], $0x80, s6, s18, $0xb8;
	[tilespmem:$0x1D800] =	vst v63  }
0x174: {  	s12 =	rddreg [dreg:$0x9]  }
0x175: {  	[spmem:s3] =	stream.indirect.scatter.add.f32 [tilespmem:s19], [sflag:$0x4], $0x80, s12, s18, $0xb8;
	[tilespmem:$0x1D800] =	vst v63  }
0x176: {  	_ =	swait.ge [sflag:s16], $0x2800  }
0x177: {  	[sflag:s16] =	ssyncset.done $0x0  }
0x178: {  	[sflag:s16] =	ssyncadd.s32 $0xFFFFD800  }
0x179: {  	_ =	swait.ge [sflag:s23], $0x2800  }
0x17a: {  	[sflag:s23] =	ssyncset.done $0x0  }
0x17b: {  	s6 =	rddreg [dreg:$0xa];
	[sflag:s23] =	ssyncadd.s32 $0xFFFFD800  }
0x17c: {  	[tilespmem:s19], [sflag:$0x2] =	stream.indirect.gather [hbm4b:s2+s18], $0x80, s6, s18, $0xb8;
	[tilespmem:$0x1D800] =	vst v63  }
0x17d: {  	s12 =	rddreg [dreg:$0xb]  }
0x17e: {  	[spmem:s3] =	stream.indirect.scatter.add.f32 [tilespmem:s21], [sflag:$0x4], $0x80, s12, s18, $0xb8;
	[tilespmem:$0x1D800] =	vst v63  }
0x17f: {  	_ =	swait.ge [sflag:s16], $0x2800  }
0x180: {  	[sflag:s16] =	ssyncset.done $0x0  }
0x181: {  	[sflag:s16] =	ssyncadd.s32 $0xFFFFD800  }
0x182: {  	_ =	swait.ge [sflag:s20], $0x2800  }
0x183: {  	[sflag:s20] =	ssyncset.done $0x0  }
0x184: {  	s6 =	rddreg [dreg:$0xc];
	[sflag:s20] =	ssyncadd.s32 $0xFFFFD800  }
0x185: {  	[tilespmem:s21], [sflag:$0x3] =	stream.indirect.gather [hbm4b:s2+s18], $0x80, s6, s18, $0xb8;
	[tilespmem:$0x1D800] =	vst v63  }
0x186: {  	s12 =	rddreg [dreg:$0xd]  }
0x187: {  	[spmem:s3] =	stream.indirect.scatter.add.f32 [tilespmem:s15], [sflag:$0x4], $0x80, s12, s18, $0xb8;
	[tilespmem:$0x1D800] =	vst v63  }
0x188: {  	_ =	swait.ge [sflag:s16], $0x2800  }
0x189: {  	[sflag:s16] =	ssyncset.done $0x0  }
0x18a: {  	[sflag:s16] =	ssyncadd.s32 $0xFFFFD800  }
0x18b: {  	_ =	swait.ge [sflag:s22], $0x2800  }
0x18c: {  	[sflag:s22] =	ssyncset.done $0x0  }
0x18d: {  	s6 =	rddreg [dreg:$0xe];
	[sflag:s22] =	ssyncadd.s32 $0xFFFFD800  }
0x18e: {  	[tilespmem:s15], [sflag:$0x1] =	stream.indirect.gather [hbm4b:s2+s18], $0x80, s6, s18, $0xb8;
	[tilespmem:$0x1D800] =	vst v63  }
0x18f: {  	s12 =	rddreg [dreg:$0xf]  }
0x190: {  	[spmem:s3] =	stream.indirect.scatter.add.f32 [tilespmem:s19], [sflag:$0x4], $0x80, s12, s18, $0xb8;
	[tilespmem:$0x1D800] =	vst v63  }
0x191: {  	_ =	swait.ge [sflag:s16], $0x2800  }
0x192: {  	[sflag:s16] =	ssyncset.done $0x0  }
0x193: {  	[sflag:s16] =	ssyncadd.s32 $0xFFFFD800  }
0x194: {  	_ =	swait.ge [sflag:s23], $0x2800  }
0x195: {  	[sflag:s23] =	ssyncset.done $0x0  }
0x196: {  	s6 =	rddreg [dreg:$0x10];
	[sflag:s23] =	ssyncadd.s32 $0xFFFFD800  }
0x197: {  	[tilespmem:s19], [sflag:$0x2] =	stream.indirect.gather [hbm4b:s2+s18], $0x80, s6, s18, $0xb8;
	[tilespmem:$0x1D800] =	vst v63  }
0x198: {  	s12 =	rddreg [dreg:$0x11]  }
0x199: {  	[spmem:s3] =	stream.indirect.scatter.add.f32 [tilespmem:s21], [sflag:$0x4], $0x80, s12, s18, $0xb8;
	[tilespmem:$0x1D800] =	vst v63  }
0x19a: {  	_ =	swait.ge [sflag:s16], $0x2800  }
0x19b: {  	[sflag:s16] =	ssyncset.done $0x0  }
0x19c: {  	[sflag:s16] =	ssyncadd.s32 $0xFFFFD800  }
0x19d: {  	_ =	swait.ge [sflag:s20], $0x2800  }
0x19e: {  	[sflag:s20] =	ssyncset.done $0x0  }
0x19f: {  	s6 =	rddreg [dreg:$0x12];
	[sflag:s20] =	ssyncadd.s32 $0xFFFFD800  }
0x1a0: {  	[tilespmem:s21], [sflag:$0x3] =	stream.indirect.gather [hbm4b:s2+s18], $0x80, s6, s18, $0xb8;
	[tilespmem:$0x1D800] =	vst v63  }
0x1a1: {  	s12 =	rddreg [dreg:$0x13]  }
0x1a2: {  	[spmem:s3] =	stream.indirect.scatter.add.f32 [tilespmem:s15], [sflag:$0x4], $0x80, s12, s18, $0xb8;
	[tilespmem:$0x1D800] =	vst v63  }
0x1a3: {  	_ =	swait.ge [sflag:s16], $0x2800  }
0x1a4: {  	[sflag:s16] =	ssyncset.done $0x0  }
0x1a5: {  	[sflag:s16] =	ssyncadd.s32 $0xFFFFD800  }
0x1a6: {  	_ =	swait.ge [sflag:s22], $0x2800  }
0x1a7: {  	[sflag:s22] =	ssyncset.done $0x0  }
0x1a8: {  	s6 =	rddreg [dreg:$0x14];
	[sflag:s22] =	ssyncadd.s32 $0xFFFFD800  }
0x1a9: {  	[tilespmem:s15], [sflag:$0x1] =	stream.indirect.gather [hbm4b:s2+s18], $0x80, s6, s18, $0xb8;
	[tilespmem:$0x1D800] =	vst v63  }
0x1aa: {  	s12 =	rddreg [dreg:$0x15]  }
0x1ab: {  	[spmem:s3] =	stream.indirect.scatter.add.f32 [tilespmem:s19], [sflag:$0x4], $0x80, s12, s18, $0xb8;
	[tilespmem:$0x1D800] =	vst v63  }
0x1ac: {  	_ =	swait.ge [sflag:s16], $0x2800  }
0x1ad: {  	[sflag:s16] =	ssyncset.done $0x0  }
0x1ae: {  	[sflag:s16] =	ssyncadd.s32 $0xFFFFD800  }
0x1af: {  	_ =	swait.ge [sflag:s23], $0x2800  }
0x1b0: {  	[sflag:s23] =	ssyncset.done $0x0  }
0x1b1: {  	s6 =	rddreg [dreg:$0x16];
	[sflag:s23] =	ssyncadd.s32 $0xFFFFD800  }
0x1b2: {  	[tilespmem:s19], [sflag:$0x2] =	stream.indirect.gather [hbm4b:s2+s18], $0x80, s6, s18, $0xb8;
	[tilespmem:$0x1D800] =	vst v63  }
0x1b3: {  	s12 =	rddreg [dreg:$0x17]  }
0x1b4: {  	[spmem:s3] =	stream.indirect.scatter.add.f32 [tilespmem:s21], [sflag:$0x4], $0x80, s12, s18, $0xb8;
	[tilespmem:$0x1D800] =	vst v63  }
0x1b5: {  	_ =	swait.ge [sflag:s16], $0x2800  }
0x1b6: {  	[sflag:s16] =	ssyncset.done $0x0  }
0x1b7: {  	[sflag:s16] =	ssyncadd.s32 $0xFFFFD800  }
0x1b8: {  	_ =	swait.ge [sflag:s20], $0x2800  }
0x1b9: {  	[sflag:s20] =	ssyncset.done $0x0  }
0x1ba: {  	s6 =	rddreg [dreg:$0x18];
	[sflag:s20] =	ssyncadd.s32 $0xFFFFD800  }
0x1bb: {  	[tilespmem:s21], [sflag:$0x3] =	stream.indirect.gather [hbm4b:s2+s18], $0x80, s6, s18, $0xb8;
	[tilespmem:$0x1D800] =	vst v63  }
0x1bc: {  	s12 =	rddreg [dreg:$0x19]  }
0x1bd: {  	[spmem:s3] =	stream.indirect.scatter.add.f32 [tilespmem:s15], [sflag:$0x4], $0x80, s12, s18, $0xb8;
	[tilespmem:$0x1D800] =	vst v63  }
0x1be: {  	_ =	swait.ge [sflag:s16], $0x2800  }
0x1bf: {  	[sflag:s16] =	ssyncset.done $0x0  }
0x1c0: {  	[sflag:s16] =	ssyncadd.s32 $0xFFFFD800  }
0x1c1: {  	_ =	swait.ge [sflag:s22], $0x2800  }
0x1c2: {  	[sflag:s22] =	ssyncset.done $0x0  }
0x1c3: {  	s6 =	rddreg [dreg:$0x1a];
	[sflag:s22] =	ssyncadd.s32 $0xFFFFD800  }
0x1c4: {  	[tilespmem:s15], [sflag:$0x1] =	stream.indirect.gather [hbm4b:s2+s18], $0x80, s6, s18, $0xb8;
	[tilespmem:$0x1D800] =	vst v63  }
0x1c5: {  	s12 =	rddreg [dreg:$0x1b]  }
0x1c6: {  	[spmem:s3] =	stream.indirect.scatter.add.f32 [tilespmem:s19], [sflag:$0x4], $0x80, s12, s18, $0xb8;
	[tilespmem:$0x1D800] =	vst v63  }
0x1c7: {  	_ =	swait.ge [sflag:s16], $0x2800  }
0x1c8: {  	[sflag:s16] =	ssyncset.done $0x0  }
0x1c9: {  	[sflag:s16] =	ssyncadd.s32 $0xFFFFD800  }
0x1ca: {  	_ =	swait.ge [sflag:s23], $0x2800  }
0x1cb: {  	[sflag:s23] =	ssyncset.done $0x0  }
0x1cc: {  	s6 =	rddreg [dreg:$0x1c];
	[sflag:s23] =	ssyncadd.s32 $0xFFFFD800  }
0x1cd: {  	[tilespmem:s19], [sflag:$0x2] =	stream.indirect.gather [hbm4b:s2+s18], $0x80, s6, s18, $0xb8;
	[tilespmem:$0x1D800] =	vst v63  }
0x1ce: {  	s12 =	rddreg [dreg:$0x1d]  }
0x1cf: {  	[spmem:s3] =	stream.indirect.scatter.add.f32 [tilespmem:s21], [sflag:$0x4], $0x80, s12, s18, $0xb8;
	[tilespmem:$0x1D800] =	vst v63  }
0x1d0: {  	_ =	swait.ge [sflag:s16], $0x2800  }
0x1d1: {  	[sflag:s16] =	ssyncset.done $0x0  }
0x1d2: {  	[sflag:s16] =	ssyncadd.s32 $0xFFFFD800  }
0x1d3: {  	_ =	swait.ge [sflag:s20], $0x2800  }
0x1d4: {  	[sflag:s20] =	ssyncset.done $0x0  }
0x1d5: {  	s6 =	rddreg [dreg:$0x1e];
	[sflag:s20] =	ssyncadd.s32 $0xFFFFD800  }
0x1d6: {  	[tilespmem:s21], [sflag:$0x3] =	stream.indirect.gather [hbm4b:s2+s18], $0x80, s6, s18, $0xb8;
	[tilespmem:$0x1D800] =	vst v63  }
0x1d7: {  	s12 =	rddreg [dreg:$0x1f]  }
0x1d8: {  	[spmem:s3] =	stream.indirect.scatter.add.f32 [tilespmem:s15], [sflag:$0x4], $0x80, s12, s18, $0xb8;
	[tilespmem:$0x1D800] =	vst v63  }
0x1d9: {  	_ =	swait.ge [sflag:s16], $0x2800  }
0x1da: {  	[sflag:s16] =	ssyncset.done $0x0  }
0x1db: {  	[sflag:s16] =	ssyncadd.s32 $0xFFFFD800  }
0x1dc: {  	_ =	swait.ge [sflag:s22], $0x2800  }
0x1dd: {  	s6 =	sld [smem:$0x7F7]  }
0x1de: {  	[sflag:s22] =	ssyncset.done $0x0  }
0x1df: {  	s12 =	sld [smem:$0x7F8];
	[sflag:s22] =	ssyncadd.s32 $0xFFFFD800  }
0x1e0: {  	[tilespmem:s15], [sflag:$0x1] =	stream.indirect.gather [hbm4b:s2+s18], $0x80, s6, s18, $0xb8;
	[tilespmem:$0x1D800] =	vst v63  }
0x1e1: {  	_ = 	snop  }
0x1e2: {  	[spmem:s3] =	stream.indirect.scatter.add.f32 [tilespmem:s19], [sflag:$0x4], $0x80, s12, s18, $0xb8;
	[tilespmem:$0x1D800] =	vst v63  }
0x1e3: {  	_ =	swait.ge [sflag:s16], $0x2800  }
0x1e4: {  	[sflag:s16] =	ssyncset.done $0x0  }
0x1e5: {  	[sflag:s16] =	ssyncadd.s32 $0xFFFFD800  }
0x1e6: {  	_ =	swait.ge [sflag:s23], $0x2800  }
0x1e7: {  	s6 =	sld [smem:$0x7F9]  }
0x1e8: {  	[sflag:s23] =	ssyncset.done $0x0  }
0x1e9: {  	s12 =	sld [smem:$0x7FA];
	[sflag:s23] =	ssyncadd.s32 $0xFFFFD800  }
0x1ea: {  	[tilespmem:s19], [sflag:$0x2] =	stream.indirect.gather [hbm4b:s2+s18], $0x80, s6, s18, $0xb8;
	[tilespmem:$0x1D800] =	vst v63  }
0x1eb: {  	_ = 	snop  }
0x1ec: {  	[spmem:s3] =	stream.indirect.scatter.add.f32 [tilespmem:s21], [sflag:$0x4], $0x80, s12, s18, $0xb8;
	[tilespmem:$0x1D800] =	vst v63  }
0x1ed: {  	_ =	swait.ge [sflag:s16], $0x2800  }
0x1ee: {  	[sflag:s16] =	ssyncset.done $0x0  }
0x1ef: {  	[sflag:s16] =	ssyncadd.s32 $0xFFFFD800  }
0x1f0: {  	_ =	swait.ge [sflag:s20], $0x2800  }
0x1f1: {  	s6 =	sld [smem:$0x7FB]  }
0x1f2: {  	[sflag:s20] =	ssyncset.done $0x0  }
0x1f3: {  	s12 =	sld [smem:$0x7FC];
	[sflag:s20] =	ssyncadd.s32 $0xFFFFD800  }
0x1f4: {  	[tilespmem:s21], [sflag:$0x3] =	stream.indirect.gather [hbm4b:s2+s18], $0x80, s6, s18, $0xb8;
	[tilespmem:$0x1D800] =	vst v63  }
0x1f5: {  	_ = 	snop  }
0x1f6: {  	[spmem:s3] =	stream.indirect.scatter.add.f32 [tilespmem:s15], [sflag:$0x4], $0x80, s12, s18, $0xb8;
	[tilespmem:$0x1D800] =	vst v63  }
0x1f7: {  	_ =	swait.ge [sflag:s16], $0x2800  }
0x1f8: {  	[sflag:s16] =	ssyncset.done $0x0  }
0x1f9: {  	[sflag:s16] =	ssyncadd.s32 $0xFFFFD800  }
0x1fa: {  	_ =	swait.ge [sflag:s22], $0x2800  }
0x1fb: {  	s12 =	sld [smem:$0x7FD]  }
0x1fc: {  	[sflag:s22] =	ssyncset.done $0x0  }
0x1fd: {  	[sflag:s22] =	ssyncadd.s32 $0xFFFFD800  }
0x1fe: {  	[tilespmem:s15], [sflag:$0x1] =	stream.indirect.gather [hbm4b:s2+s18], $0x80, s12, s18, $0xb8;
	[tilespmem:$0x1D800] =	vst v63  }
0x1ff: {  	_ = 	snop  }
0x200: {  	[spmem:s3] =	stream.indirect.scatter.add.f32 [tilespmem:s19], [sflag:$0x4], $0x80, s24, s18, $0xb8;
	[tilespmem:$0x1D800] =	vst v63  }
0x201: {  	_ =	swait.ge [sflag:s16], $0x2800  }
0x202: {  	[sflag:s16] =	ssyncset.done $0x0  }
0x203: {  	[sflag:s16] =	ssyncadd.s32 $0xFFFFD800  }
0x204: {  	_ =	swait.ge [sflag:s23], $0x2800  }
0x205: {  	[sflag:s23] =	ssyncset.done $0x0  }
0x206: {  	[sflag:s23] =	ssyncadd.s32 $0xFFFFD800  }
0x207: {  	[tilespmem:s19], [sflag:$0x2] =	stream.indirect.gather [hbm4b:s2+s18], $0x80, s25, s18, $0xb8;
	[tilespmem:$0x1D800] =	vst v63  }
0x208: {  	_ = 	snop  }
0x209: {  	[spmem:s3] =	stream.indirect.scatter.add.f32 [tilespmem:s21], [sflag:$0x4], $0x80, s26, s18, $0xb8;
	[tilespmem:$0x1D800] =	vst v63  }
0x20a: {  	_ =	swait.ge [sflag:s16], $0x2800  }
0x20b: {  	[sflag:s16] =	ssyncset.done $0x0  }
0x20c: {  	[sflag:s16] =	ssyncadd.s32 $0xFFFFD800  }
0x20d: {  	_ =	swait.ge [sflag:s20], $0x2800  }
0x20e: {  	[sflag:s20] =	ssyncset.done $0x0  }
0x20f: {  	[sflag:s20] =	ssyncadd.s32 $0xFFFFD800  }
0x210: {  	[tilespmem:s21], [sflag:$0x3] =	stream.indirect.gather [hbm4b:s2+s18], $0x80, s28, s18, $0xb8;
	[tilespmem:$0x1D800] =	vst v63  }
0x211: {  	_ = 	snop  }
0x212: {  	[spmem:s3] =	stream.indirect.scatter.add.f32 [tilespmem:s15], [sflag:$0x4], $0x80, s29, s18, $0xb8;
	[tilespmem:$0x1D800] =	vst v63  }
0x213: {  	_ =	swait.ge [sflag:s16], $0x2800  }
0x214: {  	[sflag:s16] =	ssyncset.done $0x0  }
0x215: {  	[sflag:s16] =	ssyncadd.s32 $0xFFFFD800  }
0x216: {  	_ =	swait.ge [sflag:s22], $0x2800  }
0x217: {  	[sflag:s22] =	ssyncset.done $0x0  }
0x218: {  	[sflag:s22] =	ssyncadd.s32 $0xFFFFD800  }
0x219: {  	[tilespmem:s15], [sflag:$0x1] =	stream.indirect.gather [hbm4b:s2+s18], $0x80, s30, s18, $0xb8;
	[tilespmem:$0x1D800] =	vst v63  }
0x21a: {  	_ = 	snop  }
0x21b: {  	[spmem:s3] =	stream.indirect.scatter.add.f32 [tilespmem:s19], [sflag:$0x4], $0x80, s31, s18, $0xb8;
	[tilespmem:$0x1D800] =	vst v63  }
0x21c: {  	_ =	swait.ge [sflag:s16], $0x2800  }
0x21d: {  	[sflag:s16] =	ssyncset.done $0x0  }
0x21e: {  	[sflag:s16] =	ssyncadd.s32 $0xFFFFD800  }
0x21f: {  	_ =	swait.ge [sflag:s23], $0x2800  }
0x220: {  	[sflag:s23] =	ssyncset.done $0x0  }
0x221: {  	[sflag:s23] =	ssyncadd.s32 $0xFFFFD800  }
0x222: {  	[tilespmem:s19], [sflag:$0x2] =	stream.indirect.gather [hbm4b:s2+s18], $0x80, s1, s18, $0xb8;
	[tilespmem:$0x1D800] =	vst v63  }
0x223: {  	_ = 	snop  }
0x224: {  	[spmem:s3] =	stream.indirect.scatter.add.f32 [tilespmem:s21], [sflag:$0x4], $0x80, s0, s18, $0xb8;
	[tilespmem:$0x1D800] =	vst v63  }
0x225: {  	_ =	swait.ge [sflag:s16], $0x2800  }
0x226: {  	[sflag:s16] =	ssyncset.done $0x0  }
0x227: {  	[sflag:s16] =	ssyncadd.s32 $0xFFFFD800  }
0x228: {  	_ =	swait.ge [sflag:s20], $0x2800  }
0x229: {  	[sflag:s20] =	ssyncset.done $0x0  }
0x22a: {  	[sflag:s20] =	ssyncadd.s32 $0xFFFFD800  }
0x22b: {  	[tilespmem:s21], [sflag:$0x3] =	stream.indirect.gather [hbm4b:s2+s18], $0x80, s5, s18, $0xb8;
	[tilespmem:$0x1D800] =	vst v63  }
0x22c: {  	_ = 	snop  }
0x22d: {  	[spmem:s3] =	stream.indirect.scatter.add.f32 [tilespmem:s15], [sflag:$0x4], $0x80, s7, s18, $0xb8;
	[tilespmem:$0x1D800] =	vst v63  }
0x22e: {  	_ =	swait.ge [sflag:s16], $0x2800  }
0x22f: {  	[sflag:s16] =	ssyncset.done $0x0  }
0x230: {  	[sflag:s16] =	ssyncadd.s32 $0xFFFFD800  }
0x231: {  	_ =	swait.ge [sflag:s22], $0x2800  }
0x232: {  	[sflag:s22] =	ssyncset.done $0x0  }
0x233: {  	[sflag:s22] =	ssyncadd.s32 $0xFFFFD800  }
0x234: {  	[tilespmem:s15], [sflag:$0x1] =	stream.indirect.gather [hbm4b:s2+s18], $0x80, s8, s18, $0xb8;
	[tilespmem:$0x1D800] =	vst v63  }
0x235: {  	_ = 	snop  }
0x236: {  	[spmem:s3] =	stream.indirect.scatter.add.f32 [tilespmem:s19], [sflag:$0x4], $0x80, s9, s18, $0xb8;
	[tilespmem:$0x1D800] =	vst v63  }
0x237: {  	_ =	swait.ge [sflag:s16], $0x2800  }
0x238: {  	[sflag:s16] =	ssyncset.done $0x0  }
0x239: {  	[sflag:s16] =	ssyncadd.s32 $0xFFFFD800  }
0x23a: {  	_ =	swait.ge [sflag:s23], $0x2800  }
0x23b: {  	[sflag:s23] =	ssyncset.done $0x0  }
0x23c: {  	[sflag:s23] =	ssyncadd.s32 $0xFFFFD800  }
0x23d: {  	[spmem:s3] =	stream.indirect.scatter.add.f32 [tilespmem:s21], [sflag:$0x4], $0x80, s10, s18, $0xb8;
	[tilespmem:$0x1D800] =	vst v63  }
0x23e: {  	_ =	swait.ge [sflag:s16], $0x2800  }
0x23f: {  	[sflag:s16] =	ssyncset.done $0x0  }
0x240: {  	[sflag:s16] =	ssyncadd.s32 $0xFFFFD800  }
0x241: {  	p0 =	sne.s32 s14, $0x800;
	_ =	swait.ge [sflag:s20], $0x2800  }
.Ltmp1:
0x242: {  	[sflag:s20] =	ssyncset.done $0x0;
	(pc) =	sbr.rel @p0 .LBB2_4-.Ltmp1, $4  }
0x243: {  	[sflag:s20] =	ssyncadd.s32 $0xFFFFD800  }
0x244: {  	[spmem:s3] =	stream.indirect.scatter.add.f32 [tilespmem:s15], [sflag:$0x4], $0x80, s11, s18, $0xb8;
	[tilespmem:$0x1D800] =	vst v63  }
0x245: {  	_ =	swait.ge [sflag:s16], $0x2800  }
0x246: {  	s14 =	sadd.s32 $0x200, s14;
	s6 =	rddreg [dreg:$0x5];
	[sflag:s16] =	ssyncset.done $0x0  }
0x247: {  	[sflag:s16] =	ssyncadd.s32 $0xFFFFD800;
	s6 =	sadd.s32 s13, s6  }
0x248: {  	[tilespmem:s4], [sflag:$0x4] =	stream.linear.gather [hbm4b:s6+s4], $0xC80, $0x38;
	[tilespmem:$0x1D800] =	vst v63  }
0x249: {  	_ =	swait.ge [sflag:s16], $0xC80  }
0x24a: {  	s14 =	rddreg [dreg:$0x4];
	[sflag:s16] =	ssyncset.done $0x0  }
0x24b: {  	[sflag:s16] =	ssyncadd.s32 $0xFFFFF380;
	s6 =	sadd.s32 s13, s14  }
0x24c: {  	[tilespmem:s17], [sflag:$0x4] =	stream.linear.gather [hbm4b:s6+s4], $0xC80, $0x38;
	[tilespmem:$0x1D800] =	vst v63  }
0x24d: {  	_ =	swait.ge [sflag:s16], $0xC80  }
0x24e: {  	[sflag:s16] =	ssyncset.done $0x0  }
0x24f: {  	[sflag:s16] =	ssyncadd.s32 $0xFFFFF380  }
0x250: {  	[tilespmem:s15], [sflag:$0x1] =	stream.indirect.gather [hbm4b:s2+s18], $0x80, s4, s18, $0xb8;
	[tilespmem:$0x1D800] =	vst v63  }
0x251: {  	s12 =	rddreg [dreg:$0x6]  }
0x252: {  	[tilespmem:s19], [sflag:$0x2] =	stream.indirect.gather [hbm4b:s2+s18], $0x80, s12, s18, $0xb8;
	[tilespmem:$0x1D800] =	vst v63  }
0x253: {  	_ =	swait.ge [sflag:s20], $0x2800  }
0x254: {  	[sflag:s20] =	ssyncset.done $0x0  }
0x255: {  	s13 =	rddreg [dreg:$0x7];
	[sflag:s20] =	ssyncadd.s32 $0xFFFFD800  }
0x256: {  	[tilespmem:s21], [sflag:$0x3] =	stream.indirect.gather [hbm4b:s2+s18], $0x80, s13, s18, $0xb8;
	[tilespmem:$0x1D800] =	vst v63  }
0x257: {  	_ = 	snop  }
0x258: {  	[spmem:s3] =	stream.indirect.scatter.add.f32 [tilespmem:s15], [sflag:$0x4], $0x80, s17, s18, $0xb8;
	[tilespmem:$0x1D800] =	vst v63  }
0x259: {  	_ =	swait.ge [sflag:s16], $0x2800  }
0x25a: {  	[sflag:s16] =	ssyncset.done $0x0  }
0x25b: {  	[sflag:s16] =	ssyncadd.s32 $0xFFFFD800  }
0x25c: {  	_ =	swait.ge [sflag:s22], $0x2800  }
0x25d: {  	[sflag:s22] =	ssyncset.done $0x0  }
0x25e: {  	s14 =	rddreg [dreg:$0x8];
	[sflag:s22] =	ssyncadd.s32 $0xFFFFD800  }
0x25f: {  	[tilespmem:s15], [sflag:$0x1] =	stream.indirect.gather [hbm4b:s2+s18], $0x80, s14, s18, $0xb8;
	[tilespmem:$0x1D800] =	vst v63  }
0x260: {  	s12 =	rddreg [dreg:$0x9]  }
0x261: {  	[spmem:s3] =	stream.indirect.scatter.add.f32 [tilespmem:s19], [sflag:$0x4], $0x80, s12, s18, $0xb8;
	[tilespmem:$0x1D800] =	vst v63  }
0x262: {  	_ =	swait.ge [sflag:s16], $0x2800  }
0x263: {  	[sflag:s16] =	ssyncset.done $0x0  }
0x264: {  	[sflag:s16] =	ssyncadd.s32 $0xFFFFD800  }
0x265: {  	_ =	swait.ge [sflag:s23], $0x2800  }
0x266: {  	[sflag:s23] =	ssyncset.done $0x0  }
0x267: {  	s13 =	rddreg [dreg:$0xa];
	[sflag:s23] =	ssyncadd.s32 $0xFFFFD800  }
0x268: {  	[tilespmem:s19], [sflag:$0x2] =	stream.indirect.gather [hbm4b:s2+s18], $0x80, s13, s18, $0xb8;
	[tilespmem:$0x1D800] =	vst v63  }
0x269: {  	s14 =	rddreg [dreg:$0xb]  }
0x26a: {  	[spmem:s3] =	stream.indirect.scatter.add.f32 [tilespmem:s21], [sflag:$0x4], $0x80, s14, s18, $0xb8;
	[tilespmem:$0x1D800] =	vst v63  }
0x26b: {  	_ =	swait.ge [sflag:s16], $0x2800  }
0x26c: {  	[sflag:s16] =	ssyncset.done $0x0  }
0x26d: {  	[sflag:s16] =	ssyncadd.s32 $0xFFFFD800  }
0x26e: {  	_ =	swait.ge [sflag:s20], $0x2800  }
0x26f: {  	[sflag:s20] =	ssyncset.done $0x0  }
0x270: {  	s13 =	rddreg [dreg:$0xc];
	[sflag:s20] =	ssyncadd.s32 $0xFFFFD800  }
0x271: {  	[tilespmem:s21], [sflag:$0x3] =	stream.indirect.gather [hbm4b:s2+s18], $0x80, s13, s18, $0xb8;
	[tilespmem:$0x1D800] =	vst v63  }
0x272: {  	s14 =	rddreg [dreg:$0xd]  }
0x273: {  	[spmem:s3] =	stream.indirect.scatter.add.f32 [tilespmem:s15], [sflag:$0x4], $0x80, s14, s18, $0xb8;
	[tilespmem:$0x1D800] =	vst v63  }
0x274: {  	_ =	swait.ge [sflag:s16], $0x2800  }
0x275: {  	[sflag:s16] =	ssyncset.done $0x0  }
0x276: {  	[sflag:s16] =	ssyncadd.s32 $0xFFFFD800  }
0x277: {  	_ =	swait.ge [sflag:s22], $0x2800  }
0x278: {  	[sflag:s22] =	ssyncset.done $0x0  }
0x279: {  	s13 =	rddreg [dreg:$0xe];
	[sflag:s22] =	ssyncadd.s32 $0xFFFFD800  }
0x27a: {  	[tilespmem:s15], [sflag:$0x1] =	stream.indirect.gather [hbm4b:s2+s18], $0x80, s13, s18, $0xb8;
	[tilespmem:$0x1D800] =	vst v63  }
0x27b: {  	s14 =	rddreg [dreg:$0xf]  }
0x27c: {  	[spmem:s3] =	stream.indirect.scatter.add.f32 [tilespmem:s19], [sflag:$0x4], $0x80, s14, s18, $0xb8;
	[tilespmem:$0x1D800] =	vst v63  }
0x27d: {  	_ =	swait.ge [sflag:s16], $0x2800  }
0x27e: {  	[sflag:s16] =	ssyncset.done $0x0  }
0x27f: {  	[sflag:s16] =	ssyncadd.s32 $0xFFFFD800  }
0x280: {  	_ =	swait.ge [sflag:s23], $0x2800  }
0x281: {  	[sflag:s23] =	ssyncset.done $0x0  }
0x282: {  	s13 =	rddreg [dreg:$0x10];
	[sflag:s23] =	ssyncadd.s32 $0xFFFFD800  }
0x283: {  	[tilespmem:s19], [sflag:$0x2] =	stream.indirect.gather [hbm4b:s2+s18], $0x80, s13, s18, $0xb8;
	[tilespmem:$0x1D800] =	vst v63  }
0x284: {  	s14 =	rddreg [dreg:$0x11]  }
0x285: {  	[spmem:s3] =	stream.indirect.scatter.add.f32 [tilespmem:s21], [sflag:$0x4], $0x80, s14, s18, $0xb8;
	[tilespmem:$0x1D800] =	vst v63  }
0x286: {  	_ =	swait.ge [sflag:s16], $0x2800  }
0x287: {  	[sflag:s16] =	ssyncset.done $0x0  }
0x288: {  	[sflag:s16] =	ssyncadd.s32 $0xFFFFD800  }
0x289: {  	_ =	swait.ge [sflag:s20], $0x2800  }
0x28a: {  	[sflag:s20] =	ssyncset.done $0x0  }
0x28b: {  	s13 =	rddreg [dreg:$0x12];
	[sflag:s20] =	ssyncadd.s32 $0xFFFFD800  }
0x28c: {  	[tilespmem:s21], [sflag:$0x3] =	stream.indirect.gather [hbm4b:s2+s18], $0x80, s13, s18, $0xb8;
	[tilespmem:$0x1D800] =	vst v63  }
0x28d: {  	s14 =	rddreg [dreg:$0x13]  }
0x28e: {  	[spmem:s3] =	stream.indirect.scatter.add.f32 [tilespmem:s15], [sflag:$0x4], $0x80, s14, s18, $0xb8;
	[tilespmem:$0x1D800] =	vst v63  }
0x28f: {  	_ =	swait.ge [sflag:s16], $0x2800  }
0x290: {  	[sflag:s16] =	ssyncset.done $0x0  }
0x291: {  	[sflag:s16] =	ssyncadd.s32 $0xFFFFD800  }
0x292: {  	_ =	swait.ge [sflag:s22], $0x2800  }
0x293: {  	[sflag:s22] =	ssyncset.done $0x0  }
0x294: {  	s13 =	rddreg [dreg:$0x14];
	[sflag:s22] =	ssyncadd.s32 $0xFFFFD800  }
0x295: {  	[tilespmem:s15], [sflag:$0x1] =	stream.indirect.gather [hbm4b:s2+s18], $0x80, s13, s18, $0xb8;
	[tilespmem:$0x1D800] =	vst v63  }
0x296: {  	s14 =	rddreg [dreg:$0x15]  }
0x297: {  	[spmem:s3] =	stream.indirect.scatter.add.f32 [tilespmem:s19], [sflag:$0x4], $0x80, s14, s18, $0xb8;
	[tilespmem:$0x1D800] =	vst v63  }
0x298: {  	_ =	swait.ge [sflag:s16], $0x2800  }
0x299: {  	[sflag:s16] =	ssyncset.done $0x0  }
0x29a: {  	[sflag:s16] =	ssyncadd.s32 $0xFFFFD800  }
0x29b: {  	_ =	swait.ge [sflag:s23], $0x2800  }
0x29c: {  	[sflag:s23] =	ssyncset.done $0x0  }
0x29d: {  	s13 =	rddreg [dreg:$0x16];
	[sflag:s23] =	ssyncadd.s32 $0xFFFFD800  }
0x29e: {  	[tilespmem:s19], [sflag:$0x2] =	stream.indirect.gather [hbm4b:s2+s18], $0x80, s13, s18, $0xb8;
	[tilespmem:$0x1D800] =	vst v63  }
0x29f: {  	s14 =	rddreg [dreg:$0x17]  }
0x2a0: {  	[spmem:s3] =	stream.indirect.scatter.add.f32 [tilespmem:s21], [sflag:$0x4], $0x80, s14, s18, $0xb8;
	[tilespmem:$0x1D800] =	vst v63  }
0x2a1: {  	_ =	swait.ge [sflag:s16], $0x2800  }
0x2a2: {  	[sflag:s16] =	ssyncset.done $0x0  }
0x2a3: {  	[sflag:s16] =	ssyncadd.s32 $0xFFFFD800  }
0x2a4: {  	_ =	swait.ge [sflag:s20], $0x2800  }
0x2a5: {  	[sflag:s20] =	ssyncset.done $0x0  }
0x2a6: {  	s13 =	rddreg [dreg:$0x18];
	[sflag:s20] =	ssyncadd.s32 $0xFFFFD800  }
0x2a7: {  	[tilespmem:s21], [sflag:$0x3] =	stream.indirect.gather [hbm4b:s2+s18], $0x80, s13, s18, $0xb8;
	[tilespmem:$0x1D800] =	vst v63  }
0x2a8: {  	s14 =	rddreg [dreg:$0x19]  }
0x2a9: {  	[spmem:s3] =	stream.indirect.scatter.add.f32 [tilespmem:s15], [sflag:$0x4], $0x80, s14, s18, $0xb8;
	[tilespmem:$0x1D800] =	vst v63  }
0x2aa: {  	_ =	swait.ge [sflag:s16], $0x2800  }
0x2ab: {  	[sflag:s16] =	ssyncset.done $0x0  }
0x2ac: {  	[sflag:s16] =	ssyncadd.s32 $0xFFFFD800  }
0x2ad: {  	_ =	swait.ge [sflag:s22], $0x2800  }
0x2ae: {  	[sflag:s22] =	ssyncset.done $0x0  }
0x2af: {  	s13 =	rddreg [dreg:$0x1a];
	[sflag:s22] =	ssyncadd.s32 $0xFFFFD800  }
0x2b0: {  	[tilespmem:s15], [sflag:$0x1] =	stream.indirect.gather [hbm4b:s2+s18], $0x80, s13, s18, $0xb8;
	[tilespmem:$0x1D800] =	vst v63  }
0x2b1: {  	s14 =	rddreg [dreg:$0x1b]  }
0x2b2: {  	[spmem:s3] =	stream.indirect.scatter.add.f32 [tilespmem:s19], [sflag:$0x4], $0x80, s14, s18, $0xb8;
	[tilespmem:$0x1D800] =	vst v63  }
0x2b3: {  	_ =	swait.ge [sflag:s16], $0x2800  }
0x2b4: {  	[sflag:s16] =	ssyncset.done $0x0  }
0x2b5: {  	[sflag:s16] =	ssyncadd.s32 $0xFFFFD800  }
0x2b6: {  	_ =	swait.ge [sflag:s23], $0x2800  }
0x2b7: {  	[sflag:s23] =	ssyncset.done $0x0  }
0x2b8: {  	s13 =	rddreg [dreg:$0x1c];
	[sflag:s23] =	ssyncadd.s32 $0xFFFFD800  }
0x2b9: {  	[tilespmem:s19], [sflag:$0x2] =	stream.indirect.gather [hbm4b:s2+s18], $0x80, s13, s18, $0xb8;
	[tilespmem:$0x1D800] =	vst v63  }
0x2ba: {  	s14 =	rddreg [dreg:$0x1d]  }
0x2bb: {  	[spmem:s3] =	stream.indirect.scatter.add.f32 [tilespmem:s21], [sflag:$0x4], $0x80, s14, s18, $0xb8;
	[tilespmem:$0x1D800] =	vst v63  }
0x2bc: {  	_ =	swait.ge [sflag:s16], $0x2800  }
0x2bd: {  	[sflag:s16] =	ssyncset.done $0x0  }
0x2be: {  	[sflag:s16] =	ssyncadd.s32 $0xFFFFD800  }
0x2bf: {  	_ =	swait.ge [sflag:s20], $0x2800  }
0x2c0: {  	[sflag:s20] =	ssyncset.done $0x0  }
0x2c1: {  	s13 =	rddreg [dreg:$0x1e];
	[sflag:s20] =	ssyncadd.s32 $0xFFFFD800  }
0x2c2: {  	[tilespmem:s21], [sflag:$0x3] =	stream.indirect.gather [hbm4b:s2+s18], $0x80, s13, s18, $0xb8;
	[tilespmem:$0x1D800] =	vst v63  }
0x2c3: {  	s14 =	rddreg [dreg:$0x1f]  }
0x2c4: {  	[spmem:s3] =	stream.indirect.scatter.add.f32 [tilespmem:s15], [sflag:$0x4], $0x80, s14, s18, $0xb8;
	[tilespmem:$0x1D800] =	vst v63  }
0x2c5: {  	_ =	swait.ge [sflag:s16], $0x2800  }
0x2c6: {  	[sflag:s16] =	ssyncset.done $0x0  }
0x2c7: {  	[sflag:s16] =	ssyncadd.s32 $0xFFFFD800  }
0x2c8: {  	_ =	swait.ge [sflag:s22], $0x2800  }
0x2c9: {  	s13 =	sld [smem:$0x7F7]  }
0x2ca: {  	[sflag:s22] =	ssyncset.done $0x0  }
0x2cb: {  	s14 =	sld [smem:$0x7F8];
	[sflag:s22] =	ssyncadd.s32 $0xFFFFD800  }
0x2cc: {  	[tilespmem:s15], [sflag:$0x1] =	stream.indirect.gather [hbm4b:s2+s18], $0x80, s13, s18, $0xb8;
	[tilespmem:$0x1D800] =	vst v63  }
0x2cd: {  	_ = 	snop  }
0x2ce: {  	[spmem:s3] =	stream.indirect.scatter.add.f32 [tilespmem:s19], [sflag:$0x4], $0x80, s14, s18, $0xb8;
	[tilespmem:$0x1D800] =	vst v63  }
0x2cf: {  	_ =	swait.ge [sflag:s16], $0x2800  }
0x2d0: {  	[sflag:s16] =	ssyncset.done $0x0  }
0x2d1: {  	[sflag:s16] =	ssyncadd.s32 $0xFFFFD800  }
0x2d2: {  	_ =	swait.ge [sflag:s23], $0x2800  }
0x2d3: {  	s13 =	sld [smem:$0x7F9]  }
0x2d4: {  	[sflag:s23] =	ssyncset.done $0x0  }
0x2d5: {  	s14 =	sld [smem:$0x7FA];
	[sflag:s23] =	ssyncadd.s32 $0xFFFFD800  }
0x2d6: {  	[tilespmem:s19], [sflag:$0x2] =	stream.indirect.gather [hbm4b:s2+s18], $0x80, s13, s18, $0xb8;
	[tilespmem:$0x1D800] =	vst v63  }
0x2d7: {  	_ = 	snop  }
0x2d8: {  	[spmem:s3] =	stream.indirect.scatter.add.f32 [tilespmem:s21], [sflag:$0x4], $0x80, s14, s18, $0xb8;
	[tilespmem:$0x1D800] =	vst v63  }
0x2d9: {  	_ =	swait.ge [sflag:s16], $0x2800  }
0x2da: {  	[sflag:s16] =	ssyncset.done $0x0  }
0x2db: {  	[sflag:s16] =	ssyncadd.s32 $0xFFFFD800  }
0x2dc: {  	_ =	swait.ge [sflag:s20], $0x2800  }
0x2dd: {  	s12 =	sld [smem:$0x7FB]  }
0x2de: {  	[sflag:s20] =	ssyncset.done $0x0  }
0x2df: {  	s13 =	sld [smem:$0x7FC];
	[sflag:s20] =	ssyncadd.s32 $0xFFFFD800  }
0x2e0: {  	[tilespmem:s21], [sflag:$0x3] =	stream.indirect.gather [hbm4b:s2+s18], $0x80, s12, s18, $0xb8;
	[tilespmem:$0x1D800] =	vst v63  }
0x2e1: {  	_ = 	snop  }
0x2e2: {  	[spmem:s3] =	stream.indirect.scatter.add.f32 [tilespmem:s15], [sflag:$0x4], $0x80, s13, s18, $0xb8;
	[tilespmem:$0x1D800] =	vst v63  }
0x2e3: {  	_ =	swait.ge [sflag:s16], $0x2800  }
0x2e4: {  	[sflag:s16] =	ssyncset.done $0x0  }
0x2e5: {  	[sflag:s16] =	ssyncadd.s32 $0xFFFFD800  }
0x2e6: {  	_ =	swait.ge [sflag:s22], $0x2800  }
0x2e7: {  	s14 =	sld [smem:$0x7FD]  }
0x2e8: {  	[sflag:s22] =	ssyncset.done $0x0  }
0x2e9: {  	[sflag:s22] =	ssyncadd.s32 $0xFFFFD800  }
0x2ea: {  	[tilespmem:s15], [sflag:$0x1] =	stream.indirect.gather [hbm4b:s2+s18], $0x80, s14, s18, $0xb8;
	[tilespmem:$0x1D800] =	vst v63  }
0x2eb: {  	_ = 	snop  }
0x2ec: {  	[spmem:s3] =	stream.indirect.scatter.add.f32 [tilespmem:s19], [sflag:$0x4], $0x80, s24, s18, $0xb8;
	[tilespmem:$0x1D800] =	vst v63  }
0x2ed: {  	_ =	swait.ge [sflag:s16], $0x2800  }
0x2ee: {  	[sflag:s16] =	ssyncset.done $0x0  }
0x2ef: {  	[sflag:s16] =	ssyncadd.s32 $0xFFFFD800  }
0x2f0: {  	_ =	swait.ge [sflag:s23], $0x2800  }
0x2f1: {  	[sflag:s23] =	ssyncset.done $0x0  }
0x2f2: {  	[sflag:s23] =	ssyncadd.s32 $0xFFFFD800  }
0x2f3: {  	[tilespmem:s19], [sflag:$0x2] =	stream.indirect.gather [hbm4b:s2+s18], $0x80, s25, s18, $0xb8;
	[tilespmem:$0x1D800] =	vst v63  }
0x2f4: {  	_ = 	snop  }
0x2f5: {  	[spmem:s3] =	stream.indirect.scatter.add.f32 [tilespmem:s21], [sflag:$0x4], $0x80, s26, s18, $0xb8;
	[tilespmem:$0x1D800] =	vst v63  }
0x2f6: {  	_ =	swait.ge [sflag:s16], $0x2800  }
0x2f7: {  	[sflag:s16] =	ssyncset.done $0x0  }
0x2f8: {  	[sflag:s16] =	ssyncadd.s32 $0xFFFFD800  }
0x2f9: {  	_ =	swait.ge [sflag:s20], $0x2800  }
0x2fa: {  	[sflag:s20] =	ssyncset.done $0x0  }
0x2fb: {  	[sflag:s20] =	ssyncadd.s32 $0xFFFFD800  }
0x2fc: {  	[tilespmem:s21], [sflag:$0x3] =	stream.indirect.gather [hbm4b:s2+s18], $0x80, s28, s18, $0xb8;
	[tilespmem:$0x1D800] =	vst v63  }
0x2fd: {  	_ = 	snop  }
0x2fe: {  	[spmem:s3] =	stream.indirect.scatter.add.f32 [tilespmem:s15], [sflag:$0x4], $0x80, s29, s18, $0xb8;
	[tilespmem:$0x1D800] =	vst v63  }
0x2ff: {  	_ =	swait.ge [sflag:s16], $0x2800  }
0x300: {  	[sflag:s16] =	ssyncset.done $0x0  }
0x301: {  	[sflag:s16] =	ssyncadd.s32 $0xFFFFD800  }
0x302: {  	_ =	swait.ge [sflag:s22], $0x2800  }
0x303: {  	[sflag:s22] =	ssyncset.done $0x0  }
0x304: {  	[sflag:s22] =	ssyncadd.s32 $0xFFFFD800  }
0x305: {  	[tilespmem:s15], [sflag:$0x1] =	stream.indirect.gather [hbm4b:s2+s18], $0x80, s30, s18, $0xb8;
	[tilespmem:$0x1D800] =	vst v63  }
0x306: {  	_ = 	snop  }
0x307: {  	[spmem:s3] =	stream.indirect.scatter.add.f32 [tilespmem:s19], [sflag:$0x4], $0x80, s31, s18, $0xb8;
	[tilespmem:$0x1D800] =	vst v63  }
0x308: {  	_ =	swait.ge [sflag:s16], $0x2800  }
0x309: {  	[sflag:s16] =	ssyncset.done $0x0  }
0x30a: {  	[sflag:s16] =	ssyncadd.s32 $0xFFFFD800  }
0x30b: {  	_ =	swait.ge [sflag:s23], $0x2800  }
0x30c: {  	[sflag:s23] =	ssyncset.done $0x0  }
0x30d: {  	[sflag:s23] =	ssyncadd.s32 $0xFFFFD800  }
0x30e: {  	[tilespmem:s19], [sflag:$0x2] =	stream.indirect.gather [hbm4b:s2+s18], $0x80, s1, s18, $0xb8;
	[tilespmem:$0x1D800] =	vst v63  }
0x30f: {  	_ = 	snop  }
0x310: {  	[spmem:s3] =	stream.indirect.scatter.add.f32 [tilespmem:s21], [sflag:$0x4], $0x80, s0, s18, $0xb8;
	[tilespmem:$0x1D800] =	vst v63  }
0x311: {  	_ =	swait.ge [sflag:s16], $0x2800  }
0x312: {  	[sflag:s16] =	ssyncset.done $0x0  }
0x313: {  	[sflag:s16] =	ssyncadd.s32 $0xFFFFD800  }
0x314: {  	_ =	swait.ge [sflag:s20], $0x2800  }
0x315: {  	[sflag:s20] =	ssyncset.done $0x0  }
0x316: {  	[sflag:s20] =	ssyncadd.s32 $0xFFFFD800  }
0x317: {  	[tilespmem:s21], [sflag:$0x3] =	stream.indirect.gather [hbm4b:s2+s18], $0x80, s5, s18, $0xb8;
	[tilespmem:$0x1D800] =	vst v63  }
0x318: {  	_ = 	snop  }
0x319: {  	[spmem:s3] =	stream.indirect.scatter.add.f32 [tilespmem:s15], [sflag:$0x4], $0x80, s7, s18, $0xb8;
	[tilespmem:$0x1D800] =	vst v63  }
0x31a: {  	_ =	swait.ge [sflag:s16], $0x2800  }
0x31b: {  	[sflag:s16] =	ssyncset.done $0x0  }
0x31c: {  	[sflag:s16] =	ssyncadd.s32 $0xFFFFD800  }
0x31d: {  	_ =	swait.ge [sflag:s22], $0x2800  }
0x31e: {  	[sflag:s22] =	ssyncset.done $0x0  }
0x31f: {  	[sflag:s22] =	ssyncadd.s32 $0xFFFFD800  }
0x320: {  	[tilespmem:s15], [sflag:$0x1] =	stream.indirect.gather [hbm4b:s2+s18], $0x80, s8, s18, $0xb8;
	[tilespmem:$0x1D800] =	vst v63  }
0x321: {  	_ = 	snop  }
0x322: {  	[spmem:s3] =	stream.indirect.scatter.add.f32 [tilespmem:s19], [sflag:$0x4], $0x80, s9, s18, $0xb8;
	[tilespmem:$0x1D800] =	vst v63  }
0x323: {  	_ =	swait.ge [sflag:s16], $0x2800  }
0x324: {  	[sflag:s16] =	ssyncset.done $0x0  }
0x325: {  	[sflag:s16] =	ssyncadd.s32 $0xFFFFD800  }
0x326: {  	_ =	swait.ge [sflag:s23], $0x2800  }
0x327: {  	[sflag:s23] =	ssyncset.done $0x0  }
0x328: {  	[sflag:s23] =	ssyncadd.s32 $0xFFFFD800  }
0x329: {  	[spmem:s3] =	stream.indirect.scatter.add.f32 [tilespmem:s21], [sflag:$0x4], $0x80, s10, s18, $0xb8;
	[tilespmem:$0x1D800] =	vst v63  }
0x32a: {  	_ =	swait.ge [sflag:s16], $0x2800  }
0x32b: {  	[sflag:s16] =	ssyncset.done $0x0  }
0x32c: {  	[sflag:s16] =	ssyncadd.s32 $0xFFFFD800  }
0x32d: {  	_ =	swait.ge [sflag:s20], $0x2800  }
0x32e: {  	[sflag:s20] =	ssyncset.done $0x0  }
0x32f: {  	[sflag:s20] =	ssyncadd.s32 $0xFFFFD800  }
0x330: {  	[spmem:s3] =	stream.indirect.scatter.add.f32 [tilespmem:s15], [sflag:$0x4], $0x80, s11, s18, $0xb8;
	[tilespmem:$0x1D800] =	vst v63  }
0x331: {  	_ =	swait.ge [sflag:s16], $0x2800  }
0x332: {  	[sflag:s16] =	ssyncset.done $0x0  }
0x333: {  	[sflag:s16] =	ssyncadd.s32 $0xFFFFD800  }
0x334: {  	[bflag:$0x0] =	sbarrier.arrive $0xFFFF  }
0x335: {  	s13 =	sld [smem:$0x7F5]  }
0x336: {  	s12 =	stileid.u32;
	s14 =	sld [smem:$0x7ED]  }
0x337: {  	s6 =	sshll.u32 s12, $0x6  }
0x338: {  	s6 =	sor.u32 $0x1C04, s6;
	s12 =	sshrl.u32 s13, $0x3  }
0x339: {  	[hbm:s14], [sflag:s6] =	dma.local [spmem:s12], $0x2800  }
0x33a: {  	_ =	swait.ge [sflag:s16], $0x2800  }
0x33b: {  	s13 =	sld [smem:$0x7EC]  }
0x33c: {  	s14 =	sld [smem:$0x7EE];
	_ =	sdelay $0x1  }
0x33d: {  	s12 =	sadd.s32 $0x1, s13  }
0x33e: {  	p0 =	sne.s32 s12, s14  }
.Ltmp2:
0x33f: {  	_ = 	snop;
	(pc) =	sbr.rel @p0 .LBB2_1-.Ltmp2, $3  }
0x340: {  	_ =	sdelay $0x1  }
0x341: {  	[sflag:s16] =	ssyncset.done $0x0  }
0x342: {  	[sflag:s16] =	ssyncadd.s32 $0xFFFFD800  }
0x343: {  	_ =	sfence.sel $0x180000  }
0x344: {  	[bflag:$0x0] =	sbarrier.arrive $0xFFFF  }
0x345: {  	_ =	strace $0x9000004D  }
0x346: {  	s0 =	stileid.u32;
	[bflag:$0x2] =	sbarrier.arrive $0xFFFF  }
0x347: {  	p0 =	sne.s32 s0, $0x0;
	s0 =	rddreg [dreg:$0x3]  }
0x348: {  	s0 =	sadd.s32 @!p0 $0x100000, s0  }
0x349: {  	[sflag:s0] =	ssyncadd.tile.s32 @!p0 $0x1;
	_ =	shalt  }
.Lfunc_end2:
_tile_overlayer_lowered:
.L_overlay_start_2:
0x34a: {  	(tag) =	ssettag $0x2  }
0x34b: {  	s0 =	rddreg [dreg:$0x0];
	s2 =	stileid.u32  }
0x34c: {  	s1 =	rddreg [dreg:$0x1];
	p0 =	sne.s32 s2, $0x0  }
0x34d: {  	s3 =	rddreg [dreg:$0x2];
	[bflag:$0x3] =	sbarrier.arrive $0xFFFF;
	s2 =	simm.s32 @!p0 $0x1C04  }
0x34e: {  	[timem:s3], [sflag:s2] =	dma.local @!p0 [hbm:s0], s1  }
0x34f: {  	s0 =	simm.s32 @!p0 $0x4  }
0x350: {  	_ =	swait.ge @!p0 [sflag:s0], s1  }
0x351: {  	s1 =	ssub.s32 @!p0 $0x0, s1;
	[sflag:s0] =	ssyncset.done @!p0 $0x0  }
0x352: {  	[sflag:s0] =	ssyncadd.s32 @!p0 s1  }
0x353: {  	[bflag:$0x3] =	sbarrier.arrive $0xFFFF  }
0x354: {  	_ =	shalt  }

// kernel: kernel.8.cloned.1.call-start
scs
__scs_entry_jumppad:
0x0: {  	(pc) =	sbr.rel $0x88, $3  }
0x1: {  	(tag) =	ssettag $0x0;
	lr =	simm.s32 $0x1  }
0x2: {  	[smem:$0x3F9B] =	sst lr;
	_ =	strace $0xD0000000  }
0x3: {  	_ = 	snop  }
0x4: {  	_ = 	snop  }
0x5: {  	_ = 	snop  }
0x6: {  	_ = 	snop  }
0x7: {  	_ = 	snop  }
__scs_overlays_trampoline_lowered:
0x8: {  	[smem:$0x3FAA] =	sst s0  }
0x9: {  	[smem:$0x3FAB] =	sst s1  }
0xa: {  	[smem:$0x3FAC] =	sst s2  }
0xb: {  	[smem:$0x3FAD] =	sst s3  }
0xc: {  	[smem:$0x3FAE] =	sst s4  }
0xd: {  	[smem:$0x3FAF] =	sst s5  }
0xe: {  	[smem:$0x3FB0] =	sst s6  }
0xf: {  	[smem:$0x3FB1] =	sst s7  }
0x10: {  	[smem:$0x3FB2] =	sst s8  }
0x11: {  	[smem:$0x3FB3] =	sst s9;
	s0 =	simm.s32 @!p0 $0x0  }
0x12: {  	s1 =	sld [smem:$0x3F99];
	s0 =	simm.s32 @p0 $0x1  }
0x13: {  	[smem:$0x3FB4] =	sst s0;
	s0 =	simm.s32 @!p1 $0x0  }
0x14: {  	s2 =	sld [smem:$0x3F98];
	s0 =	simm.s32 @p1 $0x1  }
0x15: {  	[smem:$0x3FB5] =	sst s0;
	s0 =	simm.s32 @!p2 $0x0  }
0x16: {  	s3 =	sld [smem:$0x3FDB];
	s0 =	simm.s32 @p2 $0x1  }
0x17: {  	s4 =	simm.s32 $0x1BF5;
	[smem:$0x3FB7] =	sst s0  }
0x18: {  	s0 =	sld [smem:$0x3F9A];
	_ =	swait.ge [sflag:s4], $0x0  }
0x19: {  	s7 =	sld [smem:$0x3F9B]  }
0x1a: {  	s8 =	sadd.s32 $0xFFFFE003, lr  }
0x1b: {  	s9 =	sadd.s32 $0xFFFFFEF7, lr;
	s5 =	simm.s32 $0xFFFFFFFF;
	p2 =	slt.u32 s8, $0xFFFFF086  }
0x1c: {  	p1 =	slt.u32 s9, $0xF7A;
	s5 =	simm.s32 @!p2 $0x0  }
0x1d: {  	s5 =	simm.s32 @p1 $0x1;
	p0 =	seq.s32 s7, s2  }
0x1e: {  	s7 =	smul.u32 @!p0 $0xF7A, s2;
	p2 =	seq.s32 @!p0 s5, $0x0  }
0x1f: {  	s9 =	smul.u32 $0xF7A, s1;
	s8 =	simm.s32 @!p0 $0x1BF5;
	p2 =	por !p2, p0  }
0x20: {  	[sflag:s8] =	ssyncset.s32 @!p0 $0xFFFFF086;
	s6 =	sadd.s32 @!p0 s3, s7;
	s7 =	simm.s32 @!p0 $0x108  }
0x21: {  	s3 =	sadd.s32 s3, s9;
	s6 =	sadd.s32 @!p0 $0x88, s6;
	s7 =	simm.s32 @p2 $0x1082  }
0x22: {  	[simem:s7], [sflag:s8] =	dma.local @!p0 [hbm:s6], $0xF7A  }
0x23: {  	s9 =	sor.u32 $0xD0000000, s2;
	s6 =	simm.s32 $0x108;
	_ =	swait.ge @!p0 [sflag:s8], $0x0  }
0x24: {  	s3 =	sadd.s32 $0x88, s3;
	s6 =	simm.s32 @!p1 $0x1082;
	[sflag:s4] =	ssyncset.s32 $0xFFFFF086  }
0x25: {  	[simem:s6], [sflag:s4] =	dma.local [hbm:s3], $0xF7A  }
0x26: {  	[smem:$0x3F9B] =	sst s1;
	(tag) =	ssettag s2;
	_ =	strace s9  }
0x27: {  	s1 =	sld [smem:$0x3FAB]  }
0x28: {  	s2 =	sld [smem:$0x3FAC]  }
0x29: {  	s4 =	sld [smem:$0x3FAE]  }
0x2a: {  	p0 =	seq.s32 s5, $0x0;
	s5 =	sld [smem:$0x3FAF]  }
0x2b: {  	s6 =	sld [smem:$0x3FB0]  }
0x2c: {  	s7 =	sld [smem:$0x3FB1]  }
0x2d: {  	s3 =	simm.s32 $0x108;
	s8 =	sld [smem:$0x3FB2]  }
0x2e: {  	s3 =	simm.s32 @!p0 $0x1082;
	s9 =	sld [smem:$0x3FB3]  }
0x2f: {  	lr =	sadd.s32 s0, s3;
	s0 =	sld [smem:$0x3FAA]  }
0x30: {  	s3 =	sld [smem:$0x3FAD]  }
0x31: {  	[smem:$0x3FB6] =	sst s10  }
0x32: {  	s10 =	sld [smem:$0x3FB4];
	_ =	sdelay $0x3  }
0x33: {  	p0 =	seq.s32 s10, $0x1;
	s10 =	sld [smem:$0x3FB6];
	_ =	sdelay $0x3  }
0x34: {  	[smem:$0x3FB6] =	sst s10  }
0x35: {  	s10 =	sld [smem:$0x3FB5];
	_ =	sdelay $0x3  }
0x36: {  	p1 =	seq.s32 s10, $0x1;
	s10 =	sld [smem:$0x3FB6];
	_ =	sdelay $0x3  }
0x37: {  	[smem:$0x3FB6] =	sst s10  }
0x38: {  	s10 =	sld [smem:$0x3FB7]  }
0x39: {  	_ = 	snop;
	(pc) =	sbr.ind lr, $3  }
0x3a: {  	_ = 	snop  }
0x3b: {  	_ = 	snop  }
0x3c: {  	p2 =	seq.s32 s10, $0x1;
	s10 =	sld [smem:$0x3FB6]  }
0x3d: {  	_ =	shalt  }
0x3e: {  	_ =	shalt  }
0x3f: {  	_ =	shalt  }
0x40: {  	_ =	shalt  }
0x41: {  	_ =	shalt  }
0x42: {  	_ =	shalt  }
0x43: {  	_ =	shalt  }
0x44: {  	_ =	shalt  }
0x45: {  	_ =	shalt  }
0x46: {  	_ =	shalt  }
0x47: {  	_ =	shalt  }
0x48: {  	_ =	shalt  }
0x49: {  	_ =	shalt  }
0x4a: {  	_ =	shalt  }
0x4b: {  	_ =	shalt  }
0x4c: {  	_ =	shalt  }
0x4d: {  	_ =	shalt  }
0x4e: {  	_ =	shalt  }
0x4f: {  	_ =	shalt  }
0x50: {  	_ =	shalt  }
0x51: {  	_ =	shalt  }
0x52: {  	_ =	shalt  }
0x53: {  	_ =	shalt  }
0x54: {  	_ =	shalt  }
0x55: {  	_ =	shalt  }
0x56: {  	_ =	shalt  }
0x57: {  	_ =	shalt  }
0x58: {  	_ =	shalt  }
0x59: {  	_ =	shalt  }
0x5a: {  	_ =	shalt  }
0x5b: {  	_ =	shalt  }
0x5c: {  	_ =	shalt  }
0x5d: {  	_ =	shalt  }
0x5e: {  	_ =	shalt  }
0x5f: {  	_ =	shalt  }
0x60: {  	_ =	shalt  }
0x61: {  	_ =	shalt  }
0x62: {  	_ =	shalt  }
0x63: {  	_ =	shalt  }
0x64: {  	_ =	shalt  }
0x65: {  	_ =	shalt  }
0x66: {  	_ =	shalt  }
0x67: {  	_ =	shalt  }
0x68: {  	_ =	shalt  }
0x69: {  	_ =	shalt  }
0x6a: {  	_ =	shalt  }
0x6b: {  	_ =	shalt  }
0x6c: {  	_ =	shalt  }
0x6d: {  	_ =	shalt  }
0x6e: {  	_ =	shalt  }
0x6f: {  	_ =	shalt  }
0x70: {  	_ =	shalt  }
0x71: {  	_ =	shalt  }
0x72: {  	_ =	shalt  }
0x73: {  	_ =	shalt  }
0x74: {  	_ =	shalt  }
0x75: {  	_ =	shalt  }
0x76: {  	_ =	shalt  }
0x77: {  	_ =	shalt  }
0x78: {  	_ =	shalt  }
0x79: {  	_ =	shalt  }
0x7a: {  	_ =	shalt  }
0x7b: {  	_ =	shalt  }
0x7c: {  	_ =	shalt  }
0x7d: {  	_ =	shalt  }
0x7e: {  	_ =	shalt  }
0x7f: {  	_ =	shalt  }
0x80: {  	_ =	shalt  }
0x81: {  	_ =	shalt  }
0x82: {  	_ =	shalt  }
0x83: {  	_ =	shalt  }
0x84: {  	_ =	shalt  }
0x85: {  	_ =	shalt  }
0x86: {  	_ =	shalt  }
0x87: {  	_ =	shalt  }
.Lfunc_end0:
.L_simem_size_0:
called_computation_lowered:
.L_overlay_start_0:
0x88: {  	s2 =	sld [smem:$0x3FD9]  }
0x89: {  	s3 =	sld [smem:$0x3FFE];
	_ =	sdelay $0x1  }
0x8a: {  	s1 =	srdreg.scid  }
0x8b: {  	s0 =	sand.u32 $0x1, s1  }
0x8c: {  	s17 =	sshll.u32 s0, $0xA;
	s2 =	sadd.s32 s3, s2  }
0x8d: {  	s2 =	sadd.s32 s2, s17  }
0x8e: {  	[smem:$0x3FC2] =	sst s2  }
0x8f: {  	_ = 	snop  }
0x90: {  	s2 =	sld [smem:$0x3FD0];
	(tm) =	ssettm $0x1  }
0x91: {  	s18 =	sld [smem:$0x3FFB];
	_ =	sdelay $0x3  }
0x92: {  	_ =	strace s18  }
0x93: {  	s3 =	sld [smem:$0x3FFC];
	_ =	sdelay $0x3  }
0x94: {  	_ =	strace s3  }
0x95: {  	s3 =	sld [smem:$0x3FFD];
	_ =	sdelay $0x3  }
0x96: {  	_ =	strace s3  }
0x97: {  	_ =	strace $0x8FFFFFFF  }
0x98: {  	s19 =	sld [smem:$0x3FDB];
	_ =	sdelay $0x1  }
0x99: {  	s4 =	simm.s32 $_scs_section_size  }
0x9a: {  	s5 =	simm.s32 $_size__tile_overlayer_lowered;
	s6 =	simm.s32 $_tile_overlayer_lowered  }
0x9b: {  	s22 =	simm.s32 $0x1BFF;
	s21 =	sshll.u32 s6, $0x1;
	s3 =	sadd.s32 s4, s19  }
0x9c: {  	s7 =	simm.s32 $0x0;
	s20 =	sshll.u32 s5, $0x1;
	s5 =	sadd.s32 s21, s3  }
0x9d: {  	[timem:s7], [sflag:s22] =	dma.local [hbm:s5], s20  }
0x9e: {  	_ =	swait.ge [sflag:s22], s20  }
0x9f: {  	s4 =	ssub.s32 $0x0, s20;
	[sflag:s22] =	ssyncset.done $0x0  }
0xa0: {  	[sflag:s22] =	ssyncadd.s32 s4;
	_ =	sdelay $0x1  }
0xa1: {  	s23 =	simm.s32 $0x1B8B  }
0xa2: {  	_ =	swait.ge [sflag:s23], $0x1  }
0xa3: {  	[sflag:s23] =	ssyncset.done $0x0  }
0xa4: {  	s25 =	simm.s32 $0x1B8E;
	s24 =	sld [smem:$0x3FFE];
	[sflag:s23] =	ssyncadd.s32 $0xFFFFFFFF  }
0xa5: {  	s26 =	simm.s32 $execute0_lowered;
	[smem:$0x3FD2] =	sst s25  }
0xa6: {  	s5 =	sshll.u32 s26, $0x1;
	_ =	strace $0x80000046;
	[dreg:$0x1] =	wrdreg $0xFFFFFFFF  }
0xa7: {  	s28 =	simm.s32 $_size_execute0_lowered;
	s3 =	sadd.s32 s3, s5;
	[dreg:$0x0] =	wrdreg $0x0  }
0xa8: {  	s5 =	sshll.u32 s28, $0x1;
	[dreg:$0x2] =	wrdreg s3  }
0xa9: {  	[dreg:$0x3] =	wrdreg s5  }
0xaa: {  	[dreg:$0x4] =	wrdreg $0xC0  }
0xab: {  	_ =	task [dreg:s7], $0x5FFFF  }
0xac: {  	[dreg:$0x1] =	wrdreg $0xFFFFFFFF  }
0xad: {  	[dreg:$0x0] =	wrdreg $0x60  }
0xae: {  	[dreg:$0x2] =	wrdreg s2  }
0xaf: {  	[dreg:$0x3] =	wrdreg s24  }
0xb0: {  	[dreg:$0x4] =	wrdreg $0x43000  }
0xb1: {  	[dreg:$0x5] =	wrdreg $0x9  }
0xb2: {  	_ =	task.clear_ibuf [dreg:s7], $0x6FFFF;
	_ =	strace $0x90000046  }
0xb3: {  	s29 =	simm.s32 $0x9;
	_ =	strace $0x80000048  }
0xb4: {  	_ =	swait.ge [sflag:s29], $0x1  }
0xb5: {  	[sflag:s29] =	ssyncadd.s32 $0xFFFFFFFF  }
0xb6: {  	_ =	strace $0x90000048  }
0xb7: {  	_ =	sfence  }
0xb8: {  	s30 =	sld [smem:$0x0];
	_ =	sdelay $0x2  }
0xb9: {  	s31 =	sshll.u32 s1, $0xD;
	s1 =	sshrl.u32 s1, $0x2  }
0xba: {  	s3 =	sand.u32 $0x4000, s31;
	s1 =	sadd.s32 s1, s30  }
0xbb: {  	s0 =	sor.u32 s3, s0;
	s1 =	sshll.u32 s1, $0x11  }
0xbc: {  	s0 =	sor.u32 s1, s0  }
0xbd: {  	s0 =	sadd.s32 $0x8F2B, s0  }
0xbe: {  	[sflag:s0] =	ssyncadd.remote.s32 $0x1  }
0xbf: {  	_ =	sfence.sel $0xFFFF  }
0xc0: {  	[dreg:$0x0] =	wrdreg $0xFFFFFFFF;
	(pc) =	sbr.abs _section_cstart, $3  }
0xc1: {  	[dreg:$0x1] =	wrdreg $0xFFFFFFFF  }
0xc2: {  	_ =	task.clear_ibuf [dreg:s7], $0x2FFFF;
	_ =	strace $0x9FFFFFFF  }
0xc3: {  	(tm) =	ssettm $0x7FFFFFFF  }
tec
execute0_lowered:
.L_overlay_start_1:
0x0: {  	(tag) =	ssettag $0x1  }
0x1: {  	s4 =	rddreg [dreg:$0x0]  }
0x2: {  	s5 =	rddreg [dreg:$0x1]  }
0x3: {  	s2 =	rddreg [dreg:$0x2]  }
0x4: {  	s0 =	rddreg [dreg:$0x3];
	s6 =	srdreg.scid  }
0x5: {  	s1 =	stileid.u32;
	s3 =	simm.s32 $0x0;
	s11 =	simm.s32 $0x4000  }
0x6: {  	s12 =	simm.s32 $0x1;
	s15 =	simm.s32 $0x20;
	s16 =	simm.s32 $0x10  }
0x7: {  	s17 =	simm.s32 $0x0;
	s6 =	sand.u32 $0x1, s6;
	s7 =	smul.u32 $0x500, s1  }
0x8: {  	[smem:$0x7FF] =	sst s3;
	s10 =	smul.u32 $0xA00, s1;
	s30 =	sshll.u32 s1, $0xC  }
0x9: {  	s13 =	sshll.u32 s1, $0x6;
	s8 =	sshll.u32 s6, $0x7;
	_ =	strace $0x80000047  }
0xa: {  	s28 =	ssub.s32 $0x2, s6;
	s29 =	sshll.u32 s6, $0xB;
	s13 =	sor.u32 $0x1C02, s13  }
0xb: {  	s7 =	sor.u32 s8, s7;
	s9 =	sshrl.u32 s28, $0x1;
	s4 =	sadd.s32 s4, s29  }
0xc: {  	s31 =	sshrl.u32 s10, $0x2;
	s10 =	simm.s32 $0x50;
	s7 =	sshrl.u32 s7, $0x3  }
0xd: {  	s8 =	ssub.s32 s28, s9;
	s4 =	sadd.s32 s30, s4;
	s7 =	sadd.s32 s7, s5  }
0xe: {  	s9 =	simm.s32 $0x4080;
	s5 =	sadd.s32 s31, s2;
	s6 =	sadd.s32 $0x1E00, s7  }
0xf: {  	v0 =	vimm.f32 $1.000000000e+00;
	v1 =	vimm.f32 $0.0e+00;
	s7 =	smax.u32 s8, $0x1;
	s8 =	simm.s32 $0x2;
	s14 =	sshrl.u32 s5, $0x3  }
.LBB2_1:
0x10: {  	[tilespmem:s3], [sflag:$0x2] =	stream.linear.gather [hbm4b:s4+s3], $0x3E80, $0x38;
	[tilespmem:$0x4580] =	vst v63  }
0x11: {  	_ =	swait.ge [sflag:s8], $0x3E80  }
0x12: {  	[sflag:s8] =	ssyncset.done $0x0  }
0x13: {  	[sflag:s8] =	ssyncadd.s32 $0xFFFFC180  }
0x14: {  	[tilespmem:$0x4000] =	vst v0  }
0x15: {  	[tilespmem:$0x4010] =	vst v0  }
0x16: {  	[tilespmem:$0x4020] =	vst v0  }
0x17: {  	[tilespmem:$0x4030] =	vst v0  }
0x18: {  	[tilespmem:$0x4040] =	vst v0  }
0x19: {  	[tilespmem:$0x4080] =	vst v1  }
0x1a: {  	[tilespmem:$0x4090] =	vst v1  }
0x1b: {  	[tilespmem:$0x40A0] =	vst v1  }
0x1c: {  	[tilespmem:$0x40B0] =	vst v1  }
0x1d: {  	[tilespmem:$0x40C0] =	vst v1  }
0x1e: {  	[tilespmem:$0x40D0] =	vst v1  }
0x1f: {  	[tilespmem:$0x40E0] =	vst v1  }
0x20: {  	[tilespmem:$0x40F0] =	vst v1  }
0x21: {  	[tilespmem:$0x4100] =	vst v1  }
0x22: {  	[tilespmem:$0x4110] =	vst v1  }
0x23: {  	[tilespmem:$0x4120] =	vst v1  }
0x24: {  	[tilespmem:$0x4130] =	vst v1  }
0x25: {  	[tilespmem:$0x4140] =	vst v1  }
0x26: {  	[tilespmem:$0x4150] =	vst v1  }
0x27: {  	[tilespmem:$0x4160] =	vst v1  }
0x28: {  	[tilespmem:$0x4170] =	vst v1  }
0x29: {  	[tilespmem:$0x4180] =	vst v1  }
0x2a: {  	[tilespmem:$0x4190] =	vst v1  }
0x2b: {  	[tilespmem:$0x41A0] =	vst v1  }
0x2c: {  	[tilespmem:$0x41B0] =	vst v1  }
0x2d: {  	[tilespmem:$0x41C0] =	vst v1  }
0x2e: {  	[tilespmem:$0x41D0] =	vst v1  }
0x2f: {  	[tilespmem:$0x41E0] =	vst v1  }
0x30: {  	[tilespmem:$0x41F0] =	vst v1  }
0x31: {  	[tilespmem:$0x4200] =	vst v1  }
0x32: {  	[tilespmem:$0x4210] =	vst v1  }
0x33: {  	[tilespmem:$0x4220] =	vst v1  }
0x34: {  	[tilespmem:$0x4230] =	vst v1  }
0x35: {  	[tilespmem:$0x4240] =	vst v1  }
0x36: {  	[tilespmem:$0x4250] =	vst v1  }
0x37: {  	[tilespmem:$0x4260] =	vst v1  }
0x38: {  	[tilespmem:$0x4270] =	vst v1  }
0x39: {  	[tilespmem:$0x4280] =	vst v1  }
0x3a: {  	[tilespmem:$0x4290] =	vst v1  }
0x3b: {  	[tilespmem:$0x42A0] =	vst v1  }
0x3c: {  	[tilespmem:$0x42B0] =	vst v1  }
0x3d: {  	[tilespmem:$0x42C0] =	vst v1  }
0x3e: {  	[tilespmem:$0x42D0] =	vst v1  }
0x3f: {  	[tilespmem:$0x42E0] =	vst v1  }
0x40: {  	[tilespmem:$0x42F0] =	vst v1  }
0x41: {  	[spmem:s5] =	stream.linear.scatter [tilespmem:s9], [sflag:$0x2], $0x280, $0x38;
	[tilespmem:$0x4580] =	vst v63  }
0x42: {  	_ =	swait.ge [sflag:s8], $0x280  }
0x43: {  	[sflag:s8] =	ssyncset.done $0x0  }
0x44: {  	[sflag:s8] =	ssyncadd.s32 $0xFFFFFD80  }
0x45: {  	s18 =	simm.s32 $0x0;
	[bflag:$0x0] =	sbarrier.arrive $0xFFFF  }
.LBB2_2:
0x46: {  	p0 =	sne.s32 s18, $0xF800  }
.Ltmp0:
0x47: {  	_ = 	snop;
	(pc) =	sbr.rel @p0 .LBB2_2-.Ltmp0, $3  }
0x48: {  	_ =	sdelay $0x1  }
0x49: {  	s19 =	sshra.s32 s18, $0x2;
	s18 =	sadd.s32 $0x200, s18  }
0x4a: {  	[spmem:s2] =	stream.indirect.scatter.add.f32 [tilespmem:s11], [sflag:$0x1], $0x1, s19, s10, $0xb8;
	[tilespmem:$0x4580] =	vst v63  }
0x4b: {  	_ =	swait.ge [sflag:s12], $0x50  }
0x4c: {  	s18 =	simm.s32 $0x7C;
	[sflag:s12] =	ssyncset.done $0x0  }
.LBB2_4:
0x4d: {  	p0 =	sne.s32 s18, $0x1;
	s18 =	sadd.s32 $0xFFFFFFFF, s18;
	[sflag:s12] =	ssyncadd.s32 $0xFFFFFFB0  }
.Ltmp1:
0x4e: {  	(pc) =	sbr.rel @p0 .LBB2_4-.Ltmp1, $3  }
0x4f: {  	_ =	sdelay $0x1  }
0x50: {  	_ =	swait.ge [sflag:s12], $0x50  }
0x51: {  	[sflag:s12] =	ssyncset.done $0x0  }
0x52: {  	s17 =	sadd.s32 $0x1, s17  }
0x53: {  	[sflag:s12] =	ssyncadd.s32 $0xFFFFFFB0;
	p0 =	sne.s32 s17, s7  }
.Ltmp2:
0x54: {  	[bflag:$0x0] =	sbarrier.arrive $0xFFFF;
	(pc) =	sbr.rel @p0 .LBB2_1-.Ltmp2, $4  }
0x55: {  	[hbm:s6@s15], [sflag:s13] =	dma.strided [spmem:s14@s16], $0x50, s12, $0x10   }
0x56: {  	_ =	swait.ge [sflag:s8], $0x50  }
0x57: {  	[sflag:s8] =	ssyncset.done $0x0  }
0x58: {  	[sflag:s8] =	ssyncadd.s32 $0xFFFFFFB0  }
0x59: {  	_ =	sfence.sel $0x180000  }
0x5a: {  	[bflag:$0x0] =	sbarrier.arrive $0xFFFF  }
0x5b: {  	p0 =	sne.s32 s1, $0x0;
	_ =	strace $0x90000047  }
0x5c: {  	s0 =	sadd.s32 @!p0 $0x100000, s0;
	[bflag:$0x2] =	sbarrier.arrive $0xFFFF  }
0x5d: {  	[sflag:s0] =	ssyncadd.tile.s32 @!p0 $0x1;
	_ =	shalt  }
.Lfunc_end2:
_tile_overlayer_lowered:
.L_overlay_start_2:
0x5e: {  	(tag) =	ssettag $0x2  }
0x5f: {  	s0 =	rddreg [dreg:$0x0];
	s2 =	stileid.u32  }
0x60: {  	s1 =	rddreg [dreg:$0x1];
	p0 =	sne.s32 s2, $0x0  }
0x61: {  	s3 =	rddreg [dreg:$0x2];
	[bflag:$0x3] =	sbarrier.arrive $0xFFFF;
	s2 =	simm.s32 @!p0 $0x1C02  }
0x62: {  	[timem:s3], [sflag:s2] =	dma.local @!p0 [hbm:s0], s1  }
0x63: {  	s0 =	simm.s32 @!p0 $0x2  }
0x64: {  	_ =	swait.ge @!p0 [sflag:s0], s1  }
0x65: {  	s1 =	ssub.s32 @!p0 $0x0, s1;
	[sflag:s0] =	ssyncset.done @!p0 $0x0  }
0x66: {  	[sflag:s0] =	ssyncadd.s32 @!p0 s1  }
0x67: {  	[bflag:$0x3] =	sbarrier.arrive $0xFFFF  }
0x68: {  	_ =	shalt  }

</sc_bundles>
